<compile_context>
chip_gen: v7x
topology: tpu7x:2x2x1
jax: 0.10.2.dev20260603
libtpu: 0.0.44.dev20260713+nightly
codegen_flags: <defaults>
</compile_context>

<pallas_src>
import jax
import jax.numpy as jnp
from jax import lax
from jax.experimental import pallas as pl
from jax.experimental.pallas import tpu as pltpu
from jax.experimental.pallas import tpu_sc as plsc

NUM_EXPERTS = 64
K = 8
BS = 32768
NUM_CORES = 2
NUM_SUBCORES = 16
NW = NUM_CORES * NUM_SUBCORES
BPW = BS // NW
IDX_CHUNK = 128
NCHUNK = BPW // IDX_CHUNK
HCHUNK = NCHUNK // 2
LANES = 16
ETILES = NUM_EXPERTS // 8


def _body(ids_hbm, w0_hbm, w1_hbm, out_hbm, ids_v, b0_v, b1_v, out_v,
          sem_a, sem_b, osem):
    c = lax.axis_index("c")
    s = lax.axis_index("s")
    wid = c * NUM_SUBCORES + s

    pltpu.sync_copy(ids_hbm.at[wid], ids_v)

    gathers = {0: [], 1: []}
    for j in range(NCHUNK):
        hf = j // HCHUNK
        sem = sem_a if hf == 0 else sem_b
        sl = pl.ds(j * IDX_CHUNK, IDX_CHUNK)
        gathers[hf].append(
            pltpu.async_copy(w0_hbm.at[ids_v.at[j]], b0_v.at[sl], sem)
        )
        gathers[hf].append(
            pltpu.async_copy(w1_hbm.at[ids_v.at[j]], b1_v.at[sl], sem)
        )

    zeros = jnp.zeros((LANES,), jnp.int32)

    def zero_body(r, carry):
        for cc in range(8):
            for k in range(8):
                out_v[r, cc, pl.ds(k * LANES, LANES)] = zeros
        return carry

    lax.fori_loop(0, NUM_EXPERTS, zero_body, 0, unroll=2)

    lane = lax.broadcasted_iota(jnp.int32, (LANES,), 0)
    ones = jnp.full((LANES,), 1, jnp.int32)
    m56 = jnp.full((LANES,), 56, jnp.int32)
    m7 = jnp.full((LANES,), 7, jnp.int32)

    def scat_body(i, carry):
        tc = lax.shift_right_logical(i, 3)
        t128 = lane + lax.shift_left(i & 7, 4)
        sl = pl.ds(LANES * i, LANES)
        for bv in (b0_v, b1_v):
            v = bv[sl]
            for m in range(4):
                vs = lax.shift_right_logical(v, 8 * m) if m else v
                plsc.store_scatter(
                    out_v, [(vs & m56) + tc, vs & m7, t128], ones
                )
        return carry

    out_cps = []
    for hf in range(2):
        for cp in gathers[hf]:
            cp.wait()
        lax.fori_loop(
            hf * (BPW // 2 // LANES),
            (hf + 1) * (BPW // 2 // LANES),
            scat_body,
            0,
            unroll=4,
        )
        for tr in range(ETILES):
            out_cps.append(
                pltpu.async_copy(
                    out_v.at[pl.ds(tr * 8 + 4 * hf, 4)],
                    out_hbm.at[tr, pl.ds(wid * 8 + 4 * hf, 4)],
                    osem,
                )
            )
    for cp in out_cps:
        cp.wait()


@jax.jit
def _run(input, hash_table):
    ids = input.reshape(NW, NCHUNK, IDX_CHUNK)
    shifts = jnp.array([0, 8, 16, 24], jnp.int32)
    w0 = (hash_table[:, 0:4] << shifts).sum(axis=1)
    w1 = (hash_table[:, 4:8] << shifts).sum(axis=1)
    mesh = plsc.VectorSubcoreMesh(
        core_axis_name="c",
        subcore_axis_name="s",
        num_cores=NUM_CORES,
        num_subcores=NUM_SUBCORES,
    )
    out = pl.kernel(
        _body,
        out_type=jax.ShapeDtypeStruct((ETILES, BS // 128, 8, 128), jnp.int32),
        mesh=mesh,
        compiler_params=pltpu.CompilerParams(
            use_tc_tiling_on_sc=False, needs_layout_passes=False
        ),
        scratch_types=[
            pltpu.VMEM((NCHUNK, IDX_CHUNK), jnp.int32),
            pltpu.VMEM((BPW,), jnp.int32),
            pltpu.VMEM((BPW,), jnp.int32),
            pltpu.VMEM((NUM_EXPERTS, 8, 128), jnp.int32),
            pltpu.SemaphoreType.DMA,
            pltpu.SemaphoreType.DMA,
            pltpu.SemaphoreType.DMA,
        ],
    )(ids, w0, w1)
    return jnp.transpose(out, (1, 3, 0, 2)).reshape(BS, NUM_EXPERTS)


def kernel(input, hash_table):
    return _run(input, hash_table)

# --- scband reference (transcript-rebuilt; emitter-appended) ---
"""Pipeline reference for scband-hash-router-40656160424449 (READ-ONLY COPY).

The authoritative reference and input builder live on the scoring server;
editing this copy changes nothing except your own understanding.
"""

import jax, jax.numpy as jnp
import numpy as np

VOCAB_SIZE = 50257
K = 8
NUM_EXPERTS = 64
BS = 32768


def setup_inputs(seed: int = 0) -> dict:
    key = jax.random.key(seed)
    k1, k2 = jax.random.split(key)
    # token ids in [0, vocab)
    input_ids = jax.random.randint(k1, (BS,), 0, VOCAB_SIZE, dtype=jnp.int32)
    # hash buffer: random assignment of each vocab token to k experts (torch randint equivalent)
    hash_table = jax.random.randint(k2, (VOCAB_SIZE, K), 0, NUM_EXPERTS, dtype=jnp.int32)
    return {"input": input_ids, "hash_table": hash_table}


def reference(input, hash_table):
    # hashes = [self.hash[:, i][input] for i in range(k)]; top_k = stack(hashes, dim=-1)
    # Equivalent to a row-gather of the hash table by token id.
    top_k = jnp.take(hash_table, input, axis=0)  # [bs, k]
    # one_hot over experts -> [bs, k, num_experts]
    top_k_one_hot = jax.nn.one_hot(top_k, NUM_EXPERTS, dtype=jnp.int32)
    # max over the k hash dimension -> multi-hot expert assignment [bs, num_experts]
    out = jnp.max(top_k_one_hot, axis=1)
    return out

if __name__ == "__main__":
    import jax
    _d = setup_inputs()
    print(jax.jit(kernel)(*tuple(_d.values())))

</pallas_src>

<mosaic_0001>
#map = affine_map<(d0, d1) -> (0, 0, 0)>
#map1 = affine_map<(d0, d1) -> (0)>
#map2 = affine_map<(d0, d1) -> (0, 0, 0, 0)>
module attributes {stable_mosaic.version = 14 : i64} {
  func.func @_body(%arg0: i32, %arg1: i32, %arg2: memref<32x8x128xi32, #tpu.memory_space<hbm>>, %arg3: memref<50257xi32, #tpu.memory_space<hbm>>, %arg4: memref<50257xi32, #tpu.memory_space<hbm>>, %arg5: memref<8x256x8x128xi32, #tpu.memory_space<hbm>>, %arg6: memref<8x128xi32, #tpu.memory_space<vmem>>, %arg7: memref<1024xi32, #tpu.memory_space<vmem>>, %arg8: memref<1024xi32, #tpu.memory_space<vmem>>, %arg9: memref<64x8x128xi32, #tpu.memory_space<vmem>>, %arg10: memref<!tpu.dma_semaphore, #tpu.memory_space<semaphore_mem>>, %arg11: memref<!tpu.dma_semaphore, #tpu.memory_space<semaphore_mem>>, %arg12: memref<!tpu.dma_semaphore, #tpu.memory_space<semaphore_mem>>) attributes {dimension_semantics = [#tpu.dimension_semantics<core_parallel>, #tpu.dimension_semantics<subcore_parallel>], iteration_bounds = array<i64: 2, 16>, scalar_prefetch = 0 : i64, scratch_operands = 7 : i64, tpu.core_type = #tpu.core_type<sc_vector_subcore>, window_params = [{transform_indices = #map}, {transform_indices = #map1}, {transform_indices = #map1}, {transform_indices = #map2}]} {
    %mul3A = arith.constant 16 : i32
    %mul3A_0 = arith.muli %arg0, %mul3A : i32
    %add3A = arith.addi %mul3A_0, %arg1 : i32
    "tpu.region"() ({
      %run_scoped3A = tpu.sem_alloc : memref<!tpu.dma_semaphore, #tpu.memory_space<semaphore_mem>>
      %dma_start3A_887 = arith.constant 0 : i32
      %dma_start3A_888 = arith.constant 0 : i32
      %dma_start3A_889 = tpu.memref_slice %arg2[%add3A, %dma_start3A_887, %dma_start3A_888] : memref<32x8x128xi32, #tpu.memory_space<hbm>> -> memref<1x8x128xi32, #tpu.memory_space<hbm>>
      %dma_start3A_890 = tpu.memref_squeeze %dma_start3A_889 : memref<1x8x128xi32, #tpu.memory_space<hbm>> -> memref<8x128xi32, #tpu.memory_space<hbm>>
      %dma_start3A_891 = arith.constant 0 : i32
      %dma_start3A_892 = arith.constant 0 : i32
      %dma_start3A_893 = tpu.memref_slice %arg2[%add3A, %dma_start3A_891, %dma_start3A_892] : memref<32x8x128xi32, #tpu.memory_space<hbm>> -> memref<1x8x128xi32, #tpu.memory_space<hbm>>
      %dma_start3A_894 = tpu.memref_squeeze %dma_start3A_893 : memref<1x8x128xi32, #tpu.memory_space<hbm>> -> memref<8x128xi32, #tpu.memory_space<hbm>>
      tpu.enqueue_dma source(%dma_start3A_894 : memref<8x128xi32, #tpu.memory_space<hbm>>) target(%arg6 : memref<8x128xi32, #tpu.memory_space<vmem>>) target_semaphore(%run_scoped3A : memref<!tpu.dma_semaphore, #tpu.memory_space<semaphore_mem>>)
      %dma_wait3A_895 = arith.constant 0 : i32
      %dma_wait3A_896 = arith.constant 0 : i32
      %dma_wait3A_897 = tpu.memref_slice %arg2[%add3A, %dma_wait3A_895, %dma_wait3A_896] : memref<32x8x128xi32, #tpu.memory_space<hbm>> -> memref<1x8x128xi32, #tpu.memory_space<hbm>>
      %dma_wait3A_898 = tpu.memref_squeeze %dma_wait3A_897 : memref<1x8x128xi32, #tpu.memory_space<hbm>> -> memref<8x128xi32, #tpu.memory_space<hbm>>
      %dma_wait3A_899 = arith.constant 0 : i32
      %dma_wait3A_900 = arith.constant 0 : i32
      %dma_wait3A_901 = tpu.memref_slice %arg2[%add3A, %dma_wait3A_899, %dma_wait3A_900] : memref<32x8x128xi32, #tpu.memory_space<hbm>> -> memref<1x8x128xi32, #tpu.memory_space<hbm>>
      %dma_wait3A_902 = tpu.memref_squeeze %dma_wait3A_901 : memref<1x8x128xi32, #tpu.memory_space<hbm>> -> memref<8x128xi32, #tpu.memory_space<hbm>>
      tpu.wait_dma2 semaphore(%run_scoped3A : memref<!tpu.dma_semaphore, #tpu.memory_space<semaphore_mem>>) src(%dma_wait3A_902 : memref<8x128xi32, #tpu.memory_space<hbm>>) dst(%arg6 : memref<8x128xi32, #tpu.memory_space<vmem>>)
      tpu.yield
    }) : () -> ()
    %dma_start3A = arith.constant 0 : i32
    %dma_start3A_1 = arith.constant 0 : i32
    %dma_start3A_2 = tpu.memref_slice %arg7[%dma_start3A_1] : memref<1024xi32, #tpu.memory_space<vmem>> -> memref<128xi32, #tpu.memory_space<vmem>>
    %dma_start3A_3 = arith.constant 0 : i32
    %dma_start3A_4 = tpu.memref_slice %arg6[%dma_start3A, %dma_start3A_3] : memref<8x128xi32, #tpu.memory_space<vmem>> -> memref<1x128xi32, #tpu.memory_space<vmem>>
    %dma_start3A_5 = tpu.memref_squeeze %dma_start3A_4 : memref<1x128xi32, #tpu.memory_space<vmem>> -> memref<128xi32, #tpu.memory_space<vmem>>
    %dma_start3A_6 = arith.constant 0 : i32
    %dma_start3A_7 = tpu.memref_slice %arg3[%dma_start3A_6] : memref<50257xi32, #tpu.memory_space<hbm>> -> memref<50257xi32, #tpu.memory_space<hbm>>
    tpu.enqueue_indirect_dma source(%dma_start3A_7 : memref<50257xi32, #tpu.memory_space<hbm>>) target(%dma_start3A_2 : memref<128xi32, #tpu.memory_space<vmem>>) offsets(%dma_start3A_5 : memref<128xi32, #tpu.memory_space<vmem>>) semaphore(%arg10 : memref<!tpu.dma_semaphore, #tpu.memory_space<semaphore_mem>>)
    %dma_start3A_8 = arith.constant 0 : i32
    %dma_start3A_9 = arith.constant 0 : i32
    %dma_start3A_10 = tpu.memref_slice %arg8[%dma_start3A_9] : memref<1024xi32, #tpu.memory_space<vmem>> -> memref<128xi32, #tpu.memory_space<vmem>>
    %dma_start3A_11 = arith.constant 0 : i32
    %dma_start3A_12 = tpu.memref_slice %arg6[%dma_start3A_8, %dma_start3A_11] : memref<8x128xi32, #tpu.memory_space<vmem>> -> memref<1x128xi32, #tpu.memory_space<vmem>>
    %dma_start3A_13 = tpu.memref_squeeze %dma_start3A_12 : memref<1x128xi32, #tpu.memory_space<vmem>> -> memref<128xi32, #tpu.memory_space<vmem>>
    %dma_start3A_14 = arith.constant 0 : i32
    %dma_start3A_15 = tpu.memref_slice %arg4[%dma_start3A_14] : memref<50257xi32, #tpu.memory_space<hbm>> -> memref<50257xi32, #tpu.memory_space<hbm>>
    tpu.enqueue_indirect_dma source(%dma_start3A_15 : memref<50257xi32, #tpu.memory_space<hbm>>) target(%dma_start3A_10 : memref<128xi32, #tpu.memory_space<vmem>>) offsets(%dma_start3A_13 : memref<128xi32, #tpu.memory_space<vmem>>) semaphore(%arg10 : memref<!tpu.dma_semaphore, #tpu.memory_space<semaphore_mem>>)
    %dma_start3A_16 = arith.constant 1 : i32
    %dma_start3A_17 = arith.constant 128 : i32
    %dma_start3A_18 = tpu.memref_slice %arg7[%dma_start3A_17] : memref<1024xi32, #tpu.memory_space<vmem>> -> memref<128xi32, #tpu.memory_space<vmem>>
    %dma_start3A_19 = arith.constant 0 : i32
    %dma_start3A_20 = tpu.memref_slice %arg6[%dma_start3A_16, %dma_start3A_19] : memref<8x128xi32, #tpu.memory_space<vmem>> -> memref<1x128xi32, #tpu.memory_space<vmem>>
    %dma_start3A_21 = tpu.memref_squeeze %dma_start3A_20 : memref<1x128xi32, #tpu.memory_space<vmem>> -> memref<128xi32, #tpu.memory_space<vmem>>
    %dma_start3A_22 = arith.constant 0 : i32
    %dma_start3A_23 = tpu.memref_slice %arg3[%dma_start3A_22] : memref<50257xi32, #tpu.memory_space<hbm>> -> memref<50257xi32, #tpu.memory_space<hbm>>
    tpu.enqueue_indirect_dma source(%dma_start3A_23 : memref<50257xi32, #tpu.memory_space<hbm>>) target(%dma_start3A_18 : memref<128xi32, #tpu.memory_space<vmem>>) offsets(%dma_start3A_21 : memref<128xi32, #tpu.memory_space<vmem>>) semaphore(%arg10 : memref<!tpu.dma_semaphore, #tpu.memory_space<semaphore_mem>>)
    %dma_start3A_24 = arith.constant 1 : i32
    %dma_start3A_25 = arith.constant 128 : i32
    %dma_start3A_26 = tpu.memref_slice %arg8[%dma_start3A_25] : memref<1024xi32, #tpu.memory_space<vmem>> -> memref<128xi32, #tpu.memory_space<vmem>>
    %dma_start3A_27 = arith.constant 0 : i32
    %dma_start3A_28 = tpu.memref_slice %arg6[%dma_start3A_24, %dma_start3A_27] : memref<8x128xi32, #tpu.memory_space<vmem>> -> memref<1x128xi32, #tpu.memory_space<vmem>>
    %dma_start3A_29 = tpu.memref_squeeze %dma_start3A_28 : memref<1x128xi32, #tpu.memory_space<vmem>> -> memref<128xi32, #tpu.memory_space<vmem>>
    %dma_start3A_30 = arith.constant 0 : i32
    %dma_start3A_31 = tpu.memref_slice %arg4[%dma_start3A_30] : memref<50257xi32, #tpu.memory_space<hbm>> -> memref<50257xi32, #tpu.memory_space<hbm>>
    tpu.enqueue_indirect_dma source(%dma_start3A_31 : memref<50257xi32, #tpu.memory_space<hbm>>) target(%dma_start3A_26 : memref<128xi32, #tpu.memory_space<vmem>>) offsets(%dma_start3A_29 : memref<128xi32, #tpu.memory_space<vmem>>) semaphore(%arg10 : memref<!tpu.dma_semaphore, #tpu.memory_space<semaphore_mem>>)
    %dma_start3A_32 = arith.constant 2 : i32
    %dma_start3A_33 = arith.constant 256 : i32
    %dma_start3A_34 = tpu.memref_slice %arg7[%dma_start3A_33] : memref<1024xi32, #tpu.memory_space<vmem>> -> memref<128xi32, #tpu.memory_space<vmem>>
    %dma_start3A_35 = arith.constant 0 : i32
    %dma_start3A_36 = tpu.memref_slice %arg6[%dma_start3A_32, %dma_start3A_35] : memref<8x128xi32, #tpu.memory_space<vmem>> -> memref<1x128xi32, #tpu.memory_space<vmem>>
    %dma_start3A_37 = tpu.memref_squeeze %dma_start3A_36 : memref<1x128xi32, #tpu.memory_space<vmem>> -> memref<128xi32, #tpu.memory_space<vmem>>
    %dma_start3A_38 = arith.constant 0 : i32
    %dma_start3A_39 = tpu.memref_slice %arg3[%dma_start3A_38] : memref<50257xi32, #tpu.memory_space<hbm>> -> memref<50257xi32, #tpu.memory_space<hbm>>
    tpu.enqueue_indirect_dma source(%dma_start3A_39 : memref<50257xi32, #tpu.memory_space<hbm>>) target(%dma_start3A_34 : memref<128xi32, #tpu.memory_space<vmem>>) offsets(%dma_start3A_37 : memref<128xi32, #tpu.memory_space<vmem>>) semaphore(%arg10 : memref<!tpu.dma_semaphore, #tpu.memory_space<semaphore_mem>>)
    %dma_start3A_40 = arith.constant 2 : i32
    %dma_start3A_41 = arith.constant 256 : i32
    %dma_start3A_42 = tpu.memref_slice %arg8[%dma_start3A_41] : memref<1024xi32, #tpu.memory_space<vmem>> -> memref<128xi32, #tpu.memory_space<vmem>>
    %dma_start3A_43 = arith.constant 0 : i32
    %dma_start3A_44 = tpu.memref_slice %arg6[%dma_start3A_40, %dma_start3A_43] : memref<8x128xi32, #tpu.memory_space<vmem>> -> memref<1x128xi32, #tpu.memory_space<vmem>>
    %dma_start3A_45 = tpu.memref_squeeze %dma_start3A_44 : memref<1x128xi32, #tpu.memory_space<vmem>> -> memref<128xi32, #tpu.memory_space<vmem>>
    %dma_start3A_46 = arith.constant 0 : i32
    %dma_start3A_47 = tpu.memref_slice %arg4[%dma_start3A_46] : memref<50257xi32, #tpu.memory_space<hbm>> -> memref<50257xi32, #tpu.memory_space<hbm>>
    tpu.enqueue_indirect_dma source(%dma_start3A_47 : memref<50257xi32, #tpu.memory_space<hbm>>) target(%dma_start3A_42 : memref<128xi32, #tpu.memory_space<vmem>>) offsets(%dma_start3A_45 : memref<128xi32, #tpu.memory_space<vmem>>) semaphore(%arg10 : memref<!tpu.dma_semaphore, #tpu.memory_space<semaphore_mem>>)
    %dma_start3A_48 = arith.constant 3 : i32
    %dma_start3A_49 = arith.constant 384 : i32
    %dma_start3A_50 = tpu.memref_slice %arg7[%dma_start3A_49] : memref<1024xi32, #tpu.memory_space<vmem>> -> memref<128xi32, #tpu.memory_space<vmem>>
    %dma_start3A_51 = arith.constant 0 : i32
    %dma_start3A_52 = tpu.memref_slice %arg6[%dma_start3A_48, %dma_start3A_51] : memref<8x128xi32, #tpu.memory_space<vmem>> -> memref<1x128xi32, #tpu.memory_space<vmem>>
    %dma_start3A_53 = tpu.memref_squeeze %dma_start3A_52 : memref<1x128xi32, #tpu.memory_space<vmem>> -> memref<128xi32, #tpu.memory_space<vmem>>
    %dma_start3A_54 = arith.constant 0 : i32
    %dma_start3A_55 = tpu.memref_slice %arg3[%dma_start3A_54] : memref<50257xi32, #tpu.memory_space<hbm>> -> memref<50257xi32, #tpu.memory_space<hbm>>
    tpu.enqueue_indirect_dma source(%dma_start3A_55 : memref<50257xi32, #tpu.memory_space<hbm>>) target(%dma_start3A_50 : memref<128xi32, #tpu.memory_space<vmem>>) offsets(%dma_start3A_53 : memref<128xi32, #tpu.memory_space<vmem>>) semaphore(%arg10 : memref<!tpu.dma_semaphore, #tpu.memory_space<semaphore_mem>>)
    %dma_start3A_56 = arith.constant 3 : i32
    %dma_start3A_57 = arith.constant 384 : i32
    %dma_start3A_58 = tpu.memref_slice %arg8[%dma_start3A_57] : memref<1024xi32, #tpu.memory_space<vmem>> -> memref<128xi32, #tpu.memory_space<vmem>>
    %dma_start3A_59 = arith.constant 0 : i32
    %dma_start3A_60 = tpu.memref_slice %arg6[%dma_start3A_56, %dma_start3A_59] : memref<8x128xi32, #tpu.memory_space<vmem>> -> memref<1x128xi32, #tpu.memory_space<vmem>>
    %dma_start3A_61 = tpu.memref_squeeze %dma_start3A_60 : memref<1x128xi32, #tpu.memory_space<vmem>> -> memref<128xi32, #tpu.memory_space<vmem>>
    %dma_start3A_62 = arith.constant 0 : i32
    %dma_start3A_63 = tpu.memref_slice %arg4[%dma_start3A_62] : memref<50257xi32, #tpu.memory_space<hbm>> -> memref<50257xi32, #tpu.memory_space<hbm>>
    tpu.enqueue_indirect_dma source(%dma_start3A_63 : memref<50257xi32, #tpu.memory_space<hbm>>) target(%dma_start3A_58 : memref<128xi32, #tpu.memory_space<vmem>>) offsets(%dma_start3A_61 : memref<128xi32, #tpu.memory_space<vmem>>) semaphore(%arg10 : memref<!tpu.dma_semaphore, #tpu.memory_space<semaphore_mem>>)
    %dma_start3A_64 = arith.constant 4 : i32
    %dma_start3A_65 = arith.constant 512 : i32
    %dma_start3A_66 = tpu.memref_slice %arg7[%dma_start3A_65] : memref<1024xi32, #tpu.memory_space<vmem>> -> memref<128xi32, #tpu.memory_space<vmem>>
    %dma_start3A_67 = arith.constant 0 : i32
    %dma_start3A_68 = tpu.memref_slice %arg6[%dma_start3A_64, %dma_start3A_67] : memref<8x128xi32, #tpu.memory_space<vmem>> -> memref<1x128xi32, #tpu.memory_space<vmem>>
    %dma_start3A_69 = tpu.memref_squeeze %dma_start3A_68 : memref<1x128xi32, #tpu.memory_space<vmem>> -> memref<128xi32, #tpu.memory_space<vmem>>
    %dma_start3A_70 = arith.constant 0 : i32
    %dma_start3A_71 = tpu.memref_slice %arg3[%dma_start3A_70] : memref<50257xi32, #tpu.memory_space<hbm>> -> memref<50257xi32, #tpu.memory_space<hbm>>
    tpu.enqueue_indirect_dma source(%dma_start3A_71 : memref<50257xi32, #tpu.memory_space<hbm>>) target(%dma_start3A_66 : memref<128xi32, #tpu.memory_space<vmem>>) offsets(%dma_start3A_69 : memref<128xi32, #tpu.memory_space<vmem>>) semaphore(%arg11 : memref<!tpu.dma_semaphore, #tpu.memory_space<semaphore_mem>>)
    %dma_start3A_72 = arith.constant 4 : i32
    %dma_start3A_73 = arith.constant 512 : i32
    %dma_start3A_74 = tpu.memref_slice %arg8[%dma_start3A_73] : memref<1024xi32, #tpu.memory_space<vmem>> -> memref<128xi32, #tpu.memory_space<vmem>>
    %dma_start3A_75 = arith.constant 0 : i32
    %dma_start3A_76 = tpu.memref_slice %arg6[%dma_start3A_72, %dma_start3A_75] : memref<8x128xi32, #tpu.memory_space<vmem>> -> memref<1x128xi32, #tpu.memory_space<vmem>>
    %dma_start3A_77 = tpu.memref_squeeze %dma_start3A_76 : memref<1x128xi32, #tpu.memory_space<vmem>> -> memref<128xi32, #tpu.memory_space<vmem>>
    %dma_start3A_78 = arith.constant 0 : i32
    %dma_start3A_79 = tpu.memref_slice %arg4[%dma_start3A_78] : memref<50257xi32, #tpu.memory_space<hbm>> -> memref<50257xi32, #tpu.memory_space<hbm>>
    tpu.enqueue_indirect_dma source(%dma_start3A_79 : memref<50257xi32, #tpu.memory_space<hbm>>) target(%dma_start3A_74 : memref<128xi32, #tpu.memory_space<vmem>>) offsets(%dma_start3A_77 : memref<128xi32, #tpu.memory_space<vmem>>) semaphore(%arg11 : memref<!tpu.dma_semaphore, #tpu.memory_space<semaphore_mem>>)
    %dma_start3A_80 = arith.constant 5 : i32
    %dma_start3A_81 = arith.constant 640 : i32
    %dma_start3A_82 = tpu.memref_slice %arg7[%dma_start3A_81] : memref<1024xi32, #tpu.memory_space<vmem>> -> memref<128xi32, #tpu.memory_space<vmem>>
    %dma_start3A_83 = arith.constant 0 : i32
    %dma_start3A_84 = tpu.memref_slice %arg6[%dma_start3A_80, %dma_start3A_83] : memref<8x128xi32, #tpu.memory_space<vmem>> -> memref<1x128xi32, #tpu.memory_space<vmem>>
    %dma_start3A_85 = tpu.memref_squeeze %dma_start3A_84 : memref<1x128xi32, #tpu.memory_space<vmem>> -> memref<128xi32, #tpu.memory_space<vmem>>
    %dma_start3A_86 = arith.constant 0 : i32
    %dma_start3A_87 = tpu.memref_slice %arg3[%dma_start3A_86] : memref<50257xi32, #tpu.memory_space<hbm>> -> memref<50257xi32, #tpu.memory_space<hbm>>
    tpu.enqueue_indirect_dma source(%dma_start3A_87 : memref<50257xi32, #tpu.memory_space<hbm>>) target(%dma_start3A_82 : memref<128xi32, #tpu.memory_space<vmem>>) offsets(%dma_start3A_85 : memref<128xi32, #tpu.memory_space<vmem>>) semaphore(%arg11 : memref<!tpu.dma_semaphore, #tpu.memory_space<semaphore_mem>>)
    %dma_start3A_88 = arith.constant 5 : i32
    %dma_start3A_89 = arith.constant 640 : i32
    %dma_start3A_90 = tpu.memref_slice %arg8[%dma_start3A_89] : memref<1024xi32, #tpu.memory_space<vmem>> -> memref<128xi32, #tpu.memory_space<vmem>>
    %dma_start3A_91 = arith.constant 0 : i32
    %dma_start3A_92 = tpu.memref_slice %arg6[%dma_start3A_88, %dma_start3A_91] : memref<8x128xi32, #tpu.memory_space<vmem>> -> memref<1x128xi32, #tpu.memory_space<vmem>>
    %dma_start3A_93 = tpu.memref_squeeze %dma_start3A_92 : memref<1x128xi32, #tpu.memory_space<vmem>> -> memref<128xi32, #tpu.memory_space<vmem>>
    %dma_start3A_94 = arith.constant 0 : i32
    %dma_start3A_95 = tpu.memref_slice %arg4[%dma_start3A_94] : memref<50257xi32, #tpu.memory_space<hbm>> -> memref<50257xi32, #tpu.memory_space<hbm>>
    tpu.enqueue_indirect_dma source(%dma_start3A_95 : memref<50257xi32, #tpu.memory_space<hbm>>) target(%dma_start3A_90 : memref<128xi32, #tpu.memory_space<vmem>>) offsets(%dma_start3A_93 : memref<128xi32, #tpu.memory_space<vmem>>) semaphore(%arg11 : memref<!tpu.dma_semaphore, #tpu.memory_space<semaphore_mem>>)
    %dma_start3A_96 = arith.constant 6 : i32
    %dma_start3A_97 = arith.constant 768 : i32
    %dma_start3A_98 = tpu.memref_slice %arg7[%dma_start3A_97] : memref<1024xi32, #tpu.memory_space<vmem>> -> memref<128xi32, #tpu.memory_space<vmem>>
    %dma_start3A_99 = arith.constant 0 : i32
    %dma_start3A_100 = tpu.memref_slice %arg6[%dma_start3A_96, %dma_start3A_99] : memref<8x128xi32, #tpu.memory_space<vmem>> -> memref<1x128xi32, #tpu.memory_space<vmem>>
    %dma_start3A_101 = tpu.memref_squeeze %dma_start3A_100 : memref<1x128xi32, #tpu.memory_space<vmem>> -> memref<128xi32, #tpu.memory_space<vmem>>
    %dma_start3A_102 = arith.constant 0 : i32
    %dma_start3A_103 = tpu.memref_slice %arg3[%dma_start3A_102] : memref<50257xi32, #tpu.memory_space<hbm>> -> memref<50257xi32, #tpu.memory_space<hbm>>
    tpu.enqueue_indirect_dma source(%dma_start3A_103 : memref<50257xi32, #tpu.memory_space<hbm>>) target(%dma_start3A_98 : memref<128xi32, #tpu.memory_space<vmem>>) offsets(%dma_start3A_101 : memref<128xi32, #tpu.memory_space<vmem>>) semaphore(%arg11 : memref<!tpu.dma_semaphore, #tpu.memory_space<semaphore_mem>>)
    %dma_start3A_104 = arith.constant 6 : i32
    %dma_start3A_105 = arith.constant 768 : i32
    %dma_start3A_106 = tpu.memref_slice %arg8[%dma_start3A_105] : memref<1024xi32, #tpu.memory_space<vmem>> -> memref<128xi32, #tpu.memory_space<vmem>>
    %dma_start3A_107 = arith.constant 0 : i32
    %dma_start3A_108 = tpu.memref_slice %arg6[%dma_start3A_104, %dma_start3A_107] : memref<8x128xi32, #tpu.memory_space<vmem>> -> memref<1x128xi32, #tpu.memory_space<vmem>>
    %dma_start3A_109 = tpu.memref_squeeze %dma_start3A_108 : memref<1x128xi32, #tpu.memory_space<vmem>> -> memref<128xi32, #tpu.memory_space<vmem>>
    %dma_start3A_110 = arith.constant 0 : i32
    %dma_start3A_111 = tpu.memref_slice %arg4[%dma_start3A_110] : memref<50257xi32, #tpu.memory_space<hbm>> -> memref<50257xi32, #tpu.memory_space<hbm>>
    tpu.enqueue_indirect_dma source(%dma_start3A_111 : memref<50257xi32, #tpu.memory_space<hbm>>) target(%dma_start3A_106 : memref<128xi32, #tpu.memory_space<vmem>>) offsets(%dma_start3A_109 : memref<128xi32, #tpu.memory_space<vmem>>) semaphore(%arg11 : memref<!tpu.dma_semaphore, #tpu.memory_space<semaphore_mem>>)
    %dma_start3A_112 = arith.constant 7 : i32
    %dma_start3A_113 = arith.constant 896 : i32
    %dma_start3A_114 = tpu.memref_slice %arg7[%dma_start3A_113] : memref<1024xi32, #tpu.memory_space<vmem>> -> memref<128xi32, #tpu.memory_space<vmem>>
    %dma_start3A_115 = arith.constant 0 : i32
    %dma_start3A_116 = tpu.memref_slice %arg6[%dma_start3A_112, %dma_start3A_115] : memref<8x128xi32, #tpu.memory_space<vmem>> -> memref<1x128xi32, #tpu.memory_space<vmem>>
    %dma_start3A_117 = tpu.memref_squeeze %dma_start3A_116 : memref<1x128xi32, #tpu.memory_space<vmem>> -> memref<128xi32, #tpu.memory_space<vmem>>
    %dma_start3A_118 = arith.constant 0 : i32
    %dma_start3A_119 = tpu.memref_slice %arg3[%dma_start3A_118] : memref<50257xi32, #tpu.memory_space<hbm>> -> memref<50257xi32, #tpu.memory_space<hbm>>
    tpu.enqueue_indirect_dma source(%dma_start3A_119 : memref<50257xi32, #tpu.memory_space<hbm>>) target(%dma_start3A_114 : memref<128xi32, #tpu.memory_space<vmem>>) offsets(%dma_start3A_117 : memref<128xi32, #tpu.memory_space<vmem>>) semaphore(%arg11 : memref<!tpu.dma_semaphore, #tpu.memory_space<semaphore_mem>>)
    %dma_start3A_120 = arith.constant 7 : i32
    %dma_start3A_121 = arith.constant 896 : i32
    %dma_start3A_122 = tpu.memref_slice %arg8[%dma_start3A_121] : memref<1024xi32, #tpu.memory_space<vmem>> -> memref<128xi32, #tpu.memory_space<vmem>>
    %dma_start3A_123 = arith.constant 0 : i32
    %dma_start3A_124 = tpu.memref_slice %arg6[%dma_start3A_120, %dma_start3A_123] : memref<8x128xi32, #tpu.memory_space<vmem>> -> memref<1x128xi32, #tpu.memory_space<vmem>>
    %dma_start3A_125 = tpu.memref_squeeze %dma_start3A_124 : memref<1x128xi32, #tpu.memory_space<vmem>> -> memref<128xi32, #tpu.memory_space<vmem>>
    %dma_start3A_126 = arith.constant 0 : i32
    %dma_start3A_127 = tpu.memref_slice %arg4[%dma_start3A_126] : memref<50257xi32, #tpu.memory_space<hbm>> -> memref<50257xi32, #tpu.memory_space<hbm>>
    tpu.enqueue_indirect_dma source(%dma_start3A_127 : memref<50257xi32, #tpu.memory_space<hbm>>) target(%dma_start3A_122 : memref<128xi32, #tpu.memory_space<vmem>>) offsets(%dma_start3A_125 : memref<128xi32, #tpu.memory_space<vmem>>) semaphore(%arg11 : memref<!tpu.dma_semaphore, #tpu.memory_space<semaphore_mem>>)
    %broadcast_in_dim3A = arith.constant 0 : i32
    %broadcast_in_dim3A_128 = vector.broadcast %broadcast_in_dim3A : i32 to vector<16xi32>
    %scan3A = arith.constant 0 : i32
    %scan3A_129 = arith.constant 0 : i32
    %scan3A_130 = arith.constant 64 : i32
    %scan3A_131 = arith.addi %scan3A_129, %scan3A_130 : i32
    %scan3A_132 = arith.constant 2 : i32
    scf.for %scan3A_887 = %scan3A_129 to %scan3A_131 step %scan3A_132  : i32 {
      %swap3A = arith.constant 0 : i32
      %swap3A_888 = arith.index_cast %scan3A_887 : i32 to index
      %swap3A_889 = arith.index_cast %swap3A : i32 to index
      %swap3A_890 = arith.constant 0 : index
      %swap3A_891 = tpu.vector_load %arg9[%swap3A_888, %swap3A_889, %swap3A_890] {strides = array<i32>} : memref<64x8x128xi32, #tpu.memory_space<vmem>>, vector<16xi32>,
      tpu.vector_store %arg9[%swap3A_888, %swap3A_889, %swap3A_890], %broadcast_in_dim3A_128 {strides = array<i32>} : memref<64x8x128xi32, #tpu.memory_space<vmem>>, vector<16xi32>,
      %swap3A_892 = arith.constant 0 : i32
      %swap3A_893 = arith.index_cast %scan3A_887 : i32 to index
      %swap3A_894 = arith.index_cast %swap3A_892 : i32 to index
      %swap3A_895 = arith.constant 16 : index
      %swap3A_896 = tpu.vector_load %arg9[%swap3A_893, %swap3A_894, %swap3A_895] {strides = array<i32>} : memref<64x8x128xi32, #tpu.memory_space<vmem>>, vector<16xi32>,
      tpu.vector_store %arg9[%swap3A_893, %swap3A_894, %swap3A_895], %broadcast_in_dim3A_128 {strides = array<i32>} : memref<64x8x128xi32, #tpu.memory_space<vmem>>, vector<16xi32>,
      %swap3A_897 = arith.constant 0 : i32
      %swap3A_898 = arith.index_cast %scan3A_887 : i32 to index
      %swap3A_899 = arith.index_cast %swap3A_897 : i32 to index
      %swap3A_900 = arith.constant 32 : index
      %swap3A_901 = tpu.vector_load %arg9[%swap3A_898, %swap3A_899, %swap3A_900] {strides = array<i32>} : memref<64x8x128xi32, #tpu.memory_space<vmem>>, vector<16xi32>,
      tpu.vector_store %arg9[%swap3A_898, %swap3A_899, %swap3A_900], %broadcast_in_dim3A_128 {strides = array<i32>} : memref<64x8x128xi32, #tpu.memory_space<vmem>>, vector<16xi32>,
      %swap3A_902 = arith.constant 0 : i32
      %swap3A_903 = arith.index_cast %scan3A_887 : i32 to index
      %swap3A_904 = arith.index_cast %swap3A_902 : i32 to index
      %swap3A_905 = arith.constant 48 : index
      %swap3A_906 = tpu.vector_load %arg9[%swap3A_903, %swap3A_904, %swap3A_905] {strides = array<i32>} : memref<64x8x128xi32, #tpu.memory_space<vmem>>, vector<16xi32>,
      tpu.vector_store %arg9[%swap3A_903, %swap3A_904, %swap3A_905], %broadcast_in_dim3A_128 {strides = array<i32>} : memref<64x8x128xi32, #tpu.memory_space<vmem>>, vector<16xi32>,
      %swap3A_907 = arith.constant 0 : i32
      %swap3A_908 = arith.index_cast %scan3A_887 : i32 to index
      %swap3A_909 = arith.index_cast %swap3A_907 : i32 to index
      %swap3A_910 = arith.constant 64 : index
      %swap3A_911 = tpu.vector_load %arg9[%swap3A_908, %swap3A_909, %swap3A_910] {strides = array<i32>} : memref<64x8x128xi32, #tpu.memory_space<vmem>>, vector<16xi32>,
      tpu.vector_store %arg9[%swap3A_908, %swap3A_909, %swap3A_910], %broadcast_in_dim3A_128 {strides = array<i32>} : memref<64x8x128xi32, #tpu.memory_space<vmem>>, vector<16xi32>,
      %swap3A_912 = arith.constant 0 : i32
      %swap3A_913 = arith.index_cast %scan3A_887 : i32 to index
      %swap3A_914 = arith.index_cast %swap3A_912 : i32 to index
      %swap3A_915 = arith.constant 80 : index
      %swap3A_916 = tpu.vector_load %arg9[%swap3A_913, %swap3A_914, %swap3A_915] {strides = array<i32>} : memref<64x8x128xi32, #tpu.memory_space<vmem>>, vector<16xi32>,
      tpu.vector_store %arg9[%swap3A_913, %swap3A_914, %swap3A_915], %broadcast_in_dim3A_128 {strides = array<i32>} : memref<64x8x128xi32, #tpu.memory_space<vmem>>, vector<16xi32>,
      %swap3A_917 = arith.constant 0 : i32
      %swap3A_918 = arith.index_cast %scan3A_887 : i32 to index
      %swap3A_919 = arith.index_cast %swap3A_917 : i32 to index
      %swap3A_920 = arith.constant 96 : index
      %swap3A_921 = tpu.vector_load %arg9[%swap3A_918, %swap3A_919, %swap3A_920] {strides = array<i32>} : memref<64x8x128xi32, #tpu.memory_space<vmem>>, vector<16xi32>,
      tpu.vector_store %arg9[%swap3A_918, %swap3A_919, %swap3A_920], %broadcast_in_dim3A_128 {strides = array<i32>} : memref<64x8x128xi32, #tpu.memory_space<vmem>>, vector<16xi32>,
      %swap3A_922 = arith.constant 0 : i32
      %swap3A_923 = arith.index_cast %scan3A_887 : i32 to index
      %swap3A_924 = arith.index_cast %swap3A_922 : i32 to index
      %swap3A_925 = arith.constant 112 : index
      %swap3A_926 = tpu.vector_load %arg9[%swap3A_923, %swap3A_924, %swap3A_925] {strides = array<i32>} : memref<64x8x128xi32, #tpu.memory_space<vmem>>, vector<16xi32>,
      tpu.vector_store %arg9[%swap3A_923, %swap3A_924, %swap3A_925], %broadcast_in_dim3A_128 {strides = array<i32>} : memref<64x8x128xi32, #tpu.memory_space<vmem>>, vector<16xi32>,
      %swap3A_927 = arith.constant 1 : i32
      %swap3A_928 = arith.index_cast %scan3A_887 : i32 to index
      %swap3A_929 = arith.index_cast %swap3A_927 : i32 to index
      %swap3A_930 = arith.constant 0 : index
      %swap3A_931 = tpu.vector_load %arg9[%swap3A_928, %swap3A_929, %swap3A_930] {strides = array<i32>} : memref<64x8x128xi32, #tpu.memory_space<vmem>>, vector<16xi32>,
      tpu.vector_store %arg9[%swap3A_928, %swap3A_929, %swap3A_930], %broadcast_in_dim3A_128 {strides = array<i32>} : memref<64x8x128xi32, #tpu.memory_space<vmem>>, vector<16xi32>,
      %swap3A_932 = arith.constant 1 : i32
      %swap3A_933 = arith.index_cast %scan3A_887 : i32 to index
      %swap3A_934 = arith.index_cast %swap3A_932 : i32 to index
      %swap3A_935 = arith.constant 16 : index
      %swap3A_936 = tpu.vector_load %arg9[%swap3A_933, %swap3A_934, %swap3A_935] {strides = array<i32>} : memref<64x8x128xi32, #tpu.memory_space<vmem>>, vector<16xi32>,
      tpu.vector_store %arg9[%swap3A_933, %swap3A_934, %swap3A_935], %broadcast_in_dim3A_128 {strides = array<i32>} : memref<64x8x128xi32, #tpu.memory_space<vmem>>, vector<16xi32>,
      %swap3A_937 = arith.constant 1 : i32
      %swap3A_938 = arith.index_cast %scan3A_887 : i32 to index
      %swap3A_939 = arith.index_cast %swap3A_937 : i32 to index
      %swap3A_940 = arith.constant 32 : index
      %swap3A_941 = tpu.vector_load %arg9[%swap3A_938, %swap3A_939, %swap3A_940] {strides = array<i32>} : memref<64x8x128xi32, #tpu.memory_space<vmem>>, vector<16xi32>,
      tpu.vector_store %arg9[%swap3A_938, %swap3A_939, %swap3A_940], %broadcast_in_dim3A_128 {strides = array<i32>} : memref<64x8x128xi32, #tpu.memory_space<vmem>>, vector<16xi32>,
      %swap3A_942 = arith.constant 1 : i32
      %swap3A_943 = arith.index_cast %scan3A_887 : i32 to index
      %swap3A_944 = arith.index_cast %swap3A_942 : i32 to index
      %swap3A_945 = arith.constant 48 : index
      %swap3A_946 = tpu.vector_load %arg9[%swap3A_943, %swap3A_944, %swap3A_945] {strides = array<i32>} : memref<64x8x128xi32, #tpu.memory_space<vmem>>, vector<16xi32>,
      tpu.vector_store %arg9[%swap3A_943, %swap3A_944, %swap3A_945], %broadcast_in_dim3A_128 {strides = array<i32>} : memref<64x8x128xi32, #tpu.memory_space<vmem>>, vector<16xi32>,
      %swap3A_947 = arith.constant 1 : i32
      %swap3A_948 = arith.index_cast %scan3A_887 : i32 to index
      %swap3A_949 = arith.index_cast %swap3A_947 : i32 to index
      %swap3A_950 = arith.constant 64 : index
      %swap3A_951 = tpu.vector_load %arg9[%swap3A_948, %swap3A_949, %swap3A_950] {strides = array<i32>} : memref<64x8x128xi32, #tpu.memory_space<vmem>>, vector<16xi32>,
      tpu.vector_store %arg9[%swap3A_948, %swap3A_949, %swap3A_950], %broadcast_in_dim3A_128 {strides = array<i32>} : memref<64x8x128xi32, #tpu.memory_space<vmem>>, vector<16xi32>,
      %swap3A_952 = arith.constant 1 : i32
      %swap3A_953 = arith.index_cast %scan3A_887 : i32 to index
      %swap3A_954 = arith.index_cast %swap3A_952 : i32 to index
      %swap3A_955 = arith.constant 80 : index
      %swap3A_956 = tpu.vector_load %arg9[%swap3A_953, %swap3A_954, %swap3A_955] {strides = array<i32>} : memref<64x8x128xi32, #tpu.memory_space<vmem>>, vector<16xi32>,
      tpu.vector_store %arg9[%swap3A_953, %swap3A_954, %swap3A_955], %broadcast_in_dim3A_128 {strides = array<i32>} : memref<64x8x128xi32, #tpu.memory_space<vmem>>, vector<16xi32>,
      %swap3A_957 = arith.constant 1 : i32
      %swap3A_958 = arith.index_cast %scan3A_887 : i32 to index
      %swap3A_959 = arith.index_cast %swap3A_957 : i32 to index
      %swap3A_960 = arith.constant 96 : index
      %swap3A_961 = tpu.vector_load %arg9[%swap3A_958, %swap3A_959, %swap3A_960] {strides = array<i32>} : memref<64x8x128xi32, #tpu.memory_space<vmem>>, vector<16xi32>,
      tpu.vector_store %arg9[%swap3A_958, %swap3A_959, %swap3A_960], %broadcast_in_dim3A_128 {strides = array<i32>} : memref<64x8x128xi32, #tpu.memory_space<vmem>>, vector<16xi32>,
      %swap3A_962 = arith.constant 1 : i32
      %swap3A_963 = arith.index_cast %scan3A_887 : i32 to index
      %swap3A_964 = arith.index_cast %swap3A_962 : i32 to index
      %swap3A_965 = arith.constant 112 : index
      %swap3A_966 = tpu.vector_load %arg9[%swap3A_963, %swap3A_964, %swap3A_965] {strides = array<i32>} : memref<64x8x128xi32, #tpu.memory_space<vmem>>, vector<16xi32>,
      tpu.vector_store %arg9[%swap3A_963, %swap3A_964, %swap3A_965], %broadcast_in_dim3A_128 {strides = array<i32>} : memref<64x8x128xi32, #tpu.memory_space<vmem>>, vector<16xi32>,
      %swap3A_967 = arith.constant 2 : i32
      %swap3A_968 = arith.index_cast %scan3A_887 : i32 to index
      %swap3A_969 = arith.index_cast %swap3A_967 : i32 to index
      %swap3A_970 = arith.constant 0 : index
      %swap3A_971 = tpu.vector_load %arg9[%swap3A_968, %swap3A_969, %swap3A_970] {strides = array<i32>} : memref<64x8x128xi32, #tpu.memory_space<vmem>>, vector<16xi32>,
      tpu.vector_store %arg9[%swap3A_968, %swap3A_969, %swap3A_970], %broadcast_in_dim3A_128 {strides = array<i32>} : memref<64x8x128xi32, #tpu.memory_space<vmem>>, vector<16xi32>,
      %swap3A_972 = arith.constant 2 : i32
      %swap3A_973 = arith.index_cast %scan3A_887 : i32 to index
      %swap3A_974 = arith.index_cast %swap3A_972 : i32 to index
      %swap3A_975 = arith.constant 16 : index
      %swap3A_976 = tpu.vector_load %arg9[%swap3A_973, %swap3A_974, %swap3A_975] {strides = array<i32>} : memref<64x8x128xi32, #tpu.memory_space<vmem>>, vector<16xi32>,
      tpu.vector_store %arg9[%swap3A_973, %swap3A_974, %swap3A_975], %broadcast_in_dim3A_128 {strides = array<i32>} : memref<64x8x128xi32, #tpu.memory_space<vmem>>, vector<16xi32>,
      %swap3A_977 = arith.constant 2 : i32
      %swap3A_978 = arith.index_cast %scan3A_887 : i32 to index
      %swap3A_979 = arith.index_cast %swap3A_977 : i32 to index
      %swap3A_980 = arith.constant 32 : index
      %swap3A_981 = tpu.vector_load %arg9[%swap3A_978, %swap3A_979, %swap3A_980] {strides = array<i32>} : memref<64x8x128xi32, #tpu.memory_space<vmem>>, vector<16xi32>,
      tpu.vector_store %arg9[%swap3A_978, %swap3A_979, %swap3A_980], %broadcast_in_dim3A_128 {strides = array<i32>} : memref<64x8x128xi32, #tpu.memory_space<vmem>>, vector<16xi32>,
      %swap3A_982 = arith.constant 2 : i32
      %swap3A_983 = arith.index_cast %scan3A_887 : i32 to index
      %swap3A_984 = arith.index_cast %swap3A_982 : i32 to index
      %swap3A_985 = arith.constant 48 : index
      %swap3A_986 = tpu.vector_load %arg9[%swap3A_983, %swap3A_984, %swap3A_985] {strides = array<i32>} : memref<64x8x128xi32, #tpu.memory_space<vmem>>, vector<16xi32>,
      tpu.vector_store %arg9[%swap3A_983, %swap3A_984, %swap3A_985], %broadcast_in_dim3A_128 {strides = array<i32>} : memref<64x8x128xi32, #tpu.memory_space<vmem>>, vector<16xi32>,
      %swap3A_987 = arith.constant 2 : i32
      %swap3A_988 = arith.index_cast %scan3A_887 : i32 to index
      %swap3A_989 = arith.index_cast %swap3A_987 : i32 to index
      %swap3A_990 = arith.constant 64 : index
      %swap3A_991 = tpu.vector_load %arg9[%swap3A_988, %swap3A_989, %swap3A_990] {strides = array<i32>} : memref<64x8x128xi32, #tpu.memory_space<vmem>>, vector<16xi32>,
      tpu.vector_store %arg9[%swap3A_988, %swap3A_989, %swap3A_990], %broadcast_in_dim3A_128 {strides = array<i32>} : memref<64x8x128xi32, #tpu.memory_space<vmem>>, vector<16xi32>,
      %swap3A_992 = arith.constant 2 : i32
      %swap3A_993 = arith.index_cast %scan3A_887 : i32 to index
      %swap3A_994 = arith.index_cast %swap3A_992 : i32 to index
      %swap3A_995 = arith.constant 80 : index
      %swap3A_996 = tpu.vector_load %arg9[%swap3A_993, %swap3A_994, %swap3A_995] {strides = array<i32>} : memref<64x8x128xi32, #tpu.memory_space<vmem>>, vector<16xi32>,
      tpu.vector_store %arg9[%swap3A_993, %swap3A_994, %swap3A_995], %broadcast_in_dim3A_128 {strides = array<i32>} : memref<64x8x128xi32, #tpu.memory_space<vmem>>, vector<16xi32>,
      %swap3A_997 = arith.constant 2 : i32
      %swap3A_998 = arith.index_cast %scan3A_887 : i32 to index
      %swap3A_999 = arith.index_cast %swap3A_997 : i32 to index
      %swap3A_1000 = arith.constant 96 : index
      %swap3A_1001 = tpu.vector_load %arg9[%swap3A_998, %swap3A_999, %swap3A_1000] {strides = array<i32>} : memref<64x8x128xi32, #tpu.memory_space<vmem>>, vector<16xi32>,
      tpu.vector_store %arg9[%swap3A_998, %swap3A_999, %swap3A_1000], %broadcast_in_dim3A_128 {strides = array<i32>} : memref<64x8x128xi32, #tpu.memory_space<vmem>>, vector<16xi32>,
      %swap3A_1002 = arith.constant 2 : i32
      %swap3A_1003 = arith.index_cast %scan3A_887 : i32 to index
      %swap3A_1004 = arith.index_cast %swap3A_1002 : i32 to index
      %swap3A_1005 = arith.constant 112 : index
      %swap3A_1006 = tpu.vector_load %arg9[%swap3A_1003, %swap3A_1004, %swap3A_1005] {strides = array<i32>} : memref<64x8x128xi32, #tpu.memory_space<vmem>>, vector<16xi32>,
      tpu.vector_store %arg9[%swap3A_1003, %swap3A_1004, %swap3A_1005], %broadcast_in_dim3A_128 {strides = array<i32>} : memref<64x8x128xi32, #tpu.memory_space<vmem>>, vector<16xi32>,
      %swap3A_1007 = arith.constant 3 : i32
      %swap3A_1008 = arith.index_cast %scan3A_887 : i32 to index
      %swap3A_1009 = arith.index_cast %swap3A_1007 : i32 to index
      %swap3A_1010 = arith.constant 0 : index
      %swap3A_1011 = tpu.vector_load %arg9[%swap3A_1008, %swap3A_1009, %swap3A_1010] {strides = array<i32>} : memref<64x8x128xi32, #tpu.memory_space<vmem>>, vector<16xi32>,
      tpu.vector_store %arg9[%swap3A_1008, %swap3A_1009, %swap3A_1010], %broadcast_in_dim3A_128 {strides = array<i32>} : memref<64x8x128xi32, #tpu.memory_space<vmem>>, vector<16xi32>,
      %swap3A_1012 = arith.constant 3 : i32
      %swap3A_1013 = arith.index_cast %scan3A_887 : i32 to index
      %swap3A_1014 = arith.index_cast %swap3A_1012 : i32 to index
      %swap3A_1015 = arith.constant 16 : index
      %swap3A_1016 = tpu.vector_load %arg9[%swap3A_1013, %swap3A_1014, %swap3A_1015] {strides = array<i32>} : memref<64x8x128xi32, #tpu.memory_space<vmem>>, vector<16xi32>,
      tpu.vector_store %arg9[%swap3A_1013, %swap3A_1014, %swap3A_1015], %broadcast_in_dim3A_128 {strides = array<i32>} : memref<64x8x128xi32, #tpu.memory_space<vmem>>, vector<16xi32>,
      %swap3A_1017 = arith.constant 3 : i32
      %swap3A_1018 = arith.index_cast %scan3A_887 : i32 to index
      %swap3A_1019 = arith.index_cast %swap3A_1017 : i32 to index
      %swap3A_1020 = arith.constant 32 : index
      %swap3A_1021 = tpu.vector_load %arg9[%swap3A_1018, %swap3A_1019, %swap3A_1020] {strides = array<i32>} : memref<64x8x128xi32, #tpu.memory_space<vmem>>, vector<16xi32>,
      tpu.vector_store %arg9[%swap3A_1018, %swap3A_1019, %swap3A_1020], %broadcast_in_dim3A_128 {strides = array<i32>} : memref<64x8x128xi32, #tpu.memory_space<vmem>>, vector<16xi32>,
      %swap3A_1022 = arith.constant 3 : i32
      %swap3A_1023 = arith.index_cast %scan3A_887 : i32 to index
      %swap3A_1024 = arith.index_cast %swap3A_1022 : i32 to index
      %swap3A_1025 = arith.constant 48 : index
      %swap3A_1026 = tpu.vector_load %arg9[%swap3A_1023, %swap3A_1024, %swap3A_1025] {strides = array<i32>} : memref<64x8x128xi32, #tpu.memory_space<vmem>>, vector<16xi32>,
      tpu.vector_store %arg9[%swap3A_1023, %swap3A_1024, %swap3A_1025], %broadcast_in_dim3A_128 {strides = array<i32>} : memref<64x8x128xi32, #tpu.memory_space<vmem>>, vector<16xi32>,
      %swap3A_1027 = arith.constant 3 : i32
      %swap3A_1028 = arith.index_cast %scan3A_887 : i32 to index
      %swap3A_1029 = arith.index_cast %swap3A_1027 : i32 to index
      %swap3A_1030 = arith.constant 64 : index
      %swap3A_1031 = tpu.vector_load %arg9[%swap3A_1028, %swap3A_1029, %swap3A_1030] {strides = array<i32>} : memref<64x8x128xi32, #tpu.memory_space<vmem>>, vector<16xi32>,
      tpu.vector_store %arg9[%swap3A_1028, %swap3A_1029, %swap3A_1030], %broadcast_in_dim3A_128 {strides = array<i32>} : memref<64x8x128xi32, #tpu.memory_space<vmem>>, vector<16xi32>,
      %swap3A_1032 = arith.constant 3 : i32
      %swap3A_1033 = arith.index_cast %scan3A_887 : i32 to index
      %swap3A_1034 = arith.index_cast %swap3A_1032 : i32 to index
      %swap3A_1035 = arith.constant 80 : index
      %swap3A_1036 = tpu.vector_load %arg9[%swap3A_1033, %swap3A_1034, %swap3A_1035] {strides = array<i32>} : memref<64x8x128xi32, #tpu.memory_space<vmem>>, vector<16xi32>,
      tpu.vector_store %arg9[%swap3A_1033, %swap3A_1034, %swap3A_1035], %broadcast_in_dim3A_128 {strides = array<i32>} : memref<64x8x128xi32, #tpu.memory_space<vmem>>, vector<16xi32>,
      %swap3A_1037 = arith.constant 3 : i32
      %swap3A_1038 = arith.index_cast %scan3A_887 : i32 to index
      %swap3A_1039 = arith.index_cast %swap3A_1037 : i32 to index
      %swap3A_1040 = arith.constant 96 : index
      %swap3A_1041 = tpu.vector_load %arg9[%swap3A_1038, %swap3A_1039, %swap3A_1040] {strides = array<i32>} : memref<64x8x128xi32, #tpu.memory_space<vmem>>, vector<16xi32>,
      tpu.vector_store %arg9[%swap3A_1038, %swap3A_1039, %swap3A_1040], %broadcast_in_dim3A_128 {strides = array<i32>} : memref<64x8x128xi32, #tpu.memory_space<vmem>>, vector<16xi32>,
      %swap3A_1042 = arith.constant 3 : i32
      %swap3A_1043 = arith.index_cast %scan3A_887 : i32 to index
      %swap3A_1044 = arith.index_cast %swap3A_1042 : i32 to index
      %swap3A_1045 = arith.constant 112 : index
      %swap3A_1046 = tpu.vector_load %arg9[%swap3A_1043, %swap3A_1044, %swap3A_1045] {strides = array<i32>} : memref<64x8x128xi32, #tpu.memory_space<vmem>>, vector<16xi32>,
      tpu.vector_store %arg9[%swap3A_1043, %swap3A_1044, %swap3A_1045], %broadcast_in_dim3A_128 {strides = array<i32>} : memref<64x8x128xi32, #tpu.memory_space<vmem>>, vector<16xi32>,
      %swap3A_1047 = arith.constant 4 : i32
      %swap3A_1048 = arith.index_cast %scan3A_887 : i32 to index
      %swap3A_1049 = arith.index_cast %swap3A_1047 : i32 to index
      %swap3A_1050 = arith.constant 0 : index
      %swap3A_1051 = tpu.vector_load %arg9[%swap3A_1048, %swap3A_1049, %swap3A_1050] {strides = array<i32>} : memref<64x8x128xi32, #tpu.memory_space<vmem>>, vector<16xi32>,
      tpu.vector_store %arg9[%swap3A_1048, %swap3A_1049, %swap3A_1050], %broadcast_in_dim3A_128 {strides = array<i32>} : memref<64x8x128xi32, #tpu.memory_space<vmem>>, vector<16xi32>,
      %swap3A_1052 = arith.constant 4 : i32
      %swap3A_1053 = arith.index_cast %scan3A_887 : i32 to index
      %swap3A_1054 = arith.index_cast %swap3A_1052 : i32 to index
      %swap3A_1055 = arith.constant 16 : index
      %swap3A_1056 = tpu.vector_load %arg9[%swap3A_1053, %swap3A_1054, %swap3A_1055] {strides = array<i32>} : memref<64x8x128xi32, #tpu.memory_space<vmem>>, vector<16xi32>,
      tpu.vector_store %arg9[%swap3A_1053, %swap3A_1054, %swap3A_1055], %broadcast_in_dim3A_128 {strides = array<i32>} : memref<64x8x128xi32, #tpu.memory_space<vmem>>, vector<16xi32>,
      %swap3A_1057 = arith.constant 4 : i32
      %swap3A_1058 = arith.index_cast %scan3A_887 : i32 to index
      %swap3A_1059 = arith.index_cast %swap3A_1057 : i32 to index
      %swap3A_1060 = arith.constant 32 : index
      %swap3A_1061 = tpu.vector_load %arg9[%swap3A_1058, %swap3A_1059, %swap3A_1060] {strides = array<i32>} : memref<64x8x128xi32, #tpu.memory_space<vmem>>, vector<16xi32>,
      tpu.vector_store %arg9[%swap3A_1058, %swap3A_1059, %swap3A_1060], %broadcast_in_dim3A_128 {strides = array<i32>} : memref<64x8x128xi32, #tpu.memory_space<vmem>>, vector<16xi32>,
      %swap3A_1062 = arith.constant 4 : i32
      %swap3A_1063 = arith.index_cast %scan3A_887 : i32 to index
      %swap3A_1064 = arith.index_cast %swap3A_1062 : i32 to index
      %swap3A_1065 = arith.constant 48 : index
      %swap3A_1066 = tpu.vector_load %arg9[%swap3A_1063, %swap3A_1064, %swap3A_1065] {strides = array<i32>} : memref<64x8x128xi32, #tpu.memory_space<vmem>>, vector<16xi32>,
      tpu.vector_store %arg9[%swap3A_1063, %swap3A_1064, %swap3A_1065], %broadcast_in_dim3A_128 {strides = array<i32>} : memref<64x8x128xi32, #tpu.memory_space<vmem>>, vector<16xi32>,
      %swap3A_1067 = arith.constant 4 : i32
      %swap3A_1068 = arith.index_cast %scan3A_887 : i32 to index
      %swap3A_1069 = arith.index_cast %swap3A_1067 : i32 to index
      %swap3A_1070 = arith.constant 64 : index
      %swap3A_1071 = tpu.vector_load %arg9[%swap3A_1068, %swap3A_1069, %swap3A_1070] {strides = array<i32>} : memref<64x8x128xi32, #tpu.memory_space<vmem>>, vector<16xi32>,
      tpu.vector_store %arg9[%swap3A_1068, %swap3A_1069, %swap3A_1070], %broadcast_in_dim3A_128 {strides = array<i32>} : memref<64x8x128xi32, #tpu.memory_space<vmem>>, vector<16xi32>,
      %swap3A_1072 = arith.constant 4 : i32
      %swap3A_1073 = arith.index_cast %scan3A_887 : i32 to index
      %swap3A_1074 = arith.index_cast %swap3A_1072 : i32 to index
      %swap3A_1075 = arith.constant 80 : index
      %swap3A_1076 = tpu.vector_load %arg9[%swap3A_1073, %swap3A_1074, %swap3A_1075] {strides = array<i32>} : memref<64x8x128xi32, #tpu.memory_space<vmem>>, vector<16xi32>,
      tpu.vector_store %arg9[%swap3A_1073, %swap3A_1074, %swap3A_1075], %broadcast_in_dim3A_128 {strides = array<i32>} : memref<64x8x128xi32, #tpu.memory_space<vmem>>, vector<16xi32>,
      %swap3A_1077 = arith.constant 4 : i32
      %swap3A_1078 = arith.index_cast %scan3A_887 : i32 to index
      %swap3A_1079 = arith.index_cast %swap3A_1077 : i32 to index
      %swap3A_1080 = arith.constant 96 : index
      %swap3A_1081 = tpu.vector_load %arg9[%swap3A_1078, %swap3A_1079, %swap3A_1080] {strides = array<i32>} : memref<64x8x128xi32, #tpu.memory_space<vmem>>, vector<16xi32>,
      tpu.vector_store %arg9[%swap3A_1078, %swap3A_1079, %swap3A_1080], %broadcast_in_dim3A_128 {strides = array<i32>} : memref<64x8x128xi32, #tpu.memory_space<vmem>>, vector<16xi32>,
      %swap3A_1082 = arith.constant 4 : i32
      %swap3A_1083 = arith.index_cast %scan3A_887 : i32 to index
      %swap3A_1084 = arith.index_cast %swap3A_1082 : i32 to index
      %swap3A_1085 = arith.constant 112 : index
      %swap3A_1086 = tpu.vector_load %arg9[%swap3A_1083, %swap3A_1084, %swap3A_1085] {strides = array<i32>} : memref<64x8x128xi32, #tpu.memory_space<vmem>>, vector<16xi32>,
      tpu.vector_store %arg9[%swap3A_1083, %swap3A_1084, %swap3A_1085], %broadcast_in_dim3A_128 {strides = array<i32>} : memref<64x8x128xi32, #tpu.memory_space<vmem>>, vector<16xi32>,
      %swap3A_1087 = arith.constant 5 : i32
      %swap3A_1088 = arith.index_cast %scan3A_887 : i32 to index
      %swap3A_1089 = arith.index_cast %swap3A_1087 : i32 to index
      %swap3A_1090 = arith.constant 0 : index
      %swap3A_1091 = tpu.vector_load %arg9[%swap3A_1088, %swap3A_1089, %swap3A_1090] {strides = array<i32>} : memref<64x8x128xi32, #tpu.memory_space<vmem>>, vector<16xi32>,
      tpu.vector_store %arg9[%swap3A_1088, %swap3A_1089, %swap3A_1090], %broadcast_in_dim3A_128 {strides = array<i32>} : memref<64x8x128xi32, #tpu.memory_space<vmem>>, vector<16xi32>,
      %swap3A_1092 = arith.constant 5 : i32
      %swap3A_1093 = arith.index_cast %scan3A_887 : i32 to index
      %swap3A_1094 = arith.index_cast %swap3A_1092 : i32 to index
      %swap3A_1095 = arith.constant 16 : index
      %swap3A_1096 = tpu.vector_load %arg9[%swap3A_1093, %swap3A_1094, %swap3A_1095] {strides = array<i32>} : memref<64x8x128xi32, #tpu.memory_space<vmem>>, vector<16xi32>,
      tpu.vector_store %arg9[%swap3A_1093, %swap3A_1094, %swap3A_1095], %broadcast_in_dim3A_128 {strides = array<i32>} : memref<64x8x128xi32, #tpu.memory_space<vmem>>, vector<16xi32>,
      %swap3A_1097 = arith.constant 5 : i32
      %swap3A_1098 = arith.index_cast %scan3A_887 : i32 to index
      %swap3A_1099 = arith.index_cast %swap3A_1097 : i32 to index
      %swap3A_1100 = arith.constant 32 : index
      %swap3A_1101 = tpu.vector_load %arg9[%swap3A_1098, %swap3A_1099, %swap3A_1100] {strides = array<i32>} : memref<64x8x128xi32, #tpu.memory_space<vmem>>, vector<16xi32>,
      tpu.vector_store %arg9[%swap3A_1098, %swap3A_1099, %swap3A_1100], %broadcast_in_dim3A_128 {strides = array<i32>} : memref<64x8x128xi32, #tpu.memory_space<vmem>>, vector<16xi32>,
      %swap3A_1102 = arith.constant 5 : i32
      %swap3A_1103 = arith.index_cast %scan3A_887 : i32 to index
      %swap3A_1104 = arith.index_cast %swap3A_1102 : i32 to index
      %swap3A_1105 = arith.constant 48 : index
      %swap3A_1106 = tpu.vector_load %arg9[%swap3A_1103, %swap3A_1104, %swap3A_1105] {strides = array<i32>} : memref<64x8x128xi32, #tpu.memory_space<vmem>>, vector<16xi32>,
      tpu.vector_store %arg9[%swap3A_1103, %swap3A_1104, %swap3A_1105], %broadcast_in_dim3A_128 {strides = array<i32>} : memref<64x8x128xi32, #tpu.memory_space<vmem>>, vector<16xi32>,
      %swap3A_1107 = arith.constant 5 : i32
      %swap3A_1108 = arith.index_cast %scan3A_887 : i32 to index
      %swap3A_1109 = arith.index_cast %swap3A_1107 : i32 to index
      %swap3A_1110 = arith.constant 64 : index
      %swap3A_1111 = tpu.vector_load %arg9[%swap3A_1108, %swap3A_1109, %swap3A_1110] {strides = array<i32>} : memref<64x8x128xi32, #tpu.memory_space<vmem>>, vector<16xi32>,
      tpu.vector_store %arg9[%swap3A_1108, %swap3A_1109, %swap3A_1110], %broadcast_in_dim3A_128 {strides = array<i32>} : memref<64x8x128xi32, #tpu.memory_space<vmem>>, vector<16xi32>,
      %swap3A_1112 = arith.constant 5 : i32
      %swap3A_1113 = arith.index_cast %scan3A_887 : i32 to index
      %swap3A_1114 = arith.index_cast %swap3A_1112 : i32 to index
      %swap3A_1115 = arith.constant 80 : index
      %swap3A_1116 = tpu.vector_load %arg9[%swap3A_1113, %swap3A_1114, %swap3A_1115] {strides = array<i32>} : memref<64x8x128xi32, #tpu.memory_space<vmem>>, vector<16xi32>,
      tpu.vector_store %arg9[%swap3A_1113, %swap3A_1114, %swap3A_1115], %broadcast_in_dim3A_128 {strides = array<i32>} : memref<64x8x128xi32, #tpu.memory_space<vmem>>, vector<16xi32>,
      %swap3A_1117 = arith.constant 5 : i32
      %swap3A_1118 = arith.index_cast %scan3A_887 : i32 to index
      %swap3A_1119 = arith.index_cast %swap3A_1117 : i32 to index
      %swap3A_1120 = arith.constant 96 : index
      %swap3A_1121 = tpu.vector_load %arg9[%swap3A_1118, %swap3A_1119, %swap3A_1120] {strides = array<i32>} : memref<64x8x128xi32, #tpu.memory_space<vmem>>, vector<16xi32>,
      tpu.vector_store %arg9[%swap3A_1118, %swap3A_1119, %swap3A_1120], %broadcast_in_dim3A_128 {strides = array<i32>} : memref<64x8x128xi32, #tpu.memory_space<vmem>>, vector<16xi32>,
      %swap3A_1122 = arith.constant 5 : i32
      %swap3A_1123 = arith.index_cast %scan3A_887 : i32 to index
      %swap3A_1124 = arith.index_cast %swap3A_1122 : i32 to index
      %swap3A_1125 = arith.constant 112 : index
      %swap3A_1126 = tpu.vector_load %arg9[%swap3A_1123, %swap3A_1124, %swap3A_1125] {strides = array<i32>} : memref<64x8x128xi32, #tpu.memory_space<vmem>>, vector<16xi32>,
      tpu.vector_store %arg9[%swap3A_1123, %swap3A_1124, %swap3A_1125], %broadcast_in_dim3A_128 {strides = array<i32>} : memref<64x8x128xi32, #tpu.memory_space<vmem>>, vector<16xi32>,
      %swap3A_1127 = arith.constant 6 : i32
      %swap3A_1128 = arith.index_cast %scan3A_887 : i32 to index
      %swap3A_1129 = arith.index_cast %swap3A_1127 : i32 to index
      %swap3A_1130 = arith.constant 0 : index
      %swap3A_1131 = tpu.vector_load %arg9[%swap3A_1128, %swap3A_1129, %swap3A_1130] {strides = array<i32>} : memref<64x8x128xi32, #tpu.memory_space<vmem>>, vector<16xi32>,
      tpu.vector_store %arg9[%swap3A_1128, %swap3A_1129, %swap3A_1130], %broadcast_in_dim3A_128 {strides = array<i32>} : memref<64x8x128xi32, #tpu.memory_space<vmem>>, vector<16xi32>,
      %swap3A_1132 = arith.constant 6 : i32
      %swap3A_1133 = arith.index_cast %scan3A_887 : i32 to index
      %swap3A_1134 = arith.index_cast %swap3A_1132 : i32 to index
      %swap3A_1135 = arith.constant 16 : index
      %swap3A_1136 = tpu.vector_load %arg9[%swap3A_1133, %swap3A_1134, %swap3A_1135] {strides = array<i32>} : memref<64x8x128xi32, #tpu.memory_space<vmem>>, vector<16xi32>,
      tpu.vector_store %arg9[%swap3A_1133, %swap3A_1134, %swap3A_1135], %broadcast_in_dim3A_128 {strides = array<i32>} : memref<64x8x128xi32, #tpu.memory_space<vmem>>, vector<16xi32>,
      %swap3A_1137 = arith.constant 6 : i32
      %swap3A_1138 = arith.index_cast %scan3A_887 : i32 to index
      %swap3A_1139 = arith.index_cast %swap3A_1137 : i32 to index
      %swap3A_1140 = arith.constant 32 : index
      %swap3A_1141 = tpu.vector_load %arg9[%swap3A_1138, %swap3A_1139, %swap3A_1140] {strides = array<i32>} : memref<64x8x128xi32, #tpu.memory_space<vmem>>, vector<16xi32>,
      tpu.vector_store %arg9[%swap3A_1138, %swap3A_1139, %swap3A_1140], %broadcast_in_dim3A_128 {strides = array<i32>} : memref<64x8x128xi32, #tpu.memory_space<vmem>>, vector<16xi32>,
      %swap3A_1142 = arith.constant 6 : i32
      %swap3A_1143 = arith.index_cast %scan3A_887 : i32 to index
      %swap3A_1144 = arith.index_cast %swap3A_1142 : i32 to index
      %swap3A_1145 = arith.constant 48 : index
      %swap3A_1146 = tpu.vector_load %arg9[%swap3A_1143, %swap3A_1144, %swap3A_1145] {strides = array<i32>} : memref<64x8x128xi32, #tpu.memory_space<vmem>>, vector<16xi32>,
      tpu.vector_store %arg9[%swap3A_1143, %swap3A_1144, %swap3A_1145], %broadcast_in_dim3A_128 {strides = array<i32>} : memref<64x8x128xi32, #tpu.memory_space<vmem>>, vector<16xi32>,
      %swap3A_1147 = arith.constant 6 : i32
      %swap3A_1148 = arith.index_cast %scan3A_887 : i32 to index
      %swap3A_1149 = arith.index_cast %swap3A_1147 : i32 to index
      %swap3A_1150 = arith.constant 64 : index
      %swap3A_1151 = tpu.vector_load %arg9[%swap3A_1148, %swap3A_1149, %swap3A_1150] {strides = array<i32>} : memref<64x8x128xi32, #tpu.memory_space<vmem>>, vector<16xi32>,
      tpu.vector_store %arg9[%swap3A_1148, %swap3A_1149, %swap3A_1150], %broadcast_in_dim3A_128 {strides = array<i32>} : memref<64x8x128xi32, #tpu.memory_space<vmem>>, vector<16xi32>,
      %swap3A_1152 = arith.constant 6 : i32
      %swap3A_1153 = arith.index_cast %scan3A_887 : i32 to index
      %swap3A_1154 = arith.index_cast %swap3A_1152 : i32 to index
      %swap3A_1155 = arith.constant 80 : index
      %swap3A_1156 = tpu.vector_load %arg9[%swap3A_1153, %swap3A_1154, %swap3A_1155] {strides = array<i32>} : memref<64x8x128xi32, #tpu.memory_space<vmem>>, vector<16xi32>,
      tpu.vector_store %arg9[%swap3A_1153, %swap3A_1154, %swap3A_1155], %broadcast_in_dim3A_128 {strides = array<i32>} : memref<64x8x128xi32, #tpu.memory_space<vmem>>, vector<16xi32>,
      %swap3A_1157 = arith.constant 6 : i32
      %swap3A_1158 = arith.index_cast %scan3A_887 : i32 to index
      %swap3A_1159 = arith.index_cast %swap3A_1157 : i32 to index
      %swap3A_1160 = arith.constant 96 : index
      %swap3A_1161 = tpu.vector_load %arg9[%swap3A_1158, %swap3A_1159, %swap3A_1160] {strides = array<i32>} : memref<64x8x128xi32, #tpu.memory_space<vmem>>, vector<16xi32>,
      tpu.vector_store %arg9[%swap3A_1158, %swap3A_1159, %swap3A_1160], %broadcast_in_dim3A_128 {strides = array<i32>} : memref<64x8x128xi32, #tpu.memory_space<vmem>>, vector<16xi32>,
      %swap3A_1162 = arith.constant 6 : i32
      %swap3A_1163 = arith.index_cast %scan3A_887 : i32 to index
      %swap3A_1164 = arith.index_cast %swap3A_1162 : i32 to index
      %swap3A_1165 = arith.constant 112 : index
      %swap3A_1166 = tpu.vector_load %arg9[%swap3A_1163, %swap3A_1164, %swap3A_1165] {strides = array<i32>} : memref<64x8x128xi32, #tpu.memory_space<vmem>>, vector<16xi32>,
      tpu.vector_store %arg9[%swap3A_1163, %swap3A_1164, %swap3A_1165], %broadcast_in_dim3A_128 {strides = array<i32>} : memref<64x8x128xi32, #tpu.memory_space<vmem>>, vector<16xi32>,
      %swap3A_1167 = arith.constant 7 : i32
      %swap3A_1168 = arith.index_cast %scan3A_887 : i32 to index
      %swap3A_1169 = arith.index_cast %swap3A_1167 : i32 to index
      %swap3A_1170 = arith.constant 0 : index
      %swap3A_1171 = tpu.vector_load %arg9[%swap3A_1168, %swap3A_1169, %swap3A_1170] {strides = array<i32>} : memref<64x8x128xi32, #tpu.memory_space<vmem>>, vector<16xi32>,
      tpu.vector_store %arg9[%swap3A_1168, %swap3A_1169, %swap3A_1170], %broadcast_in_dim3A_128 {strides = array<i32>} : memref<64x8x128xi32, #tpu.memory_space<vmem>>, vector<16xi32>,
      %swap3A_1172 = arith.constant 7 : i32
      %swap3A_1173 = arith.index_cast %scan3A_887 : i32 to index
      %swap3A_1174 = arith.index_cast %swap3A_1172 : i32 to index
      %swap3A_1175 = arith.constant 16 : index
      %swap3A_1176 = tpu.vector_load %arg9[%swap3A_1173, %swap3A_1174, %swap3A_1175] {strides = array<i32>} : memref<64x8x128xi32, #tpu.memory_space<vmem>>, vector<16xi32>,
      tpu.vector_store %arg9[%swap3A_1173, %swap3A_1174, %swap3A_1175], %broadcast_in_dim3A_128 {strides = array<i32>} : memref<64x8x128xi32, #tpu.memory_space<vmem>>, vector<16xi32>,
      %swap3A_1177 = arith.constant 7 : i32
      %swap3A_1178 = arith.index_cast %scan3A_887 : i32 to index
      %swap3A_1179 = arith.index_cast %swap3A_1177 : i32 to index
      %swap3A_1180 = arith.constant 32 : index
      %swap3A_1181 = tpu.vector_load %arg9[%swap3A_1178, %swap3A_1179, %swap3A_1180] {strides = array<i32>} : memref<64x8x128xi32, #tpu.memory_space<vmem>>, vector<16xi32>,
      tpu.vector_store %arg9[%swap3A_1178, %swap3A_1179, %swap3A_1180], %broadcast_in_dim3A_128 {strides = array<i32>} : memref<64x8x128xi32, #tpu.memory_space<vmem>>, vector<16xi32>,
      %swap3A_1182 = arith.constant 7 : i32
      %swap3A_1183 = arith.index_cast %scan3A_887 : i32 to index
      %swap3A_1184 = arith.index_cast %swap3A_1182 : i32 to index
      %swap3A_1185 = arith.constant 48 : index
      %swap3A_1186 = tpu.vector_load %arg9[%swap3A_1183, %swap3A_1184, %swap3A_1185] {strides = array<i32>} : memref<64x8x128xi32, #tpu.memory_space<vmem>>, vector<16xi32>,
      tpu.vector_store %arg9[%swap3A_1183, %swap3A_1184, %swap3A_1185], %broadcast_in_dim3A_128 {strides = array<i32>} : memref<64x8x128xi32, #tpu.memory_space<vmem>>, vector<16xi32>,
      %swap3A_1187 = arith.constant 7 : i32
      %swap3A_1188 = arith.index_cast %scan3A_887 : i32 to index
      %swap3A_1189 = arith.index_cast %swap3A_1187 : i32 to index
      %swap3A_1190 = arith.constant 64 : index
      %swap3A_1191 = tpu.vector_load %arg9[%swap3A_1188, %swap3A_1189, %swap3A_1190] {strides = array<i32>} : memref<64x8x128xi32, #tpu.memory_space<vmem>>, vector<16xi32>,
      tpu.vector_store %arg9[%swap3A_1188, %swap3A_1189, %swap3A_1190], %broadcast_in_dim3A_128 {strides = array<i32>} : memref<64x8x128xi32, #tpu.memory_space<vmem>>, vector<16xi32>,
      %swap3A_1192 = arith.constant 7 : i32
      %swap3A_1193 = arith.index_cast %scan3A_887 : i32 to index
      %swap3A_1194 = arith.index_cast %swap3A_1192 : i32 to index
      %swap3A_1195 = arith.constant 80 : index
      %swap3A_1196 = tpu.vector_load %arg9[%swap3A_1193, %swap3A_1194, %swap3A_1195] {strides = array<i32>} : memref<64x8x128xi32, #tpu.memory_space<vmem>>, vector<16xi32>,
      tpu.vector_store %arg9[%swap3A_1193, %swap3A_1194, %swap3A_1195], %broadcast_in_dim3A_128 {strides = array<i32>} : memref<64x8x128xi32, #tpu.memory_space<vmem>>, vector<16xi32>,
      %swap3A_1197 = arith.constant 7 : i32
      %swap3A_1198 = arith.index_cast %scan3A_887 : i32 to index
      %swap3A_1199 = arith.index_cast %swap3A_1197 : i32 to index
      %swap3A_1200 = arith.constant 96 : index
      %swap3A_1201 = tpu.vector_load %arg9[%swap3A_1198, %swap3A_1199, %swap3A_1200] {strides = array<i32>} : memref<64x8x128xi32, #tpu.memory_space<vmem>>, vector<16xi32>,
      tpu.vector_store %arg9[%swap3A_1198, %swap3A_1199, %swap3A_1200], %broadcast_in_dim3A_128 {strides = array<i32>} : memref<64x8x128xi32, #tpu.memory_space<vmem>>, vector<16xi32>,
      %swap3A_1202 = arith.constant 7 : i32
      %swap3A_1203 = arith.index_cast %scan3A_887 : i32 to index
      %swap3A_1204 = arith.index_cast %swap3A_1202 : i32 to index
      %swap3A_1205 = arith.constant 112 : index
      %swap3A_1206 = tpu.vector_load %arg9[%swap3A_1203, %swap3A_1204, %swap3A_1205] {strides = array<i32>} : memref<64x8x128xi32, #tpu.memory_space<vmem>>, vector<16xi32>,
      tpu.vector_store %arg9[%swap3A_1203, %swap3A_1204, %swap3A_1205], %broadcast_in_dim3A_128 {strides = array<i32>} : memref<64x8x128xi32, #tpu.memory_space<vmem>>, vector<16xi32>,
      %scan3A_1207 = arith.constant 1 : i32
      %scan3A_1208 = arith.addi %scan3A_887, %scan3A_1207 : i32
      %swap3A_1209 = arith.constant 0 : i32
      %swap3A_1210 = arith.index_cast %scan3A_1208 : i32 to index
      %swap3A_1211 = arith.index_cast %swap3A_1209 : i32 to index
      %swap3A_1212 = arith.constant 0 : index
      %swap3A_1213 = tpu.vector_load %arg9[%swap3A_1210, %swap3A_1211, %swap3A_1212] {strides = array<i32>} : memref<64x8x128xi32, #tpu.memory_space<vmem>>, vector<16xi32>,
      tpu.vector_store %arg9[%swap3A_1210, %swap3A_1211, %swap3A_1212], %broadcast_in_dim3A_128 {strides = array<i32>} : memref<64x8x128xi32, #tpu.memory_space<vmem>>, vector<16xi32>,
      %swap3A_1214 = arith.constant 0 : i32
      %swap3A_1215 = arith.index_cast %scan3A_1208 : i32 to index
      %swap3A_1216 = arith.index_cast %swap3A_1214 : i32 to index
      %swap3A_1217 = arith.constant 16 : index
      %swap3A_1218 = tpu.vector_load %arg9[%swap3A_1215, %swap3A_1216, %swap3A_1217] {strides = array<i32>} : memref<64x8x128xi32, #tpu.memory_space<vmem>>, vector<16xi32>,
      tpu.vector_store %arg9[%swap3A_1215, %swap3A_1216, %swap3A_1217], %broadcast_in_dim3A_128 {strides = array<i32>} : memref<64x8x128xi32, #tpu.memory_space<vmem>>, vector<16xi32>,
      %swap3A_1219 = arith.constant 0 : i32
      %swap3A_1220 = arith.index_cast %scan3A_1208 : i32 to index
      %swap3A_1221 = arith.index_cast %swap3A_1219 : i32 to index
      %swap3A_1222 = arith.constant 32 : index
      %swap3A_1223 = tpu.vector_load %arg9[%swap3A_1220, %swap3A_1221, %swap3A_1222] {strides = array<i32>} : memref<64x8x128xi32, #tpu.memory_space<vmem>>, vector<16xi32>,
      tpu.vector_store %arg9[%swap3A_1220, %swap3A_1221, %swap3A_1222], %broadcast_in_dim3A_128 {strides = array<i32>} : memref<64x8x128xi32, #tpu.memory_space<vmem>>, vector<16xi32>,
      %swap3A_1224 = arith.constant 0 : i32
      %swap3A_1225 = arith.index_cast %scan3A_1208 : i32 to index
      %swap3A_1226 = arith.index_cast %swap3A_1224 : i32 to index
      %swap3A_1227 = arith.constant 48 : index
      %swap3A_1228 = tpu.vector_load %arg9[%swap3A_1225, %swap3A_1226, %swap3A_1227] {strides = array<i32>} : memref<64x8x128xi32, #tpu.memory_space<vmem>>, vector<16xi32>,
      tpu.vector_store %arg9[%swap3A_1225, %swap3A_1226, %swap3A_1227], %broadcast_in_dim3A_128 {strides = array<i32>} : memref<64x8x128xi32, #tpu.memory_space<vmem>>, vector<16xi32>,
      %swap3A_1229 = arith.constant 0 : i32
      %swap3A_1230 = arith.index_cast %scan3A_1208 : i32 to index
      %swap3A_1231 = arith.index_cast %swap3A_1229 : i32 to index
      %swap3A_1232 = arith.constant 64 : index
      %swap3A_1233 = tpu.vector_load %arg9[%swap3A_1230, %swap3A_1231, %swap3A_1232] {strides = array<i32>} : memref<64x8x128xi32, #tpu.memory_space<vmem>>, vector<16xi32>,
      tpu.vector_store %arg9[%swap3A_1230, %swap3A_1231, %swap3A_1232], %broadcast_in_dim3A_128 {strides = array<i32>} : memref<64x8x128xi32, #tpu.memory_space<vmem>>, vector<16xi32>,
      %swap3A_1234 = arith.constant 0 : i32
      %swap3A_1235 = arith.index_cast %scan3A_1208 : i32 to index
      %swap3A_1236 = arith.index_cast %swap3A_1234 : i32 to index
      %swap3A_1237 = arith.constant 80 : index
      %swap3A_1238 = tpu.vector_load %arg9[%swap3A_1235, %swap3A_1236, %swap3A_1237] {strides = array<i32>} : memref<64x8x128xi32, #tpu.memory_space<vmem>>, vector<16xi32>,
      tpu.vector_store %arg9[%swap3A_1235, %swap3A_1236, %swap3A_1237], %broadcast_in_dim3A_128 {strides = array<i32>} : memref<64x8x128xi32, #tpu.memory_space<vmem>>, vector<16xi32>,
      %swap3A_1239 = arith.constant 0 : i32
      %swap3A_1240 = arith.index_cast %scan3A_1208 : i32 to index
      %swap3A_1241 = arith.index_cast %swap3A_1239 : i32 to index
      %swap3A_1242 = arith.constant 96 : index
      %swap3A_1243 = tpu.vector_load %arg9[%swap3A_1240, %swap3A_1241, %swap3A_1242] {strides = array<i32>} : memref<64x8x128xi32, #tpu.memory_space<vmem>>, vector<16xi32>,
      tpu.vector_store %arg9[%swap3A_1240, %swap3A_1241, %swap3A_1242], %broadcast_in_dim3A_128 {strides = array<i32>} : memref<64x8x128xi32, #tpu.memory_space<vmem>>, vector<16xi32>,
      %swap3A_1244 = arith.constant 0 : i32
      %swap3A_1245 = arith.index_cast %scan3A_1208 : i32 to index
      %swap3A_1246 = arith.index_cast %swap3A_1244 : i32 to index
      %swap3A_1247 = arith.constant 112 : index
      %swap3A_1248 = tpu.vector_load %arg9[%swap3A_1245, %swap3A_1246, %swap3A_1247] {strides = array<i32>} : memref<64x8x128xi32, #tpu.memory_space<vmem>>, vector<16xi32>,
      tpu.vector_store %arg9[%swap3A_1245, %swap3A_1246, %swap3A_1247], %broadcast_in_dim3A_128 {strides = array<i32>} : memref<64x8x128xi32, #tpu.memory_space<vmem>>, vector<16xi32>,
      %swap3A_1249 = arith.constant 1 : i32
      %swap3A_1250 = arith.index_cast %scan3A_1208 : i32 to index
      %swap3A_1251 = arith.index_cast %swap3A_1249 : i32 to index
      %swap3A_1252 = arith.constant 0 : index
      %swap3A_1253 = tpu.vector_load %arg9[%swap3A_1250, %swap3A_1251, %swap3A_1252] {strides = array<i32>} : memref<64x8x128xi32, #tpu.memory_space<vmem>>, vector<16xi32>,
      tpu.vector_store %arg9[%swap3A_1250, %swap3A_1251, %swap3A_1252], %broadcast_in_dim3A_128 {strides = array<i32>} : memref<64x8x128xi32, #tpu.memory_space<vmem>>, vector<16xi32>,
      %swap3A_1254 = arith.constant 1 : i32
      %swap3A_1255 = arith.index_cast %scan3A_1208 : i32 to index
      %swap3A_1256 = arith.index_cast %swap3A_1254 : i32 to index
      %swap3A_1257 = arith.constant 16 : index
      %swap3A_1258 = tpu.vector_load %arg9[%swap3A_1255, %swap3A_1256, %swap3A_1257] {strides = array<i32>} : memref<64x8x128xi32, #tpu.memory_space<vmem>>, vector<16xi32>,
      tpu.vector_store %arg9[%swap3A_1255, %swap3A_1256, %swap3A_1257], %broadcast_in_dim3A_128 {strides = array<i32>} : memref<64x8x128xi32, #tpu.memory_space<vmem>>, vector<16xi32>,
      %swap3A_1259 = arith.constant 1 : i32
      %swap3A_1260 = arith.index_cast %scan3A_1208 : i32 to index
      %swap3A_1261 = arith.index_cast %swap3A_1259 : i32 to index
      %swap3A_1262 = arith.constant 32 : index
      %swap3A_1263 = tpu.vector_load %arg9[%swap3A_1260, %swap3A_1261, %swap3A_1262] {strides = array<i32>} : memref<64x8x128xi32, #tpu.memory_space<vmem>>, vector<16xi32>,
      tpu.vector_store %arg9[%swap3A_1260, %swap3A_1261, %swap3A_1262], %broadcast_in_dim3A_128 {strides = array<i32>} : memref<64x8x128xi32, #tpu.memory_space<vmem>>, vector<16xi32>,
      %swap3A_1264 = arith.constant 1 : i32
      %swap3A_1265 = arith.index_cast %scan3A_1208 : i32 to index
      %swap3A_1266 = arith.index_cast %swap3A_1264 : i32 to index
      %swap3A_1267 = arith.constant 48 : index
      %swap3A_1268 = tpu.vector_load %arg9[%swap3A_1265, %swap3A_1266, %swap3A_1267] {strides = array<i32>} : memref<64x8x128xi32, #tpu.memory_space<vmem>>, vector<16xi32>,
      tpu.vector_store %arg9[%swap3A_1265, %swap3A_1266, %swap3A_1267], %broadcast_in_dim3A_128 {strides = array<i32>} : memref<64x8x128xi32, #tpu.memory_space<vmem>>, vector<16xi32>,
      %swap3A_1269 = arith.constant 1 : i32
      %swap3A_1270 = arith.index_cast %scan3A_1208 : i32 to index
      %swap3A_1271 = arith.index_cast %swap3A_1269 : i32 to index
      %swap3A_1272 = arith.constant 64 : index
      %swap3A_1273 = tpu.vector_load %arg9[%swap3A_1270, %swap3A_1271, %swap3A_1272] {strides = array<i32>} : memref<64x8x128xi32, #tpu.memory_space<vmem>>, vector<16xi32>,
      tpu.vector_store %arg9[%swap3A_1270, %swap3A_1271, %swap3A_1272], %broadcast_in_dim3A_128 {strides = array<i32>} : memref<64x8x128xi32, #tpu.memory_space<vmem>>, vector<16xi32>,
      %swap3A_1274 = arith.constant 1 : i32
      %swap3A_1275 = arith.index_cast %scan3A_1208 : i32 to index
      %swap3A_1276 = arith.index_cast %swap3A_1274 : i32 to index
      %swap3A_1277 = arith.constant 80 : index
      %swap3A_1278 = tpu.vector_load %arg9[%swap3A_1275, %swap3A_1276, %swap3A_1277] {strides = array<i32>} : memref<64x8x128xi32, #tpu.memory_space<vmem>>, vector<16xi32>,
      tpu.vector_store %arg9[%swap3A_1275, %swap3A_1276, %swap3A_1277], %broadcast_in_dim3A_128 {strides = array<i32>} : memref<64x8x128xi32, #tpu.memory_space<vmem>>, vector<16xi32>,
      %swap3A_1279 = arith.constant 1 : i32
      %swap3A_1280 = arith.index_cast %scan3A_1208 : i32 to index
      %swap3A_1281 = arith.index_cast %swap3A_1279 : i32 to index
      %swap3A_1282 = arith.constant 96 : index
      %swap3A_1283 = tpu.vector_load %arg9[%swap3A_1280, %swap3A_1281, %swap3A_1282] {strides = array<i32>} : memref<64x8x128xi32, #tpu.memory_space<vmem>>, vector<16xi32>,
      tpu.vector_store %arg9[%swap3A_1280, %swap3A_1281, %swap3A_1282], %broadcast_in_dim3A_128 {strides = array<i32>} : memref<64x8x128xi32, #tpu.memory_space<vmem>>, vector<16xi32>,
      %swap3A_1284 = arith.constant 1 : i32
      %swap3A_1285 = arith.index_cast %scan3A_1208 : i32 to index
      %swap3A_1286 = arith.index_cast %swap3A_1284 : i32 to index
      %swap3A_1287 = arith.constant 112 : index
      %swap3A_1288 = tpu.vector_load %arg9[%swap3A_1285, %swap3A_1286, %swap3A_1287] {strides = array<i32>} : memref<64x8x128xi32, #tpu.memory_space<vmem>>, vector<16xi32>,
      tpu.vector_store %arg9[%swap3A_1285, %swap3A_1286, %swap3A_1287], %broadcast_in_dim3A_128 {strides = array<i32>} : memref<64x8x128xi32, #tpu.memory_space<vmem>>, vector<16xi32>,
      %swap3A_1289 = arith.constant 2 : i32
      %swap3A_1290 = arith.index_cast %scan3A_1208 : i32 to index
      %swap3A_1291 = arith.index_cast %swap3A_1289 : i32 to index
      %swap3A_1292 = arith.constant 0 : index
      %swap3A_1293 = tpu.vector_load %arg9[%swap3A_1290, %swap3A_1291, %swap3A_1292] {strides = array<i32>} : memref<64x8x128xi32, #tpu.memory_space<vmem>>, vector<16xi32>,
      tpu.vector_store %arg9[%swap3A_1290, %swap3A_1291, %swap3A_1292], %broadcast_in_dim3A_128 {strides = array<i32>} : memref<64x8x128xi32, #tpu.memory_space<vmem>>, vector<16xi32>,
      %swap3A_1294 = arith.constant 2 : i32
      %swap3A_1295 = arith.index_cast %scan3A_1208 : i32 to index
      %swap3A_1296 = arith.index_cast %swap3A_1294 : i32 to index
      %swap3A_1297 = arith.constant 16 : index
      %swap3A_1298 = tpu.vector_load %arg9[%swap3A_1295, %swap3A_1296, %swap3A_1297] {strides = array<i32>} : memref<64x8x128xi32, #tpu.memory_space<vmem>>, vector<16xi32>,
      tpu.vector_store %arg9[%swap3A_1295, %swap3A_1296, %swap3A_1297], %broadcast_in_dim3A_128 {strides = array<i32>} : memref<64x8x128xi32, #tpu.memory_space<vmem>>, vector<16xi32>,
      %swap3A_1299 = arith.constant 2 : i32
      %swap3A_1300 = arith.index_cast %scan3A_1208 : i32 to index
      %swap3A_1301 = arith.index_cast %swap3A_1299 : i32 to index
      %swap3A_1302 = arith.constant 32 : index
      %swap3A_1303 = tpu.vector_load %arg9[%swap3A_1300, %swap3A_1301, %swap3A_1302] {strides = array<i32>} : memref<64x8x128xi32, #tpu.memory_space<vmem>>, vector<16xi32>,
      tpu.vector_store %arg9[%swap3A_1300, %swap3A_1301, %swap3A_1302], %broadcast_in_dim3A_128 {strides = array<i32>} : memref<64x8x128xi32, #tpu.memory_space<vmem>>, vector<16xi32>,
      %swap3A_1304 = arith.constant 2 : i32
      %swap3A_1305 = arith.index_cast %scan3A_1208 : i32 to index
      %swap3A_1306 = arith.index_cast %swap3A_1304 : i32 to index
      %swap3A_1307 = arith.constant 48 : index
      %swap3A_1308 = tpu.vector_load %arg9[%swap3A_1305, %swap3A_1306, %swap3A_1307] {strides = array<i32>} : memref<64x8x128xi32, #tpu.memory_space<vmem>>, vector<16xi32>,
      tpu.vector_store %arg9[%swap3A_1305, %swap3A_1306, %swap3A_1307], %broadcast_in_dim3A_128 {strides = array<i32>} : memref<64x8x128xi32, #tpu.memory_space<vmem>>, vector<16xi32>,
      %swap3A_1309 = arith.constant 2 : i32
      %swap3A_1310 = arith.index_cast %scan3A_1208 : i32 to index
      %swap3A_1311 = arith.index_cast %swap3A_1309 : i32 to index
      %swap3A_1312 = arith.constant 64 : index
      %swap3A_1313 = tpu.vector_load %arg9[%swap3A_1310, %swap3A_1311, %swap3A_1312] {strides = array<i32>} : memref<64x8x128xi32, #tpu.memory_space<vmem>>, vector<16xi32>,
      tpu.vector_store %arg9[%swap3A_1310, %swap3A_1311, %swap3A_1312], %broadcast_in_dim3A_128 {strides = array<i32>} : memref<64x8x128xi32, #tpu.memory_space<vmem>>, vector<16xi32>,
      %swap3A_1314 = arith.constant 2 : i32
      %swap3A_1315 = arith.index_cast %scan3A_1208 : i32 to index
      %swap3A_1316 = arith.index_cast %swap3A_1314 : i32 to index
      %swap3A_1317 = arith.constant 80 : index
      %swap3A_1318 = tpu.vector_load %arg9[%swap3A_1315, %swap3A_1316, %swap3A_1317] {strides = array<i32>} : memref<64x8x128xi32, #tpu.memory_space<vmem>>, vector<16xi32>,
      tpu.vector_store %arg9[%swap3A_1315, %swap3A_1316, %swap3A_1317], %broadcast_in_dim3A_128 {strides = array<i32>} : memref<64x8x128xi32, #tpu.memory_space<vmem>>, vector<16xi32>,
      %swap3A_1319 = arith.constant 2 : i32
      %swap3A_1320 = arith.index_cast %scan3A_1208 : i32 to index
      %swap3A_1321 = arith.index_cast %swap3A_1319 : i32 to index
      %swap3A_1322 = arith.constant 96 : index
      %swap3A_1323 = tpu.vector_load %arg9[%swap3A_1320, %swap3A_1321, %swap3A_1322] {strides = array<i32>} : memref<64x8x128xi32, #tpu.memory_space<vmem>>, vector<16xi32>,
      tpu.vector_store %arg9[%swap3A_1320, %swap3A_1321, %swap3A_1322], %broadcast_in_dim3A_128 {strides = array<i32>} : memref<64x8x128xi32, #tpu.memory_space<vmem>>, vector<16xi32>,
      %swap3A_1324 = arith.constant 2 : i32
      %swap3A_1325 = arith.index_cast %scan3A_1208 : i32 to index
      %swap3A_1326 = arith.index_cast %swap3A_1324 : i32 to index
      %swap3A_1327 = arith.constant 112 : index
      %swap3A_1328 = tpu.vector_load %arg9[%swap3A_1325, %swap3A_1326, %swap3A_1327] {strides = array<i32>} : memref<64x8x128xi32, #tpu.memory_space<vmem>>, vector<16xi32>,
      tpu.vector_store %arg9[%swap3A_1325, %swap3A_1326, %swap3A_1327], %broadcast_in_dim3A_128 {strides = array<i32>} : memref<64x8x128xi32, #tpu.memory_space<vmem>>, vector<16xi32>,
      %swap3A_1329 = arith.constant 3 : i32
      %swap3A_1330 = arith.index_cast %scan3A_1208 : i32 to index
      %swap3A_1331 = arith.index_cast %swap3A_1329 : i32 to index
      %swap3A_1332 = arith.constant 0 : index
      %swap3A_1333 = tpu.vector_load %arg9[%swap3A_1330, %swap3A_1331, %swap3A_1332] {strides = array<i32>} : memref<64x8x128xi32, #tpu.memory_space<vmem>>, vector<16xi32>,
      tpu.vector_store %arg9[%swap3A_1330, %swap3A_1331, %swap3A_1332], %broadcast_in_dim3A_128 {strides = array<i32>} : memref<64x8x128xi32, #tpu.memory_space<vmem>>, vector<16xi32>,
      %swap3A_1334 = arith.constant 3 : i32
      %swap3A_1335 = arith.index_cast %scan3A_1208 : i32 to index
      %swap3A_1336 = arith.index_cast %swap3A_1334 : i32 to index
      %swap3A_1337 = arith.constant 16 : index
      %swap3A_1338 = tpu.vector_load %arg9[%swap3A_1335, %swap3A_1336, %swap3A_1337] {strides = array<i32>} : memref<64x8x128xi32, #tpu.memory_space<vmem>>, vector<16xi32>,
      tpu.vector_store %arg9[%swap3A_1335, %swap3A_1336, %swap3A_1337], %broadcast_in_dim3A_128 {strides = array<i32>} : memref<64x8x128xi32, #tpu.memory_space<vmem>>, vector<16xi32>,
      %swap3A_1339 = arith.constant 3 : i32
      %swap3A_1340 = arith.index_cast %scan3A_1208 : i32 to index
      %swap3A_1341 = arith.index_cast %swap3A_1339 : i32 to index
      %swap3A_1342 = arith.constant 32 : index
      %swap3A_1343 = tpu.vector_load %arg9[%swap3A_1340, %swap3A_1341, %swap3A_1342] {strides = array<i32>} : memref<64x8x128xi32, #tpu.memory_space<vmem>>, vector<16xi32>,
      tpu.vector_store %arg9[%swap3A_1340, %swap3A_1341, %swap3A_1342], %broadcast_in_dim3A_128 {strides = array<i32>} : memref<64x8x128xi32, #tpu.memory_space<vmem>>, vector<16xi32>,
      %swap3A_1344 = arith.constant 3 : i32
      %swap3A_1345 = arith.index_cast %scan3A_1208 : i32 to index
      %swap3A_1346 = arith.index_cast %swap3A_1344 : i32 to index
      %swap3A_1347 = arith.constant 48 : index
      %swap3A_1348 = tpu.vector_load %arg9[%swap3A_1345, %swap3A_1346, %swap3A_1347] {strides = array<i32>} : memref<64x8x128xi32, #tpu.memory_space<vmem>>, vector<16xi32>,
      tpu.vector_store %arg9[%swap3A_1345, %swap3A_1346, %swap3A_1347], %broadcast_in_dim3A_128 {strides = array<i32>} : memref<64x8x128xi32, #tpu.memory_space<vmem>>, vector<16xi32>,
      %swap3A_1349 = arith.constant 3 : i32
      %swap3A_1350 = arith.index_cast %scan3A_1208 : i32 to index
      %swap3A_1351 = arith.index_cast %swap3A_1349 : i32 to index
      %swap3A_1352 = arith.constant 64 : index
      %swap3A_1353 = tpu.vector_load %arg9[%swap3A_1350, %swap3A_1351, %swap3A_1352] {strides = array<i32>} : memref<64x8x128xi32, #tpu.memory_space<vmem>>, vector<16xi32>,
      tpu.vector_store %arg9[%swap3A_1350, %swap3A_1351, %swap3A_1352], %broadcast_in_dim3A_128 {strides = array<i32>} : memref<64x8x128xi32, #tpu.memory_space<vmem>>, vector<16xi32>,
      %swap3A_1354 = arith.constant 3 : i32
      %swap3A_1355 = arith.index_cast %scan3A_1208 : i32 to index
      %swap3A_1356 = arith.index_cast %swap3A_1354 : i32 to index
      %swap3A_1357 = arith.constant 80 : index
      %swap3A_1358 = tpu.vector_load %arg9[%swap3A_1355, %swap3A_1356, %swap3A_1357] {strides = array<i32>} : memref<64x8x128xi32, #tpu.memory_space<vmem>>, vector<16xi32>,
      tpu.vector_store %arg9[%swap3A_1355, %swap3A_1356, %swap3A_1357], %broadcast_in_dim3A_128 {strides = array<i32>} : memref<64x8x128xi32, #tpu.memory_space<vmem>>, vector<16xi32>,
      %swap3A_1359 = arith.constant 3 : i32
      %swap3A_1360 = arith.index_cast %scan3A_1208 : i32 to index
      %swap3A_1361 = arith.index_cast %swap3A_1359 : i32 to index
      %swap3A_1362 = arith.constant 96 : index
      %swap3A_1363 = tpu.vector_load %arg9[%swap3A_1360, %swap3A_1361, %swap3A_1362] {strides = array<i32>} : memref<64x8x128xi32, #tpu.memory_space<vmem>>, vector<16xi32>,
      tpu.vector_store %arg9[%swap3A_1360, %swap3A_1361, %swap3A_1362], %broadcast_in_dim3A_128 {strides = array<i32>} : memref<64x8x128xi32, #tpu.memory_space<vmem>>, vector<16xi32>,
      %swap3A_1364 = arith.constant 3 : i32
      %swap3A_1365 = arith.index_cast %scan3A_1208 : i32 to index
      %swap3A_1366 = arith.index_cast %swap3A_1364 : i32 to index
      %swap3A_1367 = arith.constant 112 : index
      %swap3A_1368 = tpu.vector_load %arg9[%swap3A_1365, %swap3A_1366, %swap3A_1367] {strides = array<i32>} : memref<64x8x128xi32, #tpu.memory_space<vmem>>, vector<16xi32>,
      tpu.vector_store %arg9[%swap3A_1365, %swap3A_1366, %swap3A_1367], %broadcast_in_dim3A_128 {strides = array<i32>} : memref<64x8x128xi32, #tpu.memory_space<vmem>>, vector<16xi32>,
      %swap3A_1369 = arith.constant 4 : i32
      %swap3A_1370 = arith.index_cast %scan3A_1208 : i32 to index
      %swap3A_1371 = arith.index_cast %swap3A_1369 : i32 to index
      %swap3A_1372 = arith.constant 0 : index
      %swap3A_1373 = tpu.vector_load %arg9[%swap3A_1370, %swap3A_1371, %swap3A_1372] {strides = array<i32>} : memref<64x8x128xi32, #tpu.memory_space<vmem>>, vector<16xi32>,
      tpu.vector_store %arg9[%swap3A_1370, %swap3A_1371, %swap3A_1372], %broadcast_in_dim3A_128 {strides = array<i32>} : memref<64x8x128xi32, #tpu.memory_space<vmem>>, vector<16xi32>,
      %swap3A_1374 = arith.constant 4 : i32
      %swap3A_1375 = arith.index_cast %scan3A_1208 : i32 to index
      %swap3A_1376 = arith.index_cast %swap3A_1374 : i32 to index
      %swap3A_1377 = arith.constant 16 : index
      %swap3A_1378 = tpu.vector_load %arg9[%swap3A_1375, %swap3A_1376, %swap3A_1377] {strides = array<i32>} : memref<64x8x128xi32, #tpu.memory_space<vmem>>, vector<16xi32>,
      tpu.vector_store %arg9[%swap3A_1375, %swap3A_1376, %swap3A_1377], %broadcast_in_dim3A_128 {strides = array<i32>} : memref<64x8x128xi32, #tpu.memory_space<vmem>>, vector<16xi32>,
      %swap3A_1379 = arith.constant 4 : i32
      %swap3A_1380 = arith.index_cast %scan3A_1208 : i32 to index
      %swap3A_1381 = arith.index_cast %swap3A_1379 : i32 to index
      %swap3A_1382 = arith.constant 32 : index
      %swap3A_1383 = tpu.vector_load %arg9[%swap3A_1380, %swap3A_1381, %swap3A_1382] {strides = array<i32>} : memref<64x8x128xi32, #tpu.memory_space<vmem>>, vector<16xi32>,
      tpu.vector_store %arg9[%swap3A_1380, %swap3A_1381, %swap3A_1382], %broadcast_in_dim3A_128 {strides = array<i32>} : memref<64x8x128xi32, #tpu.memory_space<vmem>>, vector<16xi32>,
      %swap3A_1384 = arith.constant 4 : i32
      %swap3A_1385 = arith.index_cast %scan3A_1208 : i32 to index
      %swap3A_1386 = arith.index_cast %swap3A_1384 : i32 to index
      %swap3A_1387 = arith.constant 48 : index
      %swap3A_1388 = tpu.vector_load %arg9[%swap3A_1385, %swap3A_1386, %swap3A_1387] {strides = array<i32>} : memref<64x8x128xi32, #tpu.memory_space<vmem>>, vector<16xi32>,
      tpu.vector_store %arg9[%swap3A_1385, %swap3A_1386, %swap3A_1387], %broadcast_in_dim3A_128 {strides = array<i32>} : memref<64x8x128xi32, #tpu.memory_space<vmem>>, vector<16xi32>,
      %swap3A_1389 = arith.constant 4 : i32
      %swap3A_1390 = arith.index_cast %scan3A_1208 : i32 to index
      %swap3A_1391 = arith.index_cast %swap3A_1389 : i32 to index
      %swap3A_1392 = arith.constant 64 : index
      %swap3A_1393 = tpu.vector_load %arg9[%swap3A_1390, %swap3A_1391, %swap3A_1392] {strides = array<i32>} : memref<64x8x128xi32, #tpu.memory_space<vmem>>, vector<16xi32>,
      tpu.vector_store %arg9[%swap3A_1390, %swap3A_1391, %swap3A_1392], %broadcast_in_dim3A_128 {strides = array<i32>} : memref<64x8x128xi32, #tpu.memory_space<vmem>>, vector<16xi32>,
      %swap3A_1394 = arith.constant 4 : i32
      %swap3A_1395 = arith.index_cast %scan3A_1208 : i32 to index
      %swap3A_1396 = arith.index_cast %swap3A_1394 : i32 to index
      %swap3A_1397 = arith.constant 80 : index
      %swap3A_1398 = tpu.vector_load %arg9[%swap3A_1395, %swap3A_1396, %swap3A_1397] {strides = array<i32>} : memref<64x8x128xi32, #tpu.memory_space<vmem>>, vector<16xi32>,
      tpu.vector_store %arg9[%swap3A_1395, %swap3A_1396, %swap3A_1397], %broadcast_in_dim3A_128 {strides = array<i32>} : memref<64x8x128xi32, #tpu.memory_space<vmem>>, vector<16xi32>,
      %swap3A_1399 = arith.constant 4 : i32
      %swap3A_1400 = arith.index_cast %scan3A_1208 : i32 to index
      %swap3A_1401 = arith.index_cast %swap3A_1399 : i32 to index
      %swap3A_1402 = arith.constant 96 : index
      %swap3A_1403 = tpu.vector_load %arg9[%swap3A_1400, %swap3A_1401, %swap3A_1402] {strides = array<i32>} : memref<64x8x128xi32, #tpu.memory_space<vmem>>, vector<16xi32>,
      tpu.vector_store %arg9[%swap3A_1400, %swap3A_1401, %swap3A_1402], %broadcast_in_dim3A_128 {strides = array<i32>} : memref<64x8x128xi32, #tpu.memory_space<vmem>>, vector<16xi32>,
      %swap3A_1404 = arith.constant 4 : i32
      %swap3A_1405 = arith.index_cast %scan3A_1208 : i32 to index
      %swap3A_1406 = arith.index_cast %swap3A_1404 : i32 to index
      %swap3A_1407 = arith.constant 112 : index
      %swap3A_1408 = tpu.vector_load %arg9[%swap3A_1405, %swap3A_1406, %swap3A_1407] {strides = array<i32>} : memref<64x8x128xi32, #tpu.memory_space<vmem>>, vector<16xi32>,
      tpu.vector_store %arg9[%swap3A_1405, %swap3A_1406, %swap3A_1407], %broadcast_in_dim3A_128 {strides = array<i32>} : memref<64x8x128xi32, #tpu.memory_space<vmem>>, vector<16xi32>,
      %swap3A_1409 = arith.constant 5 : i32
      %swap3A_1410 = arith.index_cast %scan3A_1208 : i32 to index
      %swap3A_1411 = arith.index_cast %swap3A_1409 : i32 to index
      %swap3A_1412 = arith.constant 0 : index
      %swap3A_1413 = tpu.vector_load %arg9[%swap3A_1410, %swap3A_1411, %swap3A_1412] {strides = array<i32>} : memref<64x8x128xi32, #tpu.memory_space<vmem>>, vector<16xi32>,
      tpu.vector_store %arg9[%swap3A_1410, %swap3A_1411, %swap3A_1412], %broadcast_in_dim3A_128 {strides = array<i32>} : memref<64x8x128xi32, #tpu.memory_space<vmem>>, vector<16xi32>,
      %swap3A_1414 = arith.constant 5 : i32
      %swap3A_1415 = arith.index_cast %scan3A_1208 : i32 to index
      %swap3A_1416 = arith.index_cast %swap3A_1414 : i32 to index
      %swap3A_1417 = arith.constant 16 : index
      %swap3A_1418 = tpu.vector_load %arg9[%swap3A_1415, %swap3A_1416, %swap3A_1417] {strides = array<i32>} : memref<64x8x128xi32, #tpu.memory_space<vmem>>, vector<16xi32>,
      tpu.vector_store %arg9[%swap3A_1415, %swap3A_1416, %swap3A_1417], %broadcast_in_dim3A_128 {strides = array<i32>} : memref<64x8x128xi32, #tpu.memory_space<vmem>>, vector<16xi32>,
      %swap3A_1419 = arith.constant 5 : i32
      %swap3A_1420 = arith.index_cast %scan3A_1208 : i32 to index
      %swap3A_1421 = arith.index_cast %swap3A_1419 : i32 to index
      %swap3A_1422 = arith.constant 32 : index
      %swap3A_1423 = tpu.vector_load %arg9[%swap3A_1420, %swap3A_1421, %swap3A_1422] {strides = array<i32>} : memref<64x8x128xi32, #tpu.memory_space<vmem>>, vector<16xi32>,
      tpu.vector_store %arg9[%swap3A_1420, %swap3A_1421, %swap3A_1422], %broadcast_in_dim3A_128 {strides = array<i32>} : memref<64x8x128xi32, #tpu.memory_space<vmem>>, vector<16xi32>,
      %swap3A_1424 = arith.constant 5 : i32
      %swap3A_1425 = arith.index_cast %scan3A_1208 : i32 to index
      %swap3A_1426 = arith.index_cast %swap3A_1424 : i32 to index
      %swap3A_1427 = arith.constant 48 : index
      %swap3A_1428 = tpu.vector_load %arg9[%swap3A_1425, %swap3A_1426, %swap3A_1427] {strides = array<i32>} : memref<64x8x128xi32, #tpu.memory_space<vmem>>, vector<16xi32>,
      tpu.vector_store %arg9[%swap3A_1425, %swap3A_1426, %swap3A_1427], %broadcast_in_dim3A_128 {strides = array<i32>} : memref<64x8x128xi32, #tpu.memory_space<vmem>>, vector<16xi32>,
      %swap3A_1429 = arith.constant 5 : i32
      %swap3A_1430 = arith.index_cast %scan3A_1208 : i32 to index
      %swap3A_1431 = arith.index_cast %swap3A_1429 : i32 to index
      %swap3A_1432 = arith.constant 64 : index
      %swap3A_1433 = tpu.vector_load %arg9[%swap3A_1430, %swap3A_1431, %swap3A_1432] {strides = array<i32>} : memref<64x8x128xi32, #tpu.memory_space<vmem>>, vector<16xi32>,
      tpu.vector_store %arg9[%swap3A_1430, %swap3A_1431, %swap3A_1432], %broadcast_in_dim3A_128 {strides = array<i32>} : memref<64x8x128xi32, #tpu.memory_space<vmem>>, vector<16xi32>,
      %swap3A_1434 = arith.constant 5 : i32
      %swap3A_1435 = arith.index_cast %scan3A_1208 : i32 to index
      %swap3A_1436 = arith.index_cast %swap3A_1434 : i32 to index
      %swap3A_1437 = arith.constant 80 : index
      %swap3A_1438 = tpu.vector_load %arg9[%swap3A_1435, %swap3A_1436, %swap3A_1437] {strides = array<i32>} : memref<64x8x128xi32, #tpu.memory_space<vmem>>, vector<16xi32>,
      tpu.vector_store %arg9[%swap3A_1435, %swap3A_1436, %swap3A_1437], %broadcast_in_dim3A_128 {strides = array<i32>} : memref<64x8x128xi32, #tpu.memory_space<vmem>>, vector<16xi32>,
      %swap3A_1439 = arith.constant 5 : i32
      %swap3A_1440 = arith.index_cast %scan3A_1208 : i32 to index
      %swap3A_1441 = arith.index_cast %swap3A_1439 : i32 to index
      %swap3A_1442 = arith.constant 96 : index
      %swap3A_1443 = tpu.vector_load %arg9[%swap3A_1440, %swap3A_1441, %swap3A_1442] {strides = array<i32>} : memref<64x8x128xi32, #tpu.memory_space<vmem>>, vector<16xi32>,
      tpu.vector_store %arg9[%swap3A_1440, %swap3A_1441, %swap3A_1442], %broadcast_in_dim3A_128 {strides = array<i32>} : memref<64x8x128xi32, #tpu.memory_space<vmem>>, vector<16xi32>,
      %swap3A_1444 = arith.constant 5 : i32
      %swap3A_1445 = arith.index_cast %scan3A_1208 : i32 to index
      %swap3A_1446 = arith.index_cast %swap3A_1444 : i32 to index
      %swap3A_1447 = arith.constant 112 : index
      %swap3A_1448 = tpu.vector_load %arg9[%swap3A_1445, %swap3A_1446, %swap3A_1447] {strides = array<i32>} : memref<64x8x128xi32, #tpu.memory_space<vmem>>, vector<16xi32>,
      tpu.vector_store %arg9[%swap3A_1445, %swap3A_1446, %swap3A_1447], %broadcast_in_dim3A_128 {strides = array<i32>} : memref<64x8x128xi32, #tpu.memory_space<vmem>>, vector<16xi32>,
      %swap3A_1449 = arith.constant 6 : i32
      %swap3A_1450 = arith.index_cast %scan3A_1208 : i32 to index
      %swap3A_1451 = arith.index_cast %swap3A_1449 : i32 to index
      %swap3A_1452 = arith.constant 0 : index
      %swap3A_1453 = tpu.vector_load %arg9[%swap3A_1450, %swap3A_1451, %swap3A_1452] {strides = array<i32>} : memref<64x8x128xi32, #tpu.memory_space<vmem>>, vector<16xi32>,
      tpu.vector_store %arg9[%swap3A_1450, %swap3A_1451, %swap3A_1452], %broadcast_in_dim3A_128 {strides = array<i32>} : memref<64x8x128xi32, #tpu.memory_space<vmem>>, vector<16xi32>,
      %swap3A_1454 = arith.constant 6 : i32
      %swap3A_1455 = arith.index_cast %scan3A_1208 : i32 to index
      %swap3A_1456 = arith.index_cast %swap3A_1454 : i32 to index
      %swap3A_1457 = arith.constant 16 : index
      %swap3A_1458 = tpu.vector_load %arg9[%swap3A_1455, %swap3A_1456, %swap3A_1457] {strides = array<i32>} : memref<64x8x128xi32, #tpu.memory_space<vmem>>, vector<16xi32>,
      tpu.vector_store %arg9[%swap3A_1455, %swap3A_1456, %swap3A_1457], %broadcast_in_dim3A_128 {strides = array<i32>} : memref<64x8x128xi32, #tpu.memory_space<vmem>>, vector<16xi32>,
      %swap3A_1459 = arith.constant 6 : i32
      %swap3A_1460 = arith.index_cast %scan3A_1208 : i32 to index
      %swap3A_1461 = arith.index_cast %swap3A_1459 : i32 to index
      %swap3A_1462 = arith.constant 32 : index
      %swap3A_1463 = tpu.vector_load %arg9[%swap3A_1460, %swap3A_1461, %swap3A_1462] {strides = array<i32>} : memref<64x8x128xi32, #tpu.memory_space<vmem>>, vector<16xi32>,
      tpu.vector_store %arg9[%swap3A_1460, %swap3A_1461, %swap3A_1462], %broadcast_in_dim3A_128 {strides = array<i32>} : memref<64x8x128xi32, #tpu.memory_space<vmem>>, vector<16xi32>,
      %swap3A_1464 = arith.constant 6 : i32
      %swap3A_1465 = arith.index_cast %scan3A_1208 : i32 to index
      %swap3A_1466 = arith.index_cast %swap3A_1464 : i32 to index
      %swap3A_1467 = arith.constant 48 : index
      %swap3A_1468 = tpu.vector_load %arg9[%swap3A_1465, %swap3A_1466, %swap3A_1467] {strides = array<i32>} : memref<64x8x128xi32, #tpu.memory_space<vmem>>, vector<16xi32>,
      tpu.vector_store %arg9[%swap3A_1465, %swap3A_1466, %swap3A_1467], %broadcast_in_dim3A_128 {strides = array<i32>} : memref<64x8x128xi32, #tpu.memory_space<vmem>>, vector<16xi32>,
      %swap3A_1469 = arith.constant 6 : i32
      %swap3A_1470 = arith.index_cast %scan3A_1208 : i32 to index
      %swap3A_1471 = arith.index_cast %swap3A_1469 : i32 to index
      %swap3A_1472 = arith.constant 64 : index
      %swap3A_1473 = tpu.vector_load %arg9[%swap3A_1470, %swap3A_1471, %swap3A_1472] {strides = array<i32>} : memref<64x8x128xi32, #tpu.memory_space<vmem>>, vector<16xi32>,
      tpu.vector_store %arg9[%swap3A_1470, %swap3A_1471, %swap3A_1472], %broadcast_in_dim3A_128 {strides = array<i32>} : memref<64x8x128xi32, #tpu.memory_space<vmem>>, vector<16xi32>,
      %swap3A_1474 = arith.constant 6 : i32
      %swap3A_1475 = arith.index_cast %scan3A_1208 : i32 to index
      %swap3A_1476 = arith.index_cast %swap3A_1474 : i32 to index
      %swap3A_1477 = arith.constant 80 : index
      %swap3A_1478 = tpu.vector_load %arg9[%swap3A_1475, %swap3A_1476, %swap3A_1477] {strides = array<i32>} : memref<64x8x128xi32, #tpu.memory_space<vmem>>, vector<16xi32>,
      tpu.vector_store %arg9[%swap3A_1475, %swap3A_1476, %swap3A_1477], %broadcast_in_dim3A_128 {strides = array<i32>} : memref<64x8x128xi32, #tpu.memory_space<vmem>>, vector<16xi32>,
      %swap3A_1479 = arith.constant 6 : i32
      %swap3A_1480 = arith.index_cast %scan3A_1208 : i32 to index
      %swap3A_1481 = arith.index_cast %swap3A_1479 : i32 to index
      %swap3A_1482 = arith.constant 96 : index
      %swap3A_1483 = tpu.vector_load %arg9[%swap3A_1480, %swap3A_1481, %swap3A_1482] {strides = array<i32>} : memref<64x8x128xi32, #tpu.memory_space<vmem>>, vector<16xi32>,
      tpu.vector_store %arg9[%swap3A_1480, %swap3A_1481, %swap3A_1482], %broadcast_in_dim3A_128 {strides = array<i32>} : memref<64x8x128xi32, #tpu.memory_space<vmem>>, vector<16xi32>,
      %swap3A_1484 = arith.constant 6 : i32
      %swap3A_1485 = arith.index_cast %scan3A_1208 : i32 to index
      %swap3A_1486 = arith.index_cast %swap3A_1484 : i32 to index
      %swap3A_1487 = arith.constant 112 : index
      %swap3A_1488 = tpu.vector_load %arg9[%swap3A_1485, %swap3A_1486, %swap3A_1487] {strides = array<i32>} : memref<64x8x128xi32, #tpu.memory_space<vmem>>, vector<16xi32>,
      tpu.vector_store %arg9[%swap3A_1485, %swap3A_1486, %swap3A_1487], %broadcast_in_dim3A_128 {strides = array<i32>} : memref<64x8x128xi32, #tpu.memory_space<vmem>>, vector<16xi32>,
      %swap3A_1489 = arith.constant 7 : i32
      %swap3A_1490 = arith.index_cast %scan3A_1208 : i32 to index
      %swap3A_1491 = arith.index_cast %swap3A_1489 : i32 to index
      %swap3A_1492 = arith.constant 0 : index
      %swap3A_1493 = tpu.vector_load %arg9[%swap3A_1490, %swap3A_1491, %swap3A_1492] {strides = array<i32>} : memref<64x8x128xi32, #tpu.memory_space<vmem>>, vector<16xi32>,
      tpu.vector_store %arg9[%swap3A_1490, %swap3A_1491, %swap3A_1492], %broadcast_in_dim3A_128 {strides = array<i32>} : memref<64x8x128xi32, #tpu.memory_space<vmem>>, vector<16xi32>,
      %swap3A_1494 = arith.constant 7 : i32
      %swap3A_1495 = arith.index_cast %scan3A_1208 : i32 to index
      %swap3A_1496 = arith.index_cast %swap3A_1494 : i32 to index
      %swap3A_1497 = arith.constant 16 : index
      %swap3A_1498 = tpu.vector_load %arg9[%swap3A_1495, %swap3A_1496, %swap3A_1497] {strides = array<i32>} : memref<64x8x128xi32, #tpu.memory_space<vmem>>, vector<16xi32>,
      tpu.vector_store %arg9[%swap3A_1495, %swap3A_1496, %swap3A_1497], %broadcast_in_dim3A_128 {strides = array<i32>} : memref<64x8x128xi32, #tpu.memory_space<vmem>>, vector<16xi32>,
      %swap3A_1499 = arith.constant 7 : i32
      %swap3A_1500 = arith.index_cast %scan3A_1208 : i32 to index
      %swap3A_1501 = arith.index_cast %swap3A_1499 : i32 to index
      %swap3A_1502 = arith.constant 32 : index
      %swap3A_1503 = tpu.vector_load %arg9[%swap3A_1500, %swap3A_1501, %swap3A_1502] {strides = array<i32>} : memref<64x8x128xi32, #tpu.memory_space<vmem>>, vector<16xi32>,
      tpu.vector_store %arg9[%swap3A_1500, %swap3A_1501, %swap3A_1502], %broadcast_in_dim3A_128 {strides = array<i32>} : memref<64x8x128xi32, #tpu.memory_space<vmem>>, vector<16xi32>,
      %swap3A_1504 = arith.constant 7 : i32
      %swap3A_1505 = arith.index_cast %scan3A_1208 : i32 to index
      %swap3A_1506 = arith.index_cast %swap3A_1504 : i32 to index
      %swap3A_1507 = arith.constant 48 : index
      %swap3A_1508 = tpu.vector_load %arg9[%swap3A_1505, %swap3A_1506, %swap3A_1507] {strides = array<i32>} : memref<64x8x128xi32, #tpu.memory_space<vmem>>, vector<16xi32>,
      tpu.vector_store %arg9[%swap3A_1505, %swap3A_1506, %swap3A_1507], %broadcast_in_dim3A_128 {strides = array<i32>} : memref<64x8x128xi32, #tpu.memory_space<vmem>>, vector<16xi32>,
      %swap3A_1509 = arith.constant 7 : i32
      %swap3A_1510 = arith.index_cast %scan3A_1208 : i32 to index
      %swap3A_1511 = arith.index_cast %swap3A_1509 : i32 to index
      %swap3A_1512 = arith.constant 64 : index
      %swap3A_1513 = tpu.vector_load %arg9[%swap3A_1510, %swap3A_1511, %swap3A_1512] {strides = array<i32>} : memref<64x8x128xi32, #tpu.memory_space<vmem>>, vector<16xi32>,
      tpu.vector_store %arg9[%swap3A_1510, %swap3A_1511, %swap3A_1512], %broadcast_in_dim3A_128 {strides = array<i32>} : memref<64x8x128xi32, #tpu.memory_space<vmem>>, vector<16xi32>,
      %swap3A_1514 = arith.constant 7 : i32
      %swap3A_1515 = arith.index_cast %scan3A_1208 : i32 to index
      %swap3A_1516 = arith.index_cast %swap3A_1514 : i32 to index
      %swap3A_1517 = arith.constant 80 : index
      %swap3A_1518 = tpu.vector_load %arg9[%swap3A_1515, %swap3A_1516, %swap3A_1517] {strides = array<i32>} : memref<64x8x128xi32, #tpu.memory_space<vmem>>, vector<16xi32>,
      tpu.vector_store %arg9[%swap3A_1515, %swap3A_1516, %swap3A_1517], %broadcast_in_dim3A_128 {strides = array<i32>} : memref<64x8x128xi32, #tpu.memory_space<vmem>>, vector<16xi32>,
      %swap3A_1519 = arith.constant 7 : i32
      %swap3A_1520 = arith.index_cast %scan3A_1208 : i32 to index
      %swap3A_1521 = arith.index_cast %swap3A_1519 : i32 to index
      %swap3A_1522 = arith.constant 96 : index
      %swap3A_1523 = tpu.vector_load %arg9[%swap3A_1520, %swap3A_1521, %swap3A_1522] {strides = array<i32>} : memref<64x8x128xi32, #tpu.memory_space<vmem>>, vector<16xi32>,
      tpu.vector_store %arg9[%swap3A_1520, %swap3A_1521, %swap3A_1522], %broadcast_in_dim3A_128 {strides = array<i32>} : memref<64x8x128xi32, #tpu.memory_space<vmem>>, vector<16xi32>,
      %swap3A_1524 = arith.constant 7 : i32
      %swap3A_1525 = arith.index_cast %scan3A_1208 : i32 to index
      %swap3A_1526 = arith.index_cast %swap3A_1524 : i32 to index
      %swap3A_1527 = arith.constant 112 : index
      %swap3A_1528 = tpu.vector_load %arg9[%swap3A_1525, %swap3A_1526, %swap3A_1527] {strides = array<i32>} : memref<64x8x128xi32, #tpu.memory_space<vmem>>, vector<16xi32>,
      tpu.vector_store %arg9[%swap3A_1525, %swap3A_1526, %swap3A_1527], %broadcast_in_dim3A_128 {strides = array<i32>} : memref<64x8x128xi32, #tpu.memory_space<vmem>>, vector<16xi32>,
    }
    %scan3A_133 = arith.constant 64 : i32
    %iota3A = tpu.iota {dimensions = array<i32: 0>} : vector<16xi32>
    %broadcast_in_dim3A_134 = arith.constant 1 : i32
    %broadcast_in_dim3A_135 = vector.broadcast %broadcast_in_dim3A_134 : i32 to vector<16xi32>
    %broadcast_in_dim3A_136 = arith.constant 56 : i32
    %broadcast_in_dim3A_137 = vector.broadcast %broadcast_in_dim3A_136 : i32 to vector<16xi32>
    %broadcast_in_dim3A_138 = arith.constant 7 : i32
    %broadcast_in_dim3A_139 = vector.broadcast %broadcast_in_dim3A_138 : i32 to vector<16xi32>
    %dma_wait3A = arith.constant 0 : i32
    %dma_wait3A_140 = arith.constant 0 : i32
    %dma_wait3A_141 = tpu.memref_slice %arg7[%dma_wait3A_140] : memref<1024xi32, #tpu.memory_space<vmem>> -> memref<128xi32, #tpu.memory_space<vmem>>
    %dma_wait3A_142 = arith.constant 0 : i32
    %dma_wait3A_143 = tpu.memref_slice %arg6[%dma_wait3A, %dma_wait3A_142] : memref<8x128xi32, #tpu.memory_space<vmem>> -> memref<1x128xi32, #tpu.memory_space<vmem>>
    %dma_wait3A_144 = tpu.memref_squeeze %dma_wait3A_143 : memref<1x128xi32, #tpu.memory_space<vmem>> -> memref<128xi32, #tpu.memory_space<vmem>>
    %dma_wait3A_145 = arith.constant 0 : i32
    %dma_wait3A_146 = tpu.memref_slice %arg3[%dma_wait3A_145] : memref<50257xi32, #tpu.memory_space<hbm>> -> memref<50257xi32, #tpu.memory_space<hbm>>
    tpu.wait_indirect_dma semaphore(%arg10 : memref<!tpu.dma_semaphore, #tpu.memory_space<semaphore_mem>>) src(%dma_wait3A_146 : memref<50257xi32, #tpu.memory_space<hbm>>) dst(%dma_wait3A_141 : memref<128xi32, #tpu.memory_space<vmem>>)
    %dma_wait3A_147 = arith.constant 0 : i32
    %dma_wait3A_148 = arith.constant 0 : i32
    %dma_wait3A_149 = tpu.memref_slice %arg8[%dma_wait3A_148] : memref<1024xi32, #tpu.memory_space<vmem>> -> memref<128xi32, #tpu.memory_space<vmem>>
    %dma_wait3A_150 = arith.constant 0 : i32
    %dma_wait3A_151 = tpu.memref_slice %arg6[%dma_wait3A_147, %dma_wait3A_150] : memref<8x128xi32, #tpu.memory_space<vmem>> -> memref<1x128xi32, #tpu.memory_space<vmem>>
    %dma_wait3A_152 = tpu.memref_squeeze %dma_wait3A_151 : memref<1x128xi32, #tpu.memory_space<vmem>> -> memref<128xi32, #tpu.memory_space<vmem>>
    %dma_wait3A_153 = arith.constant 0 : i32
    %dma_wait3A_154 = tpu.memref_slice %arg4[%dma_wait3A_153] : memref<50257xi32, #tpu.memory_space<hbm>> -> memref<50257xi32, #tpu.memory_space<hbm>>
    tpu.wait_indirect_dma semaphore(%arg10 : memref<!tpu.dma_semaphore, #tpu.memory_space<semaphore_mem>>) src(%dma_wait3A_154 : memref<50257xi32, #tpu.memory_space<hbm>>) dst(%dma_wait3A_149 : memref<128xi32, #tpu.memory_space<vmem>>)
    %dma_wait3A_155 = arith.constant 1 : i32
    %dma_wait3A_156 = arith.constant 128 : i32
    %dma_wait3A_157 = tpu.memref_slice %arg7[%dma_wait3A_156] : memref<1024xi32, #tpu.memory_space<vmem>> -> memref<128xi32, #tpu.memory_space<vmem>>
    %dma_wait3A_158 = arith.constant 0 : i32
    %dma_wait3A_159 = tpu.memref_slice %arg6[%dma_wait3A_155, %dma_wait3A_158] : memref<8x128xi32, #tpu.memory_space<vmem>> -> memref<1x128xi32, #tpu.memory_space<vmem>>
    %dma_wait3A_160 = tpu.memref_squeeze %dma_wait3A_159 : memref<1x128xi32, #tpu.memory_space<vmem>> -> memref<128xi32, #tpu.memory_space<vmem>>
    %dma_wait3A_161 = arith.constant 0 : i32
    %dma_wait3A_162 = tpu.memref_slice %arg3[%dma_wait3A_161] : memref<50257xi32, #tpu.memory_space<hbm>> -> memref<50257xi32, #tpu.memory_space<hbm>>
    tpu.wait_indirect_dma semaphore(%arg10 : memref<!tpu.dma_semaphore, #tpu.memory_space<semaphore_mem>>) src(%dma_wait3A_162 : memref<50257xi32, #tpu.memory_space<hbm>>) dst(%dma_wait3A_157 : memref<128xi32, #tpu.memory_space<vmem>>)
    %dma_wait3A_163 = arith.constant 1 : i32
    %dma_wait3A_164 = arith.constant 128 : i32
    %dma_wait3A_165 = tpu.memref_slice %arg8[%dma_wait3A_164] : memref<1024xi32, #tpu.memory_space<vmem>> -> memref<128xi32, #tpu.memory_space<vmem>>
    %dma_wait3A_166 = arith.constant 0 : i32
    %dma_wait3A_167 = tpu.memref_slice %arg6[%dma_wait3A_163, %dma_wait3A_166] : memref<8x128xi32, #tpu.memory_space<vmem>> -> memref<1x128xi32, #tpu.memory_space<vmem>>
    %dma_wait3A_168 = tpu.memref_squeeze %dma_wait3A_167 : memref<1x128xi32, #tpu.memory_space<vmem>> -> memref<128xi32, #tpu.memory_space<vmem>>
    %dma_wait3A_169 = arith.constant 0 : i32
    %dma_wait3A_170 = tpu.memref_slice %arg4[%dma_wait3A_169] : memref<50257xi32, #tpu.memory_space<hbm>> -> memref<50257xi32, #tpu.memory_space<hbm>>
    tpu.wait_indirect_dma semaphore(%arg10 : memref<!tpu.dma_semaphore, #tpu.memory_space<semaphore_mem>>) src(%dma_wait3A_170 : memref<50257xi32, #tpu.memory_space<hbm>>) dst(%dma_wait3A_165 : memref<128xi32, #tpu.memory_space<vmem>>)
    %dma_wait3A_171 = arith.constant 2 : i32
    %dma_wait3A_172 = arith.constant 256 : i32
    %dma_wait3A_173 = tpu.memref_slice %arg7[%dma_wait3A_172] : memref<1024xi32, #tpu.memory_space<vmem>> -> memref<128xi32, #tpu.memory_space<vmem>>
    %dma_wait3A_174 = arith.constant 0 : i32
    %dma_wait3A_175 = tpu.memref_slice %arg6[%dma_wait3A_171, %dma_wait3A_174] : memref<8x128xi32, #tpu.memory_space<vmem>> -> memref<1x128xi32, #tpu.memory_space<vmem>>
    %dma_wait3A_176 = tpu.memref_squeeze %dma_wait3A_175 : memref<1x128xi32, #tpu.memory_space<vmem>> -> memref<128xi32, #tpu.memory_space<vmem>>
    %dma_wait3A_177 = arith.constant 0 : i32
    %dma_wait3A_178 = tpu.memref_slice %arg3[%dma_wait3A_177] : memref<50257xi32, #tpu.memory_space<hbm>> -> memref<50257xi32, #tpu.memory_space<hbm>>
    tpu.wait_indirect_dma semaphore(%arg10 : memref<!tpu.dma_semaphore, #tpu.memory_space<semaphore_mem>>) src(%dma_wait3A_178 : memref<50257xi32, #tpu.memory_space<hbm>>) dst(%dma_wait3A_173 : memref<128xi32, #tpu.memory_space<vmem>>)
    %dma_wait3A_179 = arith.constant 2 : i32
    %dma_wait3A_180 = arith.constant 256 : i32
    %dma_wait3A_181 = tpu.memref_slice %arg8[%dma_wait3A_180] : memref<1024xi32, #tpu.memory_space<vmem>> -> memref<128xi32, #tpu.memory_space<vmem>>
    %dma_wait3A_182 = arith.constant 0 : i32
    %dma_wait3A_183 = tpu.memref_slice %arg6[%dma_wait3A_179, %dma_wait3A_182] : memref<8x128xi32, #tpu.memory_space<vmem>> -> memref<1x128xi32, #tpu.memory_space<vmem>>
    %dma_wait3A_184 = tpu.memref_squeeze %dma_wait3A_183 : memref<1x128xi32, #tpu.memory_space<vmem>> -> memref<128xi32, #tpu.memory_space<vmem>>
    %dma_wait3A_185 = arith.constant 0 : i32
    %dma_wait3A_186 = tpu.memref_slice %arg4[%dma_wait3A_185] : memref<50257xi32, #tpu.memory_space<hbm>> -> memref<50257xi32, #tpu.memory_space<hbm>>
    tpu.wait_indirect_dma semaphore(%arg10 : memref<!tpu.dma_semaphore, #tpu.memory_space<semaphore_mem>>) src(%dma_wait3A_186 : memref<50257xi32, #tpu.memory_space<hbm>>) dst(%dma_wait3A_181 : memref<128xi32, #tpu.memory_space<vmem>>)
    %dma_wait3A_187 = arith.constant 3 : i32
    %dma_wait3A_188 = arith.constant 384 : i32
    %dma_wait3A_189 = tpu.memref_slice %arg7[%dma_wait3A_188] : memref<1024xi32, #tpu.memory_space<vmem>> -> memref<128xi32, #tpu.memory_space<vmem>>
    %dma_wait3A_190 = arith.constant 0 : i32
    %dma_wait3A_191 = tpu.memref_slice %arg6[%dma_wait3A_187, %dma_wait3A_190] : memref<8x128xi32, #tpu.memory_space<vmem>> -> memref<1x128xi32, #tpu.memory_space<vmem>>
    %dma_wait3A_192 = tpu.memref_squeeze %dma_wait3A_191 : memref<1x128xi32, #tpu.memory_space<vmem>> -> memref<128xi32, #tpu.memory_space<vmem>>
    %dma_wait3A_193 = arith.constant 0 : i32
    %dma_wait3A_194 = tpu.memref_slice %arg3[%dma_wait3A_193] : memref<50257xi32, #tpu.memory_space<hbm>> -> memref<50257xi32, #tpu.memory_space<hbm>>
    tpu.wait_indirect_dma semaphore(%arg10 : memref<!tpu.dma_semaphore, #tpu.memory_space<semaphore_mem>>) src(%dma_wait3A_194 : memref<50257xi32, #tpu.memory_space<hbm>>) dst(%dma_wait3A_189 : memref<128xi32, #tpu.memory_space<vmem>>)
    %dma_wait3A_195 = arith.constant 3 : i32
    %dma_wait3A_196 = arith.constant 384 : i32
    %dma_wait3A_197 = tpu.memref_slice %arg8[%dma_wait3A_196] : memref<1024xi32, #tpu.memory_space<vmem>> -> memref<128xi32, #tpu.memory_space<vmem>>
    %dma_wait3A_198 = arith.constant 0 : i32
    %dma_wait3A_199 = tpu.memref_slice %arg6[%dma_wait3A_195, %dma_wait3A_198] : memref<8x128xi32, #tpu.memory_space<vmem>> -> memref<1x128xi32, #tpu.memory_space<vmem>>
    %dma_wait3A_200 = tpu.memref_squeeze %dma_wait3A_199 : memref<1x128xi32, #tpu.memory_space<vmem>> -> memref<128xi32, #tpu.memory_space<vmem>>
    %dma_wait3A_201 = arith.constant 0 : i32
    %dma_wait3A_202 = tpu.memref_slice %arg4[%dma_wait3A_201] : memref<50257xi32, #tpu.memory_space<hbm>> -> memref<50257xi32, #tpu.memory_space<hbm>>
    tpu.wait_indirect_dma semaphore(%arg10 : memref<!tpu.dma_semaphore, #tpu.memory_space<semaphore_mem>>) src(%dma_wait3A_202 : memref<50257xi32, #tpu.memory_space<hbm>>) dst(%dma_wait3A_197 : memref<128xi32, #tpu.memory_space<vmem>>)
    %scan3A_203 = arith.constant 0 : i32
    %scan3A_204 = arith.constant 0 : i32
    %scan3A_205 = arith.constant 32 : i32
    %scan3A_206 = arith.addi %scan3A_204, %scan3A_205 : i32
    %scan3A_207 = arith.constant 4 : i32
    scf.for %scan3A_887 = %scan3A_204 to %scan3A_206 step %scan3A_207  : i32 {
      %shift_right_logical3A = arith.constant 3 : i32
      %shift_right_logical3A_888 = arith.shrui %scan3A_887, %shift_right_logical3A : i32
      %and3A = arith.constant 7 : i32
      %and3A_889 = arith.andi %scan3A_887, %and3A : i32
      %shift_left3A = arith.constant 4 : i32
      %shift_left3A_890 = arith.shli %and3A_889, %shift_left3A : i32
      %add3A_891 = vector.broadcast %shift_left3A_890 : i32 to vector<16xi32>
      %add3A_892 = arith.addi %iota3A, %add3A_891 : vector<16xi32>
      %mul3A_893 = arith.constant 16 : i32
      %mul3A_894 = arith.muli %mul3A_893, %scan3A_887 : i32
      %get3A = arith.index_cast %mul3A_894 : i32 to index
      %get3A_895 = tpu.vector_load %arg7[%get3A] {strides = array<i32>} : memref<1024xi32, #tpu.memory_space<vmem>>, vector<16xi32>,
      %and3A_896 = arith.andi %get3A_895, %broadcast_in_dim3A_137 : vector<16xi32>
      %add3A_897 = vector.broadcast %shift_right_logical3A_888 : i32 to vector<16xi32>
      %add3A_898 = arith.addi %and3A_896, %add3A_897 : vector<16xi32>
      %and3A_899 = arith.andi %get3A_895, %broadcast_in_dim3A_139 : vector<16xi32>
      tpu.vector_store_idx %arg9[%add3A_898, %and3A_899, %add3A_892], %broadcast_in_dim3A_135 : memref<64x8x128xi32, #tpu.memory_space<vmem>>[vector<16xi32>, vector<16xi32>, vector<16xi32>], vector<16xi32>,
      %shift_right_logical3A_900 = arith.constant 8 : i32
      %shift_right_logical3A_901 = vector.broadcast %shift_right_logical3A_900 : i32 to vector<16xi32>
      %shift_right_logical3A_902 = arith.shrui %get3A_895, %shift_right_logical3A_901 : vector<16xi32>
      %and3A_903 = arith.andi %shift_right_logical3A_902, %broadcast_in_dim3A_137 : vector<16xi32>
      %add3A_904 = vector.broadcast %shift_right_logical3A_888 : i32 to vector<16xi32>
      %add3A_905 = arith.addi %and3A_903, %add3A_904 : vector<16xi32>
      %and3A_906 = arith.andi %shift_right_logical3A_902, %broadcast_in_dim3A_139 : vector<16xi32>
      tpu.vector_store_idx %arg9[%add3A_905, %and3A_906, %add3A_892], %broadcast_in_dim3A_135 : memref<64x8x128xi32, #tpu.memory_space<vmem>>[vector<16xi32>, vector<16xi32>, vector<16xi32>], vector<16xi32>,
      %shift_right_logical3A_907 = arith.constant 16 : i32
      %shift_right_logical3A_908 = vector.broadcast %shift_right_logical3A_907 : i32 to vector<16xi32>
      %shift_right_logical3A_909 = arith.shrui %get3A_895, %shift_right_logical3A_908 : vector<16xi32>
      %and3A_910 = arith.andi %shift_right_logical3A_909, %broadcast_in_dim3A_137 : vector<16xi32>
      %add3A_911 = vector.broadcast %shift_right_logical3A_888 : i32 to vector<16xi32>
      %add3A_912 = arith.addi %and3A_910, %add3A_911 : vector<16xi32>
      %and3A_913 = arith.andi %shift_right_logical3A_909, %broadcast_in_dim3A_139 : vector<16xi32>
      tpu.vector_store_idx %arg9[%add3A_912, %and3A_913, %add3A_892], %broadcast_in_dim3A_135 : memref<64x8x128xi32, #tpu.memory_space<vmem>>[vector<16xi32>, vector<16xi32>, vector<16xi32>], vector<16xi32>,
      %shift_right_logical3A_914 = arith.constant 24 : i32
      %shift_right_logical3A_915 = vector.broadcast %shift_right_logical3A_914 : i32 to vector<16xi32>
      %shift_right_logical3A_916 = arith.shrui %get3A_895, %shift_right_logical3A_915 : vector<16xi32>
      %and3A_917 = arith.andi %shift_right_logical3A_916, %broadcast_in_dim3A_137 : vector<16xi32>
      %add3A_918 = vector.broadcast %shift_right_logical3A_888 : i32 to vector<16xi32>
      %add3A_919 = arith.addi %and3A_917, %add3A_918 : vector<16xi32>
      %and3A_920 = arith.andi %shift_right_logical3A_916, %broadcast_in_dim3A_139 : vector<16xi32>
      tpu.vector_store_idx %arg9[%add3A_919, %and3A_920, %add3A_892], %broadcast_in_dim3A_135 : memref<64x8x128xi32, #tpu.memory_space<vmem>>[vector<16xi32>, vector<16xi32>, vector<16xi32>], vector<16xi32>,
      %get3A_921 = arith.index_cast %mul3A_894 : i32 to index
      %get3A_922 = tpu.vector_load %arg8[%get3A_921] {strides = array<i32>} : memref<1024xi32, #tpu.memory_space<vmem>>, vector<16xi32>,
      %and3A_923 = arith.andi %get3A_922, %broadcast_in_dim3A_137 : vector<16xi32>
      %add3A_924 = vector.broadcast %shift_right_logical3A_888 : i32 to vector<16xi32>
      %add3A_925 = arith.addi %and3A_923, %add3A_924 : vector<16xi32>
      %and3A_926 = arith.andi %get3A_922, %broadcast_in_dim3A_139 : vector<16xi32>
      tpu.vector_store_idx %arg9[%add3A_925, %and3A_926, %add3A_892], %broadcast_in_dim3A_135 : memref<64x8x128xi32, #tpu.memory_space<vmem>>[vector<16xi32>, vector<16xi32>, vector<16xi32>], vector<16xi32>,
      %shift_right_logical3A_927 = arith.constant 8 : i32
      %shift_right_logical3A_928 = vector.broadcast %shift_right_logical3A_927 : i32 to vector<16xi32>
      %shift_right_logical3A_929 = arith.shrui %get3A_922, %shift_right_logical3A_928 : vector<16xi32>
      %and3A_930 = arith.andi %shift_right_logical3A_929, %broadcast_in_dim3A_137 : vector<16xi32>
      %add3A_931 = vector.broadcast %shift_right_logical3A_888 : i32 to vector<16xi32>
      %add3A_932 = arith.addi %and3A_930, %add3A_931 : vector<16xi32>
      %and3A_933 = arith.andi %shift_right_logical3A_929, %broadcast_in_dim3A_139 : vector<16xi32>
      tpu.vector_store_idx %arg9[%add3A_932, %and3A_933, %add3A_892], %broadcast_in_dim3A_135 : memref<64x8x128xi32, #tpu.memory_space<vmem>>[vector<16xi32>, vector<16xi32>, vector<16xi32>], vector<16xi32>,
      %shift_right_logical3A_934 = arith.constant 16 : i32
      %shift_right_logical3A_935 = vector.broadcast %shift_right_logical3A_934 : i32 to vector<16xi32>
      %shift_right_logical3A_936 = arith.shrui %get3A_922, %shift_right_logical3A_935 : vector<16xi32>
      %and3A_937 = arith.andi %shift_right_logical3A_936, %broadcast_in_dim3A_137 : vector<16xi32>
      %add3A_938 = vector.broadcast %shift_right_logical3A_888 : i32 to vector<16xi32>
      %add3A_939 = arith.addi %and3A_937, %add3A_938 : vector<16xi32>
      %and3A_940 = arith.andi %shift_right_logical3A_936, %broadcast_in_dim3A_139 : vector<16xi32>
      tpu.vector_store_idx %arg9[%add3A_939, %and3A_940, %add3A_892], %broadcast_in_dim3A_135 : memref<64x8x128xi32, #tpu.memory_space<vmem>>[vector<16xi32>, vector<16xi32>, vector<16xi32>], vector<16xi32>,
      %shift_right_logical3A_941 = arith.constant 24 : i32
      %shift_right_logical3A_942 = vector.broadcast %shift_right_logical3A_941 : i32 to vector<16xi32>
      %shift_right_logical3A_943 = arith.shrui %get3A_922, %shift_right_logical3A_942 : vector<16xi32>
      %and3A_944 = arith.andi %shift_right_logical3A_943, %broadcast_in_dim3A_137 : vector<16xi32>
      %add3A_945 = vector.broadcast %shift_right_logical3A_888 : i32 to vector<16xi32>
      %add3A_946 = arith.addi %and3A_944, %add3A_945 : vector<16xi32>
      %and3A_947 = arith.andi %shift_right_logical3A_943, %broadcast_in_dim3A_139 : vector<16xi32>
      tpu.vector_store_idx %arg9[%add3A_946, %and3A_947, %add3A_892], %broadcast_in_dim3A_135 : memref<64x8x128xi32, #tpu.memory_space<vmem>>[vector<16xi32>, vector<16xi32>, vector<16xi32>], vector<16xi32>,
      %scan3A_948 = arith.constant 1 : i32
      %scan3A_949 = arith.addi %scan3A_887, %scan3A_948 : i32
      %shift_right_logical3A_950 = arith.constant 3 : i32
      %shift_right_logical3A_951 = arith.shrui %scan3A_949, %shift_right_logical3A_950 : i32
      %and3A_952 = arith.constant 7 : i32
      %and3A_953 = arith.andi %scan3A_949, %and3A_952 : i32
      %shift_left3A_954 = arith.constant 4 : i32
      %shift_left3A_955 = arith.shli %and3A_953, %shift_left3A_954 : i32
      %add3A_956 = vector.broadcast %shift_left3A_955 : i32 to vector<16xi32>
      %add3A_957 = arith.addi %iota3A, %add3A_956 : vector<16xi32>
      %mul3A_958 = arith.constant 16 : i32
      %mul3A_959 = arith.muli %mul3A_958, %scan3A_949 : i32
      %get3A_960 = arith.index_cast %mul3A_959 : i32 to index
      %get3A_961 = tpu.vector_load %arg7[%get3A_960] {strides = array<i32>} : memref<1024xi32, #tpu.memory_space<vmem>>, vector<16xi32>,
      %and3A_962 = arith.andi %get3A_961, %broadcast_in_dim3A_137 : vector<16xi32>
      %add3A_963 = vector.broadcast %shift_right_logical3A_951 : i32 to vector<16xi32>
      %add3A_964 = arith.addi %and3A_962, %add3A_963 : vector<16xi32>
      %and3A_965 = arith.andi %get3A_961, %broadcast_in_dim3A_139 : vector<16xi32>
      tpu.vector_store_idx %arg9[%add3A_964, %and3A_965, %add3A_957], %broadcast_in_dim3A_135 : memref<64x8x128xi32, #tpu.memory_space<vmem>>[vector<16xi32>, vector<16xi32>, vector<16xi32>], vector<16xi32>,
      %shift_right_logical3A_966 = arith.constant 8 : i32
      %shift_right_logical3A_967 = vector.broadcast %shift_right_logical3A_966 : i32 to vector<16xi32>
      %shift_right_logical3A_968 = arith.shrui %get3A_961, %shift_right_logical3A_967 : vector<16xi32>
      %and3A_969 = arith.andi %shift_right_logical3A_968, %broadcast_in_dim3A_137 : vector<16xi32>
      %add3A_970 = vector.broadcast %shift_right_logical3A_951 : i32 to vector<16xi32>
      %add3A_971 = arith.addi %and3A_969, %add3A_970 : vector<16xi32>
      %and3A_972 = arith.andi %shift_right_logical3A_968, %broadcast_in_dim3A_139 : vector<16xi32>
      tpu.vector_store_idx %arg9[%add3A_971, %and3A_972, %add3A_957], %broadcast_in_dim3A_135 : memref<64x8x128xi32, #tpu.memory_space<vmem>>[vector<16xi32>, vector<16xi32>, vector<16xi32>], vector<16xi32>,
      %shift_right_logical3A_973 = arith.constant 16 : i32
      %shift_right_logical3A_974 = vector.broadcast %shift_right_logical3A_973 : i32 to vector<16xi32>
      %shift_right_logical3A_975 = arith.shrui %get3A_961, %shift_right_logical3A_974 : vector<16xi32>
      %and3A_976 = arith.andi %shift_right_logical3A_975, %broadcast_in_dim3A_137 : vector<16xi32>
      %add3A_977 = vector.broadcast %shift_right_logical3A_951 : i32 to vector<16xi32>
      %add3A_978 = arith.addi %and3A_976, %add3A_977 : vector<16xi32>
      %and3A_979 = arith.andi %shift_right_logical3A_975, %broadcast_in_dim3A_139 : vector<16xi32>
      tpu.vector_store_idx %arg9[%add3A_978, %and3A_979, %add3A_957], %broadcast_in_dim3A_135 : memref<64x8x128xi32, #tpu.memory_space<vmem>>[vector<16xi32>, vector<16xi32>, vector<16xi32>], vector<16xi32>,
      %shift_right_logical3A_980 = arith.constant 24 : i32
      %shift_right_logical3A_981 = vector.broadcast %shift_right_logical3A_980 : i32 to vector<16xi32>
      %shift_right_logical3A_982 = arith.shrui %get3A_961, %shift_right_logical3A_981 : vector<16xi32>
      %and3A_983 = arith.andi %shift_right_logical3A_982, %broadcast_in_dim3A_137 : vector<16xi32>
      %add3A_984 = vector.broadcast %shift_right_logical3A_951 : i32 to vector<16xi32>
      %add3A_985 = arith.addi %and3A_983, %add3A_984 : vector<16xi32>
      %and3A_986 = arith.andi %shift_right_logical3A_982, %broadcast_in_dim3A_139 : vector<16xi32>
      tpu.vector_store_idx %arg9[%add3A_985, %and3A_986, %add3A_957], %broadcast_in_dim3A_135 : memref<64x8x128xi32, #tpu.memory_space<vmem>>[vector<16xi32>, vector<16xi32>, vector<16xi32>], vector<16xi32>,
      %get3A_987 = arith.index_cast %mul3A_959 : i32 to index
      %get3A_988 = tpu.vector_load %arg8[%get3A_987] {strides = array<i32>} : memref<1024xi32, #tpu.memory_space<vmem>>, vector<16xi32>,
      %and3A_989 = arith.andi %get3A_988, %broadcast_in_dim3A_137 : vector<16xi32>
      %add3A_990 = vector.broadcast %shift_right_logical3A_951 : i32 to vector<16xi32>
      %add3A_991 = arith.addi %and3A_989, %add3A_990 : vector<16xi32>
      %and3A_992 = arith.andi %get3A_988, %broadcast_in_dim3A_139 : vector<16xi32>
      tpu.vector_store_idx %arg9[%add3A_991, %and3A_992, %add3A_957], %broadcast_in_dim3A_135 : memref<64x8x128xi32, #tpu.memory_space<vmem>>[vector<16xi32>, vector<16xi32>, vector<16xi32>], vector<16xi32>,
      %shift_right_logical3A_993 = arith.constant 8 : i32
      %shift_right_logical3A_994 = vector.broadcast %shift_right_logical3A_993 : i32 to vector<16xi32>
      %shift_right_logical3A_995 = arith.shrui %get3A_988, %shift_right_logical3A_994 : vector<16xi32>
      %and3A_996 = arith.andi %shift_right_logical3A_995, %broadcast_in_dim3A_137 : vector<16xi32>
      %add3A_997 = vector.broadcast %shift_right_logical3A_951 : i32 to vector<16xi32>
      %add3A_998 = arith.addi %and3A_996, %add3A_997 : vector<16xi32>
      %and3A_999 = arith.andi %shift_right_logical3A_995, %broadcast_in_dim3A_139 : vector<16xi32>
      tpu.vector_store_idx %arg9[%add3A_998, %and3A_999, %add3A_957], %broadcast_in_dim3A_135 : memref<64x8x128xi32, #tpu.memory_space<vmem>>[vector<16xi32>, vector<16xi32>, vector<16xi32>], vector<16xi32>,
      %shift_right_logical3A_1000 = arith.constant 16 : i32
      %shift_right_logical3A_1001 = vector.broadcast %shift_right_logical3A_1000 : i32 to vector<16xi32>
      %shift_right_logical3A_1002 = arith.shrui %get3A_988, %shift_right_logical3A_1001 : vector<16xi32>
      %and3A_1003 = arith.andi %shift_right_logical3A_1002, %broadcast_in_dim3A_137 : vector<16xi32>
      %add3A_1004 = vector.broadcast %shift_right_logical3A_951 : i32 to vector<16xi32>
      %add3A_1005 = arith.addi %and3A_1003, %add3A_1004 : vector<16xi32>
      %and3A_1006 = arith.andi %shift_right_logical3A_1002, %broadcast_in_dim3A_139 : vector<16xi32>
      tpu.vector_store_idx %arg9[%add3A_1005, %and3A_1006, %add3A_957], %broadcast_in_dim3A_135 : memref<64x8x128xi32, #tpu.memory_space<vmem>>[vector<16xi32>, vector<16xi32>, vector<16xi32>], vector<16xi32>,
      %shift_right_logical3A_1007 = arith.constant 24 : i32
      %shift_right_logical3A_1008 = vector.broadcast %shift_right_logical3A_1007 : i32 to vector<16xi32>
      %shift_right_logical3A_1009 = arith.shrui %get3A_988, %shift_right_logical3A_1008 : vector<16xi32>
      %and3A_1010 = arith.andi %shift_right_logical3A_1009, %broadcast_in_dim3A_137 : vector<16xi32>
      %add3A_1011 = vector.broadcast %shift_right_logical3A_951 : i32 to vector<16xi32>
      %add3A_1012 = arith.addi %and3A_1010, %add3A_1011 : vector<16xi32>
      %and3A_1013 = arith.andi %shift_right_logical3A_1009, %broadcast_in_dim3A_139 : vector<16xi32>
      tpu.vector_store_idx %arg9[%add3A_1012, %and3A_1013, %add3A_957], %broadcast_in_dim3A_135 : memref<64x8x128xi32, #tpu.memory_space<vmem>>[vector<16xi32>, vector<16xi32>, vector<16xi32>], vector<16xi32>,
      %scan3A_1014 = arith.constant 2 : i32
      %scan3A_1015 = arith.addi %scan3A_887, %scan3A_1014 : i32
      %shift_right_logical3A_1016 = arith.constant 3 : i32
      %shift_right_logical3A_1017 = arith.shrui %scan3A_1015, %shift_right_logical3A_1016 : i32
      %and3A_1018 = arith.constant 7 : i32
      %and3A_1019 = arith.andi %scan3A_1015, %and3A_1018 : i32
      %shift_left3A_1020 = arith.constant 4 : i32
      %shift_left3A_1021 = arith.shli %and3A_1019, %shift_left3A_1020 : i32
      %add3A_1022 = vector.broadcast %shift_left3A_1021 : i32 to vector<16xi32>
      %add3A_1023 = arith.addi %iota3A, %add3A_1022 : vector<16xi32>
      %mul3A_1024 = arith.constant 16 : i32
      %mul3A_1025 = arith.muli %mul3A_1024, %scan3A_1015 : i32
      %get3A_1026 = arith.index_cast %mul3A_1025 : i32 to index
      %get3A_1027 = tpu.vector_load %arg7[%get3A_1026] {strides = array<i32>} : memref<1024xi32, #tpu.memory_space<vmem>>, vector<16xi32>,
      %and3A_1028 = arith.andi %get3A_1027, %broadcast_in_dim3A_137 : vector<16xi32>
      %add3A_1029 = vector.broadcast %shift_right_logical3A_1017 : i32 to vector<16xi32>
      %add3A_1030 = arith.addi %and3A_1028, %add3A_1029 : vector<16xi32>
      %and3A_1031 = arith.andi %get3A_1027, %broadcast_in_dim3A_139 : vector<16xi32>
      tpu.vector_store_idx %arg9[%add3A_1030, %and3A_1031, %add3A_1023], %broadcast_in_dim3A_135 : memref<64x8x128xi32, #tpu.memory_space<vmem>>[vector<16xi32>, vector<16xi32>, vector<16xi32>], vector<16xi32>,
      %shift_right_logical3A_1032 = arith.constant 8 : i32
      %shift_right_logical3A_1033 = vector.broadcast %shift_right_logical3A_1032 : i32 to vector<16xi32>
      %shift_right_logical3A_1034 = arith.shrui %get3A_1027, %shift_right_logical3A_1033 : vector<16xi32>
      %and3A_1035 = arith.andi %shift_right_logical3A_1034, %broadcast_in_dim3A_137 : vector<16xi32>
      %add3A_1036 = vector.broadcast %shift_right_logical3A_1017 : i32 to vector<16xi32>
      %add3A_1037 = arith.addi %and3A_1035, %add3A_1036 : vector<16xi32>
      %and3A_1038 = arith.andi %shift_right_logical3A_1034, %broadcast_in_dim3A_139 : vector<16xi32>
      tpu.vector_store_idx %arg9[%add3A_1037, %and3A_1038, %add3A_1023], %broadcast_in_dim3A_135 : memref<64x8x128xi32, #tpu.memory_space<vmem>>[vector<16xi32>, vector<16xi32>, vector<16xi32>], vector<16xi32>,
      %shift_right_logical3A_1039 = arith.constant 16 : i32
      %shift_right_logical3A_1040 = vector.broadcast %shift_right_logical3A_1039 : i32 to vector<16xi32>
      %shift_right_logical3A_1041 = arith.shrui %get3A_1027, %shift_right_logical3A_1040 : vector<16xi32>
      %and3A_1042 = arith.andi %shift_right_logical3A_1041, %broadcast_in_dim3A_137 : vector<16xi32>
      %add3A_1043 = vector.broadcast %shift_right_logical3A_1017 : i32 to vector<16xi32>
      %add3A_1044 = arith.addi %and3A_1042, %add3A_1043 : vector<16xi32>
      %and3A_1045 = arith.andi %shift_right_logical3A_1041, %broadcast_in_dim3A_139 : vector<16xi32>
      tpu.vector_store_idx %arg9[%add3A_1044, %and3A_1045, %add3A_1023], %broadcast_in_dim3A_135 : memref<64x8x128xi32, #tpu.memory_space<vmem>>[vector<16xi32>, vector<16xi32>, vector<16xi32>], vector<16xi32>,
      %shift_right_logical3A_1046 = arith.constant 24 : i32
      %shift_right_logical3A_1047 = vector.broadcast %shift_right_logical3A_1046 : i32 to vector<16xi32>
      %shift_right_logical3A_1048 = arith.shrui %get3A_1027, %shift_right_logical3A_1047 : vector<16xi32>
      %and3A_1049 = arith.andi %shift_right_logical3A_1048, %broadcast_in_dim3A_137 : vector<16xi32>
      %add3A_1050 = vector.broadcast %shift_right_logical3A_1017 : i32 to vector<16xi32>
      %add3A_1051 = arith.addi %and3A_1049, %add3A_1050 : vector<16xi32>
      %and3A_1052 = arith.andi %shift_right_logical3A_1048, %broadcast_in_dim3A_139 : vector<16xi32>
      tpu.vector_store_idx %arg9[%add3A_1051, %and3A_1052, %add3A_1023], %broadcast_in_dim3A_135 : memref<64x8x128xi32, #tpu.memory_space<vmem>>[vector<16xi32>, vector<16xi32>, vector<16xi32>], vector<16xi32>,
      %get3A_1053 = arith.index_cast %mul3A_1025 : i32 to index
      %get3A_1054 = tpu.vector_load %arg8[%get3A_1053] {strides = array<i32>} : memref<1024xi32, #tpu.memory_space<vmem>>, vector<16xi32>,
      %and3A_1055 = arith.andi %get3A_1054, %broadcast_in_dim3A_137 : vector<16xi32>
      %add3A_1056 = vector.broadcast %shift_right_logical3A_1017 : i32 to vector<16xi32>
      %add3A_1057 = arith.addi %and3A_1055, %add3A_1056 : vector<16xi32>
      %and3A_1058 = arith.andi %get3A_1054, %broadcast_in_dim3A_139 : vector<16xi32>
      tpu.vector_store_idx %arg9[%add3A_1057, %and3A_1058, %add3A_1023], %broadcast_in_dim3A_135 : memref<64x8x128xi32, #tpu.memory_space<vmem>>[vector<16xi32>, vector<16xi32>, vector<16xi32>], vector<16xi32>,
      %shift_right_logical3A_1059 = arith.constant 8 : i32
      %shift_right_logical3A_1060 = vector.broadcast %shift_right_logical3A_1059 : i32 to vector<16xi32>
      %shift_right_logical3A_1061 = arith.shrui %get3A_1054, %shift_right_logical3A_1060 : vector<16xi32>
      %and3A_1062 = arith.andi %shift_right_logical3A_1061, %broadcast_in_dim3A_137 : vector<16xi32>
      %add3A_1063 = vector.broadcast %shift_right_logical3A_1017 : i32 to vector<16xi32>
      %add3A_1064 = arith.addi %and3A_1062, %add3A_1063 : vector<16xi32>
      %and3A_1065 = arith.andi %shift_right_logical3A_1061, %broadcast_in_dim3A_139 : vector<16xi32>
      tpu.vector_store_idx %arg9[%add3A_1064, %and3A_1065, %add3A_1023], %broadcast_in_dim3A_135 : memref<64x8x128xi32, #tpu.memory_space<vmem>>[vector<16xi32>, vector<16xi32>, vector<16xi32>], vector<16xi32>,
      %shift_right_logical3A_1066 = arith.constant 16 : i32
      %shift_right_logical3A_1067 = vector.broadcast %shift_right_logical3A_1066 : i32 to vector<16xi32>
      %shift_right_logical3A_1068 = arith.shrui %get3A_1054, %shift_right_logical3A_1067 : vector<16xi32>
      %and3A_1069 = arith.andi %shift_right_logical3A_1068, %broadcast_in_dim3A_137 : vector<16xi32>
      %add3A_1070 = vector.broadcast %shift_right_logical3A_1017 : i32 to vector<16xi32>
      %add3A_1071 = arith.addi %and3A_1069, %add3A_1070 : vector<16xi32>
      %and3A_1072 = arith.andi %shift_right_logical3A_1068, %broadcast_in_dim3A_139 : vector<16xi32>
      tpu.vector_store_idx %arg9[%add3A_1071, %and3A_1072, %add3A_1023], %broadcast_in_dim3A_135 : memref<64x8x128xi32, #tpu.memory_space<vmem>>[vector<16xi32>, vector<16xi32>, vector<16xi32>], vector<16xi32>,
      %shift_right_logical3A_1073 = arith.constant 24 : i32
      %shift_right_logical3A_1074 = vector.broadcast %shift_right_logical3A_1073 : i32 to vector<16xi32>
      %shift_right_logical3A_1075 = arith.shrui %get3A_1054, %shift_right_logical3A_1074 : vector<16xi32>
      %and3A_1076 = arith.andi %shift_right_logical3A_1075, %broadcast_in_dim3A_137 : vector<16xi32>
      %add3A_1077 = vector.broadcast %shift_right_logical3A_1017 : i32 to vector<16xi32>
      %add3A_1078 = arith.addi %and3A_1076, %add3A_1077 : vector<16xi32>
      %and3A_1079 = arith.andi %shift_right_logical3A_1075, %broadcast_in_dim3A_139 : vector<16xi32>
      tpu.vector_store_idx %arg9[%add3A_1078, %and3A_1079, %add3A_1023], %broadcast_in_dim3A_135 : memref<64x8x128xi32, #tpu.memory_space<vmem>>[vector<16xi32>, vector<16xi32>, vector<16xi32>], vector<16xi32>,
      %scan3A_1080 = arith.constant 3 : i32
      %scan3A_1081 = arith.addi %scan3A_887, %scan3A_1080 : i32
      %shift_right_logical3A_1082 = arith.constant 3 : i32
      %shift_right_logical3A_1083 = arith.shrui %scan3A_1081, %shift_right_logical3A_1082 : i32
      %and3A_1084 = arith.constant 7 : i32
      %and3A_1085 = arith.andi %scan3A_1081, %and3A_1084 : i32
      %shift_left3A_1086 = arith.constant 4 : i32
      %shift_left3A_1087 = arith.shli %and3A_1085, %shift_left3A_1086 : i32
      %add3A_1088 = vector.broadcast %shift_left3A_1087 : i32 to vector<16xi32>
      %add3A_1089 = arith.addi %iota3A, %add3A_1088 : vector<16xi32>
      %mul3A_1090 = arith.constant 16 : i32
      %mul3A_1091 = arith.muli %mul3A_1090, %scan3A_1081 : i32
      %get3A_1092 = arith.index_cast %mul3A_1091 : i32 to index
      %get3A_1093 = tpu.vector_load %arg7[%get3A_1092] {strides = array<i32>} : memref<1024xi32, #tpu.memory_space<vmem>>, vector<16xi32>,
      %and3A_1094 = arith.andi %get3A_1093, %broadcast_in_dim3A_137 : vector<16xi32>
      %add3A_1095 = vector.broadcast %shift_right_logical3A_1083 : i32 to vector<16xi32>
      %add3A_1096 = arith.addi %and3A_1094, %add3A_1095 : vector<16xi32>
      %and3A_1097 = arith.andi %get3A_1093, %broadcast_in_dim3A_139 : vector<16xi32>
      tpu.vector_store_idx %arg9[%add3A_1096, %and3A_1097, %add3A_1089], %broadcast_in_dim3A_135 : memref<64x8x128xi32, #tpu.memory_space<vmem>>[vector<16xi32>, vector<16xi32>, vector<16xi32>], vector<16xi32>,
      %shift_right_logical3A_1098 = arith.constant 8 : i32
      %shift_right_logical3A_1099 = vector.broadcast %shift_right_logical3A_1098 : i32 to vector<16xi32>
      %shift_right_logical3A_1100 = arith.shrui %get3A_1093, %shift_right_logical3A_1099 : vector<16xi32>
      %and3A_1101 = arith.andi %shift_right_logical3A_1100, %broadcast_in_dim3A_137 : vector<16xi32>
      %add3A_1102 = vector.broadcast %shift_right_logical3A_1083 : i32 to vector<16xi32>
      %add3A_1103 = arith.addi %and3A_1101, %add3A_1102 : vector<16xi32>
      %and3A_1104 = arith.andi %shift_right_logical3A_1100, %broadcast_in_dim3A_139 : vector<16xi32>
      tpu.vector_store_idx %arg9[%add3A_1103, %and3A_1104, %add3A_1089], %broadcast_in_dim3A_135 : memref<64x8x128xi32, #tpu.memory_space<vmem>>[vector<16xi32>, vector<16xi32>, vector<16xi32>], vector<16xi32>,
      %shift_right_logical3A_1105 = arith.constant 16 : i32
      %shift_right_logical3A_1106 = vector.broadcast %shift_right_logical3A_1105 : i32 to vector<16xi32>
      %shift_right_logical3A_1107 = arith.shrui %get3A_1093, %shift_right_logical3A_1106 : vector<16xi32>
      %and3A_1108 = arith.andi %shift_right_logical3A_1107, %broadcast_in_dim3A_137 : vector<16xi32>
      %add3A_1109 = vector.broadcast %shift_right_logical3A_1083 : i32 to vector<16xi32>
      %add3A_1110 = arith.addi %and3A_1108, %add3A_1109 : vector<16xi32>
      %and3A_1111 = arith.andi %shift_right_logical3A_1107, %broadcast_in_dim3A_139 : vector<16xi32>
      tpu.vector_store_idx %arg9[%add3A_1110, %and3A_1111, %add3A_1089], %broadcast_in_dim3A_135 : memref<64x8x128xi32, #tpu.memory_space<vmem>>[vector<16xi32>, vector<16xi32>, vector<16xi32>], vector<16xi32>,
      %shift_right_logical3A_1112 = arith.constant 24 : i32
      %shift_right_logical3A_1113 = vector.broadcast %shift_right_logical3A_1112 : i32 to vector<16xi32>
      %shift_right_logical3A_1114 = arith.shrui %get3A_1093, %shift_right_logical3A_1113 : vector<16xi32>
      %and3A_1115 = arith.andi %shift_right_logical3A_1114, %broadcast_in_dim3A_137 : vector<16xi32>
      %add3A_1116 = vector.broadcast %shift_right_logical3A_1083 : i32 to vector<16xi32>
      %add3A_1117 = arith.addi %and3A_1115, %add3A_1116 : vector<16xi32>
      %and3A_1118 = arith.andi %shift_right_logical3A_1114, %broadcast_in_dim3A_139 : vector<16xi32>
      tpu.vector_store_idx %arg9[%add3A_1117, %and3A_1118, %add3A_1089], %broadcast_in_dim3A_135 : memref<64x8x128xi32, #tpu.memory_space<vmem>>[vector<16xi32>, vector<16xi32>, vector<16xi32>], vector<16xi32>,
      %get3A_1119 = arith.index_cast %mul3A_1091 : i32 to index
      %get3A_1120 = tpu.vector_load %arg8[%get3A_1119] {strides = array<i32>} : memref<1024xi32, #tpu.memory_space<vmem>>, vector<16xi32>,
      %and3A_1121 = arith.andi %get3A_1120, %broadcast_in_dim3A_137 : vector<16xi32>
      %add3A_1122 = vector.broadcast %shift_right_logical3A_1083 : i32 to vector<16xi32>
      %add3A_1123 = arith.addi %and3A_1121, %add3A_1122 : vector<16xi32>
      %and3A_1124 = arith.andi %get3A_1120, %broadcast_in_dim3A_139 : vector<16xi32>
      tpu.vector_store_idx %arg9[%add3A_1123, %and3A_1124, %add3A_1089], %broadcast_in_dim3A_135 : memref<64x8x128xi32, #tpu.memory_space<vmem>>[vector<16xi32>, vector<16xi32>, vector<16xi32>], vector<16xi32>,
      %shift_right_logical3A_1125 = arith.constant 8 : i32
      %shift_right_logical3A_1126 = vector.broadcast %shift_right_logical3A_1125 : i32 to vector<16xi32>
      %shift_right_logical3A_1127 = arith.shrui %get3A_1120, %shift_right_logical3A_1126 : vector<16xi32>
      %and3A_1128 = arith.andi %shift_right_logical3A_1127, %broadcast_in_dim3A_137 : vector<16xi32>
      %add3A_1129 = vector.broadcast %shift_right_logical3A_1083 : i32 to vector<16xi32>
      %add3A_1130 = arith.addi %and3A_1128, %add3A_1129 : vector<16xi32>
      %and3A_1131 = arith.andi %shift_right_logical3A_1127, %broadcast_in_dim3A_139 : vector<16xi32>
      tpu.vector_store_idx %arg9[%add3A_1130, %and3A_1131, %add3A_1089], %broadcast_in_dim3A_135 : memref<64x8x128xi32, #tpu.memory_space<vmem>>[vector<16xi32>, vector<16xi32>, vector<16xi32>], vector<16xi32>,
      %shift_right_logical3A_1132 = arith.constant 16 : i32
      %shift_right_logical3A_1133 = vector.broadcast %shift_right_logical3A_1132 : i32 to vector<16xi32>
      %shift_right_logical3A_1134 = arith.shrui %get3A_1120, %shift_right_logical3A_1133 : vector<16xi32>
      %and3A_1135 = arith.andi %shift_right_logical3A_1134, %broadcast_in_dim3A_137 : vector<16xi32>
      %add3A_1136 = vector.broadcast %shift_right_logical3A_1083 : i32 to vector<16xi32>
      %add3A_1137 = arith.addi %and3A_1135, %add3A_1136 : vector<16xi32>
      %and3A_1138 = arith.andi %shift_right_logical3A_1134, %broadcast_in_dim3A_139 : vector<16xi32>
      tpu.vector_store_idx %arg9[%add3A_1137, %and3A_1138, %add3A_1089], %broadcast_in_dim3A_135 : memref<64x8x128xi32, #tpu.memory_space<vmem>>[vector<16xi32>, vector<16xi32>, vector<16xi32>], vector<16xi32>,
      %shift_right_logical3A_1139 = arith.constant 24 : i32
      %shift_right_logical3A_1140 = vector.broadcast %shift_right_logical3A_1139 : i32 to vector<16xi32>
      %shift_right_logical3A_1141 = arith.shrui %get3A_1120, %shift_right_logical3A_1140 : vector<16xi32>
      %and3A_1142 = arith.andi %shift_right_logical3A_1141, %broadcast_in_dim3A_137 : vector<16xi32>
      %add3A_1143 = vector.broadcast %shift_right_logical3A_1083 : i32 to vector<16xi32>
      %add3A_1144 = arith.addi %and3A_1142, %add3A_1143 : vector<16xi32>
      %and3A_1145 = arith.andi %shift_right_logical3A_1141, %broadcast_in_dim3A_139 : vector<16xi32>
      tpu.vector_store_idx %arg9[%add3A_1144, %and3A_1145, %add3A_1089], %broadcast_in_dim3A_135 : memref<64x8x128xi32, #tpu.memory_space<vmem>>[vector<16xi32>, vector<16xi32>, vector<16xi32>], vector<16xi32>,
    }
    %scan3A_208 = arith.constant 32 : i32
    %mul3A_209 = arith.constant 8 : i32
    %mul3A_210 = arith.muli %add3A, %mul3A_209 : i32
    %add3A_211 = arith.constant 0 : i32
    %add3A_212 = arith.addi %mul3A_210, %add3A_211 : i32
    %dma_start3A_213 = arith.constant 0 : i32
    %dma_start3A_214 = arith.constant 0 : i32
    %dma_start3A_215 = arith.constant 0 : i32
    %dma_start3A_216 = arith.constant 0 : i32
    %dma_start3A_217 = tpu.memref_slice %arg9[%dma_start3A_214, %dma_start3A_215, %dma_start3A_216] : memref<64x8x128xi32, #tpu.memory_space<vmem>> -> memref<4x8x128xi32, #tpu.memory_space<vmem>>
    %dma_start3A_218 = arith.constant 0 : i32
    %dma_start3A_219 = arith.constant 0 : i32
    %dma_start3A_220 = tpu.memref_slice %arg5[%dma_start3A_213, %add3A_212, %dma_start3A_218, %dma_start3A_219] : memref<8x256x8x128xi32, #tpu.memory_space<hbm>> -> memref<1x4x8x128xi32, #tpu.memory_space<hbm>>
    %dma_start3A_221 = tpu.memref_squeeze %dma_start3A_220 : memref<1x4x8x128xi32, #tpu.memory_space<hbm>> -> memref<4x8x128xi32, #tpu.memory_space<hbm>>
    %dma_start3A_222 = arith.constant 0 : i32
    %dma_start3A_223 = arith.constant 0 : i32
    %dma_start3A_224 = tpu.memref_slice %arg5[%dma_start3A_213, %add3A_212, %dma_start3A_222, %dma_start3A_223] : memref<8x256x8x128xi32, #tpu.memory_space<hbm>> -> memref<1x4x8x128xi32, #tpu.memory_space<hbm>>
    %dma_start3A_225 = tpu.memref_squeeze %dma_start3A_224 : memref<1x4x8x128xi32, #tpu.memory_space<hbm>> -> memref<4x8x128xi32, #tpu.memory_space<hbm>>
    %dma_start3A_226 = arith.constant 0 : i32
    %dma_start3A_227 = arith.constant 0 : i32
    %dma_start3A_228 = arith.constant 0 : i32
    %dma_start3A_229 = tpu.memref_slice %arg9[%dma_start3A_226, %dma_start3A_227, %dma_start3A_228] : memref<64x8x128xi32, #tpu.memory_space<vmem>> -> memref<4x8x128xi32, #tpu.memory_space<vmem>>
    tpu.enqueue_dma source(%dma_start3A_229 : memref<4x8x128xi32, #tpu.memory_space<vmem>>) target(%dma_start3A_225 : memref<4x8x128xi32, #tpu.memory_space<hbm>>) target_semaphore(%arg12 : memref<!tpu.dma_semaphore, #tpu.memory_space<semaphore_mem>>)
    %mul3A_230 = arith.constant 8 : i32
    %mul3A_231 = arith.muli %add3A, %mul3A_230 : i32
    %add3A_232 = arith.constant 0 : i32
    %add3A_233 = arith.addi %mul3A_231, %add3A_232 : i32
    %dma_start3A_234 = arith.constant 1 : i32
    %dma_start3A_235 = arith.constant 8 : i32
    %dma_start3A_236 = arith.constant 0 : i32
    %dma_start3A_237 = arith.constant 0 : i32
    %dma_start3A_238 = tpu.memref_slice %arg9[%dma_start3A_235, %dma_start3A_236, %dma_start3A_237] : memref<64x8x128xi32, #tpu.memory_space<vmem>> -> memref<4x8x128xi32, #tpu.memory_space<vmem>>
    %dma_start3A_239 = arith.constant 0 : i32
    %dma_start3A_240 = arith.constant 0 : i32
    %dma_start3A_241 = tpu.memref_slice %arg5[%dma_start3A_234, %add3A_233, %dma_start3A_239, %dma_start3A_240] : memref<8x256x8x128xi32, #tpu.memory_space<hbm>> -> memref<1x4x8x128xi32, #tpu.memory_space<hbm>>
    %dma_start3A_242 = tpu.memref_squeeze %dma_start3A_241 : memref<1x4x8x128xi32, #tpu.memory_space<hbm>> -> memref<4x8x128xi32, #tpu.memory_space<hbm>>
    %dma_start3A_243 = arith.constant 0 : i32
    %dma_start3A_244 = arith.constant 0 : i32
    %dma_start3A_245 = tpu.memref_slice %arg5[%dma_start3A_234, %add3A_233, %dma_start3A_243, %dma_start3A_244] : memref<8x256x8x128xi32, #tpu.memory_space<hbm>> -> memref<1x4x8x128xi32, #tpu.memory_space<hbm>>
    %dma_start3A_246 = tpu.memref_squeeze %dma_start3A_245 : memref<1x4x8x128xi32, #tpu.memory_space<hbm>> -> memref<4x8x128xi32, #tpu.memory_space<hbm>>
    %dma_start3A_247 = arith.constant 8 : i32
    %dma_start3A_248 = arith.constant 0 : i32
    %dma_start3A_249 = arith.constant 0 : i32
    %dma_start3A_250 = tpu.memref_slice %arg9[%dma_start3A_247, %dma_start3A_248, %dma_start3A_249] : memref<64x8x128xi32, #tpu.memory_space<vmem>> -> memref<4x8x128xi32, #tpu.memory_space<vmem>>
    tpu.enqueue_dma source(%dma_start3A_250 : memref<4x8x128xi32, #tpu.memory_space<vmem>>) target(%dma_start3A_246 : memref<4x8x128xi32, #tpu.memory_space<hbm>>) target_semaphore(%arg12 : memref<!tpu.dma_semaphore, #tpu.memory_space<semaphore_mem>>)
    %mul3A_251 = arith.constant 8 : i32
    %mul3A_252 = arith.muli %add3A, %mul3A_251 : i32
    %add3A_253 = arith.constant 0 : i32
    %add3A_254 = arith.addi %mul3A_252, %add3A_253 : i32
    %dma_start3A_255 = arith.constant 2 : i32
    %dma_start3A_256 = arith.constant 16 : i32
    %dma_start3A_257 = arith.constant 0 : i32
    %dma_start3A_258 = arith.constant 0 : i32
    %dma_start3A_259 = tpu.memref_slice %arg9[%dma_start3A_256, %dma_start3A_257, %dma_start3A_258] : memref<64x8x128xi32, #tpu.memory_space<vmem>> -> memref<4x8x128xi32, #tpu.memory_space<vmem>>
    %dma_start3A_260 = arith.constant 0 : i32
    %dma_start3A_261 = arith.constant 0 : i32
    %dma_start3A_262 = tpu.memref_slice %arg5[%dma_start3A_255, %add3A_254, %dma_start3A_260, %dma_start3A_261] : memref<8x256x8x128xi32, #tpu.memory_space<hbm>> -> memref<1x4x8x128xi32, #tpu.memory_space<hbm>>
    %dma_start3A_263 = tpu.memref_squeeze %dma_start3A_262 : memref<1x4x8x128xi32, #tpu.memory_space<hbm>> -> memref<4x8x128xi32, #tpu.memory_space<hbm>>
    %dma_start3A_264 = arith.constant 0 : i32
    %dma_start3A_265 = arith.constant 0 : i32
    %dma_start3A_266 = tpu.memref_slice %arg5[%dma_start3A_255, %add3A_254, %dma_start3A_264, %dma_start3A_265] : memref<8x256x8x128xi32, #tpu.memory_space<hbm>> -> memref<1x4x8x128xi32, #tpu.memory_space<hbm>>
    %dma_start3A_267 = tpu.memref_squeeze %dma_start3A_266 : memref<1x4x8x128xi32, #tpu.memory_space<hbm>> -> memref<4x8x128xi32, #tpu.memory_space<hbm>>
    %dma_start3A_268 = arith.constant 16 : i32
    %dma_start3A_269 = arith.constant 0 : i32
    %dma_start3A_270 = arith.constant 0 : i32
    %dma_start3A_271 = tpu.memref_slice %arg9[%dma_start3A_268, %dma_start3A_269, %dma_start3A_270] : memref<64x8x128xi32, #tpu.memory_space<vmem>> -> memref<4x8x128xi32, #tpu.memory_space<vmem>>
    tpu.enqueue_dma source(%dma_start3A_271 : memref<4x8x128xi32, #tpu.memory_space<vmem>>) target(%dma_start3A_267 : memref<4x8x128xi32, #tpu.memory_space<hbm>>) target_semaphore(%arg12 : memref<!tpu.dma_semaphore, #tpu.memory_space<semaphore_mem>>)
    %mul3A_272 = arith.constant 8 : i32
    %mul3A_273 = arith.muli %add3A, %mul3A_272 : i32
    %add3A_274 = arith.constant 0 : i32
    %add3A_275 = arith.addi %mul3A_273, %add3A_274 : i32
    %dma_start3A_276 = arith.constant 3 : i32
    %dma_start3A_277 = arith.constant 24 : i32
    %dma_start3A_278 = arith.constant 0 : i32
    %dma_start3A_279 = arith.constant 0 : i32
    %dma_start3A_280 = tpu.memref_slice %arg9[%dma_start3A_277, %dma_start3A_278, %dma_start3A_279] : memref<64x8x128xi32, #tpu.memory_space<vmem>> -> memref<4x8x128xi32, #tpu.memory_space<vmem>>
    %dma_start3A_281 = arith.constant 0 : i32
    %dma_start3A_282 = arith.constant 0 : i32
    %dma_start3A_283 = tpu.memref_slice %arg5[%dma_start3A_276, %add3A_275, %dma_start3A_281, %dma_start3A_282] : memref<8x256x8x128xi32, #tpu.memory_space<hbm>> -> memref<1x4x8x128xi32, #tpu.memory_space<hbm>>
    %dma_start3A_284 = tpu.memref_squeeze %dma_start3A_283 : memref<1x4x8x128xi32, #tpu.memory_space<hbm>> -> memref<4x8x128xi32, #tpu.memory_space<hbm>>
    %dma_start3A_285 = arith.constant 0 : i32
    %dma_start3A_286 = arith.constant 0 : i32
    %dma_start3A_287 = tpu.memref_slice %arg5[%dma_start3A_276, %add3A_275, %dma_start3A_285, %dma_start3A_286] : memref<8x256x8x128xi32, #tpu.memory_space<hbm>> -> memref<1x4x8x128xi32, #tpu.memory_space<hbm>>
    %dma_start3A_288 = tpu.memref_squeeze %dma_start3A_287 : memref<1x4x8x128xi32, #tpu.memory_space<hbm>> -> memref<4x8x128xi32, #tpu.memory_space<hbm>>
    %dma_start3A_289 = arith.constant 24 : i32
    %dma_start3A_290 = arith.constant 0 : i32
    %dma_start3A_291 = arith.constant 0 : i32
    %dma_start3A_292 = tpu.memref_slice %arg9[%dma_start3A_289, %dma_start3A_290, %dma_start3A_291] : memref<64x8x128xi32, #tpu.memory_space<vmem>> -> memref<4x8x128xi32, #tpu.memory_space<vmem>>
    tpu.enqueue_dma source(%dma_start3A_292 : memref<4x8x128xi32, #tpu.memory_space<vmem>>) target(%dma_start3A_288 : memref<4x8x128xi32, #tpu.memory_space<hbm>>) target_semaphore(%arg12 : memref<!tpu.dma_semaphore, #tpu.memory_space<semaphore_mem>>)
    %mul3A_293 = arith.constant 8 : i32
    %mul3A_294 = arith.muli %add3A, %mul3A_293 : i32
    %add3A_295 = arith.constant 0 : i32
    %add3A_296 = arith.addi %mul3A_294, %add3A_295 : i32
    %dma_start3A_297 = arith.constant 4 : i32
    %dma_start3A_298 = arith.constant 32 : i32
    %dma_start3A_299 = arith.constant 0 : i32
    %dma_start3A_300 = arith.constant 0 : i32
    %dma_start3A_301 = tpu.memref_slice %arg9[%dma_start3A_298, %dma_start3A_299, %dma_start3A_300] : memref<64x8x128xi32, #tpu.memory_space<vmem>> -> memref<4x8x128xi32, #tpu.memory_space<vmem>>
    %dma_start3A_302 = arith.constant 0 : i32
    %dma_start3A_303 = arith.constant 0 : i32
    %dma_start3A_304 = tpu.memref_slice %arg5[%dma_start3A_297, %add3A_296, %dma_start3A_302, %dma_start3A_303] : memref<8x256x8x128xi32, #tpu.memory_space<hbm>> -> memref<1x4x8x128xi32, #tpu.memory_space<hbm>>
    %dma_start3A_305 = tpu.memref_squeeze %dma_start3A_304 : memref<1x4x8x128xi32, #tpu.memory_space<hbm>> -> memref<4x8x128xi32, #tpu.memory_space<hbm>>
    %dma_start3A_306 = arith.constant 0 : i32
    %dma_start3A_307 = arith.constant 0 : i32
    %dma_start3A_308 = tpu.memref_slice %arg5[%dma_start3A_297, %add3A_296, %dma_start3A_306, %dma_start3A_307] : memref<8x256x8x128xi32, #tpu.memory_space<hbm>> -> memref<1x4x8x128xi32, #tpu.memory_space<hbm>>
    %dma_start3A_309 = tpu.memref_squeeze %dma_start3A_308 : memref<1x4x8x128xi32, #tpu.memory_space<hbm>> -> memref<4x8x128xi32, #tpu.memory_space<hbm>>
    %dma_start3A_310 = arith.constant 32 : i32
    %dma_start3A_311 = arith.constant 0 : i32
    %dma_start3A_312 = arith.constant 0 : i32
    %dma_start3A_313 = tpu.memref_slice %arg9[%dma_start3A_310, %dma_start3A_311, %dma_start3A_312] : memref<64x8x128xi32, #tpu.memory_space<vmem>> -> memref<4x8x128xi32, #tpu.memory_space<vmem>>
    tpu.enqueue_dma source(%dma_start3A_313 : memref<4x8x128xi32, #tpu.memory_space<vmem>>) target(%dma_start3A_309 : memref<4x8x128xi32, #tpu.memory_space<hbm>>) target_semaphore(%arg12 : memref<!tpu.dma_semaphore, #tpu.memory_space<semaphore_mem>>)
    %mul3A_314 = arith.constant 8 : i32
    %mul3A_315 = arith.muli %add3A, %mul3A_314 : i32
    %add3A_316 = arith.constant 0 : i32
    %add3A_317 = arith.addi %mul3A_315, %add3A_316 : i32
    %dma_start3A_318 = arith.constant 5 : i32
    %dma_start3A_319 = arith.constant 40 : i32
    %dma_start3A_320 = arith.constant 0 : i32
    %dma_start3A_321 = arith.constant 0 : i32
    %dma_start3A_322 = tpu.memref_slice %arg9[%dma_start3A_319, %dma_start3A_320, %dma_start3A_321] : memref<64x8x128xi32, #tpu.memory_space<vmem>> -> memref<4x8x128xi32, #tpu.memory_space<vmem>>
    %dma_start3A_323 = arith.constant 0 : i32
    %dma_start3A_324 = arith.constant 0 : i32
    %dma_start3A_325 = tpu.memref_slice %arg5[%dma_start3A_318, %add3A_317, %dma_start3A_323, %dma_start3A_324] : memref<8x256x8x128xi32, #tpu.memory_space<hbm>> -> memref<1x4x8x128xi32, #tpu.memory_space<hbm>>
    %dma_start3A_326 = tpu.memref_squeeze %dma_start3A_325 : memref<1x4x8x128xi32, #tpu.memory_space<hbm>> -> memref<4x8x128xi32, #tpu.memory_space<hbm>>
    %dma_start3A_327 = arith.constant 0 : i32
    %dma_start3A_328 = arith.constant 0 : i32
    %dma_start3A_329 = tpu.memref_slice %arg5[%dma_start3A_318, %add3A_317, %dma_start3A_327, %dma_start3A_328] : memref<8x256x8x128xi32, #tpu.memory_space<hbm>> -> memref<1x4x8x128xi32, #tpu.memory_space<hbm>>
    %dma_start3A_330 = tpu.memref_squeeze %dma_start3A_329 : memref<1x4x8x128xi32, #tpu.memory_space<hbm>> -> memref<4x8x128xi32, #tpu.memory_space<hbm>>
    %dma_start3A_331 = arith.constant 40 : i32
    %dma_start3A_332 = arith.constant 0 : i32
    %dma_start3A_333 = arith.constant 0 : i32
    %dma_start3A_334 = tpu.memref_slice %arg9[%dma_start3A_331, %dma_start3A_332, %dma_start3A_333] : memref<64x8x128xi32, #tpu.memory_space<vmem>> -> memref<4x8x128xi32, #tpu.memory_space<vmem>>
    tpu.enqueue_dma source(%dma_start3A_334 : memref<4x8x128xi32, #tpu.memory_space<vmem>>) target(%dma_start3A_330 : memref<4x8x128xi32, #tpu.memory_space<hbm>>) target_semaphore(%arg12 : memref<!tpu.dma_semaphore, #tpu.memory_space<semaphore_mem>>)
    %mul3A_335 = arith.constant 8 : i32
    %mul3A_336 = arith.muli %add3A, %mul3A_335 : i32
    %add3A_337 = arith.constant 0 : i32
    %add3A_338 = arith.addi %mul3A_336, %add3A_337 : i32
    %dma_start3A_339 = arith.constant 6 : i32
    %dma_start3A_340 = arith.constant 48 : i32
    %dma_start3A_341 = arith.constant 0 : i32
    %dma_start3A_342 = arith.constant 0 : i32
    %dma_start3A_343 = tpu.memref_slice %arg9[%dma_start3A_340, %dma_start3A_341, %dma_start3A_342] : memref<64x8x128xi32, #tpu.memory_space<vmem>> -> memref<4x8x128xi32, #tpu.memory_space<vmem>>
    %dma_start3A_344 = arith.constant 0 : i32
    %dma_start3A_345 = arith.constant 0 : i32
    %dma_start3A_346 = tpu.memref_slice %arg5[%dma_start3A_339, %add3A_338, %dma_start3A_344, %dma_start3A_345] : memref<8x256x8x128xi32, #tpu.memory_space<hbm>> -> memref<1x4x8x128xi32, #tpu.memory_space<hbm>>
    %dma_start3A_347 = tpu.memref_squeeze %dma_start3A_346 : memref<1x4x8x128xi32, #tpu.memory_space<hbm>> -> memref<4x8x128xi32, #tpu.memory_space<hbm>>
    %dma_start3A_348 = arith.constant 0 : i32
    %dma_start3A_349 = arith.constant 0 : i32
    %dma_start3A_350 = tpu.memref_slice %arg5[%dma_start3A_339, %add3A_338, %dma_start3A_348, %dma_start3A_349] : memref<8x256x8x128xi32, #tpu.memory_space<hbm>> -> memref<1x4x8x128xi32, #tpu.memory_space<hbm>>
    %dma_start3A_351 = tpu.memref_squeeze %dma_start3A_350 : memref<1x4x8x128xi32, #tpu.memory_space<hbm>> -> memref<4x8x128xi32, #tpu.memory_space<hbm>>
    %dma_start3A_352 = arith.constant 48 : i32
    %dma_start3A_353 = arith.constant 0 : i32
    %dma_start3A_354 = arith.constant 0 : i32
    %dma_start3A_355 = tpu.memref_slice %arg9[%dma_start3A_352, %dma_start3A_353, %dma_start3A_354] : memref<64x8x128xi32, #tpu.memory_space<vmem>> -> memref<4x8x128xi32, #tpu.memory_space<vmem>>
    tpu.enqueue_dma source(%dma_start3A_355 : memref<4x8x128xi32, #tpu.memory_space<vmem>>) target(%dma_start3A_351 : memref<4x8x128xi32, #tpu.memory_space<hbm>>) target_semaphore(%arg12 : memref<!tpu.dma_semaphore, #tpu.memory_space<semaphore_mem>>)
    %mul3A_356 = arith.constant 8 : i32
    %mul3A_357 = arith.muli %add3A, %mul3A_356 : i32
    %add3A_358 = arith.constant 0 : i32
    %add3A_359 = arith.addi %mul3A_357, %add3A_358 : i32
    %dma_start3A_360 = arith.constant 7 : i32
    %dma_start3A_361 = arith.constant 56 : i32
    %dma_start3A_362 = arith.constant 0 : i32
    %dma_start3A_363 = arith.constant 0 : i32
    %dma_start3A_364 = tpu.memref_slice %arg9[%dma_start3A_361, %dma_start3A_362, %dma_start3A_363] : memref<64x8x128xi32, #tpu.memory_space<vmem>> -> memref<4x8x128xi32, #tpu.memory_space<vmem>>
    %dma_start3A_365 = arith.constant 0 : i32
    %dma_start3A_366 = arith.constant 0 : i32
    %dma_start3A_367 = tpu.memref_slice %arg5[%dma_start3A_360, %add3A_359, %dma_start3A_365, %dma_start3A_366] : memref<8x256x8x128xi32, #tpu.memory_space<hbm>> -> memref<1x4x8x128xi32, #tpu.memory_space<hbm>>
    %dma_start3A_368 = tpu.memref_squeeze %dma_start3A_367 : memref<1x4x8x128xi32, #tpu.memory_space<hbm>> -> memref<4x8x128xi32, #tpu.memory_space<hbm>>
    %dma_start3A_369 = arith.constant 0 : i32
    %dma_start3A_370 = arith.constant 0 : i32
    %dma_start3A_371 = tpu.memref_slice %arg5[%dma_start3A_360, %add3A_359, %dma_start3A_369, %dma_start3A_370] : memref<8x256x8x128xi32, #tpu.memory_space<hbm>> -> memref<1x4x8x128xi32, #tpu.memory_space<hbm>>
    %dma_start3A_372 = tpu.memref_squeeze %dma_start3A_371 : memref<1x4x8x128xi32, #tpu.memory_space<hbm>> -> memref<4x8x128xi32, #tpu.memory_space<hbm>>
    %dma_start3A_373 = arith.constant 56 : i32
    %dma_start3A_374 = arith.constant 0 : i32
    %dma_start3A_375 = arith.constant 0 : i32
    %dma_start3A_376 = tpu.memref_slice %arg9[%dma_start3A_373, %dma_start3A_374, %dma_start3A_375] : memref<64x8x128xi32, #tpu.memory_space<vmem>> -> memref<4x8x128xi32, #tpu.memory_space<vmem>>
    tpu.enqueue_dma source(%dma_start3A_376 : memref<4x8x128xi32, #tpu.memory_space<vmem>>) target(%dma_start3A_372 : memref<4x8x128xi32, #tpu.memory_space<hbm>>) target_semaphore(%arg12 : memref<!tpu.dma_semaphore, #tpu.memory_space<semaphore_mem>>)
    %dma_wait3A_377 = arith.constant 4 : i32
    %dma_wait3A_378 = arith.constant 512 : i32
    %dma_wait3A_379 = tpu.memref_slice %arg7[%dma_wait3A_378] : memref<1024xi32, #tpu.memory_space<vmem>> -> memref<128xi32, #tpu.memory_space<vmem>>
    %dma_wait3A_380 = arith.constant 0 : i32
    %dma_wait3A_381 = tpu.memref_slice %arg6[%dma_wait3A_377, %dma_wait3A_380] : memref<8x128xi32, #tpu.memory_space<vmem>> -> memref<1x128xi32, #tpu.memory_space<vmem>>
    %dma_wait3A_382 = tpu.memref_squeeze %dma_wait3A_381 : memref<1x128xi32, #tpu.memory_space<vmem>> -> memref<128xi32, #tpu.memory_space<vmem>>
    %dma_wait3A_383 = arith.constant 0 : i32
    %dma_wait3A_384 = tpu.memref_slice %arg3[%dma_wait3A_383] : memref<50257xi32, #tpu.memory_space<hbm>> -> memref<50257xi32, #tpu.memory_space<hbm>>
    tpu.wait_indirect_dma semaphore(%arg11 : memref<!tpu.dma_semaphore, #tpu.memory_space<semaphore_mem>>) src(%dma_wait3A_384 : memref<50257xi32, #tpu.memory_space<hbm>>) dst(%dma_wait3A_379 : memref<128xi32, #tpu.memory_space<vmem>>)
    %dma_wait3A_385 = arith.constant 4 : i32
    %dma_wait3A_386 = arith.constant 512 : i32
    %dma_wait3A_387 = tpu.memref_slice %arg8[%dma_wait3A_386] : memref<1024xi32, #tpu.memory_space<vmem>> -> memref<128xi32, #tpu.memory_space<vmem>>
    %dma_wait3A_388 = arith.constant 0 : i32
    %dma_wait3A_389 = tpu.memref_slice %arg6[%dma_wait3A_385, %dma_wait3A_388] : memref<8x128xi32, #tpu.memory_space<vmem>> -> memref<1x128xi32, #tpu.memory_space<vmem>>
    %dma_wait3A_390 = tpu.memref_squeeze %dma_wait3A_389 : memref<1x128xi32, #tpu.memory_space<vmem>> -> memref<128xi32, #tpu.memory_space<vmem>>
    %dma_wait3A_391 = arith.constant 0 : i32
    %dma_wait3A_392 = tpu.memref_slice %arg4[%dma_wait3A_391] : memref<50257xi32, #tpu.memory_space<hbm>> -> memref<50257xi32, #tpu.memory_space<hbm>>
    tpu.wait_indirect_dma semaphore(%arg11 : memref<!tpu.dma_semaphore, #tpu.memory_space<semaphore_mem>>) src(%dma_wait3A_392 : memref<50257xi32, #tpu.memory_space<hbm>>) dst(%dma_wait3A_387 : memref<128xi32, #tpu.memory_space<vmem>>)
    %dma_wait3A_393 = arith.constant 5 : i32
    %dma_wait3A_394 = arith.constant 640 : i32
    %dma_wait3A_395 = tpu.memref_slice %arg7[%dma_wait3A_394] : memref<1024xi32, #tpu.memory_space<vmem>> -> memref<128xi32, #tpu.memory_space<vmem>>
    %dma_wait3A_396 = arith.constant 0 : i32
    %dma_wait3A_397 = tpu.memref_slice %arg6[%dma_wait3A_393, %dma_wait3A_396] : memref<8x128xi32, #tpu.memory_space<vmem>> -> memref<1x128xi32, #tpu.memory_space<vmem>>
    %dma_wait3A_398 = tpu.memref_squeeze %dma_wait3A_397 : memref<1x128xi32, #tpu.memory_space<vmem>> -> memref<128xi32, #tpu.memory_space<vmem>>
    %dma_wait3A_399 = arith.constant 0 : i32
    %dma_wait3A_400 = tpu.memref_slice %arg3[%dma_wait3A_399] : memref<50257xi32, #tpu.memory_space<hbm>> -> memref<50257xi32, #tpu.memory_space<hbm>>
    tpu.wait_indirect_dma semaphore(%arg11 : memref<!tpu.dma_semaphore, #tpu.memory_space<semaphore_mem>>) src(%dma_wait3A_400 : memref<50257xi32, #tpu.memory_space<hbm>>) dst(%dma_wait3A_395 : memref<128xi32, #tpu.memory_space<vmem>>)
    %dma_wait3A_401 = arith.constant 5 : i32
    %dma_wait3A_402 = arith.constant 640 : i32
    %dma_wait3A_403 = tpu.memref_slice %arg8[%dma_wait3A_402] : memref<1024xi32, #tpu.memory_space<vmem>> -> memref<128xi32, #tpu.memory_space<vmem>>
    %dma_wait3A_404 = arith.constant 0 : i32
    %dma_wait3A_405 = tpu.memref_slice %arg6[%dma_wait3A_401, %dma_wait3A_404] : memref<8x128xi32, #tpu.memory_space<vmem>> -> memref<1x128xi32, #tpu.memory_space<vmem>>
    %dma_wait3A_406 = tpu.memref_squeeze %dma_wait3A_405 : memref<1x128xi32, #tpu.memory_space<vmem>> -> memref<128xi32, #tpu.memory_space<vmem>>
    %dma_wait3A_407 = arith.constant 0 : i32
    %dma_wait3A_408 = tpu.memref_slice %arg4[%dma_wait3A_407] : memref<50257xi32, #tpu.memory_space<hbm>> -> memref<50257xi32, #tpu.memory_space<hbm>>
    tpu.wait_indirect_dma semaphore(%arg11 : memref<!tpu.dma_semaphore, #tpu.memory_space<semaphore_mem>>) src(%dma_wait3A_408 : memref<50257xi32, #tpu.memory_space<hbm>>) dst(%dma_wait3A_403 : memref<128xi32, #tpu.memory_space<vmem>>)
    %dma_wait3A_409 = arith.constant 6 : i32
    %dma_wait3A_410 = arith.constant 768 : i32
    %dma_wait3A_411 = tpu.memref_slice %arg7[%dma_wait3A_410] : memref<1024xi32, #tpu.memory_space<vmem>> -> memref<128xi32, #tpu.memory_space<vmem>>
    %dma_wait3A_412 = arith.constant 0 : i32
    %dma_wait3A_413 = tpu.memref_slice %arg6[%dma_wait3A_409, %dma_wait3A_412] : memref<8x128xi32, #tpu.memory_space<vmem>> -> memref<1x128xi32, #tpu.memory_space<vmem>>
    %dma_wait3A_414 = tpu.memref_squeeze %dma_wait3A_413 : memref<1x128xi32, #tpu.memory_space<vmem>> -> memref<128xi32, #tpu.memory_space<vmem>>
    %dma_wait3A_415 = arith.constant 0 : i32
    %dma_wait3A_416 = tpu.memref_slice %arg3[%dma_wait3A_415] : memref<50257xi32, #tpu.memory_space<hbm>> -> memref<50257xi32, #tpu.memory_space<hbm>>
    tpu.wait_indirect_dma semaphore(%arg11 : memref<!tpu.dma_semaphore, #tpu.memory_space<semaphore_mem>>) src(%dma_wait3A_416 : memref<50257xi32, #tpu.memory_space<hbm>>) dst(%dma_wait3A_411 : memref<128xi32, #tpu.memory_space<vmem>>)
    %dma_wait3A_417 = arith.constant 6 : i32
    %dma_wait3A_418 = arith.constant 768 : i32
    %dma_wait3A_419 = tpu.memref_slice %arg8[%dma_wait3A_418] : memref<1024xi32, #tpu.memory_space<vmem>> -> memref<128xi32, #tpu.memory_space<vmem>>
    %dma_wait3A_420 = arith.constant 0 : i32
    %dma_wait3A_421 = tpu.memref_slice %arg6[%dma_wait3A_417, %dma_wait3A_420] : memref<8x128xi32, #tpu.memory_space<vmem>> -> memref<1x128xi32, #tpu.memory_space<vmem>>
    %dma_wait3A_422 = tpu.memref_squeeze %dma_wait3A_421 : memref<1x128xi32, #tpu.memory_space<vmem>> -> memref<128xi32, #tpu.memory_space<vmem>>
    %dma_wait3A_423 = arith.constant 0 : i32
    %dma_wait3A_424 = tpu.memref_slice %arg4[%dma_wait3A_423] : memref<50257xi32, #tpu.memory_space<hbm>> -> memref<50257xi32, #tpu.memory_space<hbm>>
    tpu.wait_indirect_dma semaphore(%arg11 : memref<!tpu.dma_semaphore, #tpu.memory_space<semaphore_mem>>) src(%dma_wait3A_424 : memref<50257xi32, #tpu.memory_space<hbm>>) dst(%dma_wait3A_419 : memref<128xi32, #tpu.memory_space<vmem>>)
    %dma_wait3A_425 = arith.constant 7 : i32
    %dma_wait3A_426 = arith.constant 896 : i32
    %dma_wait3A_427 = tpu.memref_slice %arg7[%dma_wait3A_426] : memref<1024xi32, #tpu.memory_space<vmem>> -> memref<128xi32, #tpu.memory_space<vmem>>
    %dma_wait3A_428 = arith.constant 0 : i32
    %dma_wait3A_429 = tpu.memref_slice %arg6[%dma_wait3A_425, %dma_wait3A_428] : memref<8x128xi32, #tpu.memory_space<vmem>> -> memref<1x128xi32, #tpu.memory_space<vmem>>
    %dma_wait3A_430 = tpu.memref_squeeze %dma_wait3A_429 : memref<1x128xi32, #tpu.memory_space<vmem>> -> memref<128xi32, #tpu.memory_space<vmem>>
    %dma_wait3A_431 = arith.constant 0 : i32
    %dma_wait3A_432 = tpu.memref_slice %arg3[%dma_wait3A_431] : memref<50257xi32, #tpu.memory_space<hbm>> -> memref<50257xi32, #tpu.memory_space<hbm>>
    tpu.wait_indirect_dma semaphore(%arg11 : memref<!tpu.dma_semaphore, #tpu.memory_space<semaphore_mem>>) src(%dma_wait3A_432 : memref<50257xi32, #tpu.memory_space<hbm>>) dst(%dma_wait3A_427 : memref<128xi32, #tpu.memory_space<vmem>>)
    %dma_wait3A_433 = arith.constant 7 : i32
    %dma_wait3A_434 = arith.constant 896 : i32
    %dma_wait3A_435 = tpu.memref_slice %arg8[%dma_wait3A_434] : memref<1024xi32, #tpu.memory_space<vmem>> -> memref<128xi32, #tpu.memory_space<vmem>>
    %dma_wait3A_436 = arith.constant 0 : i32
    %dma_wait3A_437 = tpu.memref_slice %arg6[%dma_wait3A_433, %dma_wait3A_436] : memref<8x128xi32, #tpu.memory_space<vmem>> -> memref<1x128xi32, #tpu.memory_space<vmem>>
    %dma_wait3A_438 = tpu.memref_squeeze %dma_wait3A_437 : memref<1x128xi32, #tpu.memory_space<vmem>> -> memref<128xi32, #tpu.memory_space<vmem>>
    %dma_wait3A_439 = arith.constant 0 : i32
    %dma_wait3A_440 = tpu.memref_slice %arg4[%dma_wait3A_439] : memref<50257xi32, #tpu.memory_space<hbm>> -> memref<50257xi32, #tpu.memory_space<hbm>>
    tpu.wait_indirect_dma semaphore(%arg11 : memref<!tpu.dma_semaphore, #tpu.memory_space<semaphore_mem>>) src(%dma_wait3A_440 : memref<50257xi32, #tpu.memory_space<hbm>>) dst(%dma_wait3A_435 : memref<128xi32, #tpu.memory_space<vmem>>)
    %scan3A_441 = arith.constant 0 : i32
    %scan3A_442 = arith.constant 32 : i32
    %scan3A_443 = arith.constant 32 : i32
    %scan3A_444 = arith.addi %scan3A_442, %scan3A_443 : i32
    %scan3A_445 = arith.constant 4 : i32
    scf.for %scan3A_887 = %scan3A_442 to %scan3A_444 step %scan3A_445  : i32 {
      %shift_right_logical3A = arith.constant 3 : i32
      %shift_right_logical3A_888 = arith.shrui %scan3A_887, %shift_right_logical3A : i32
      %and3A = arith.constant 7 : i32
      %and3A_889 = arith.andi %scan3A_887, %and3A : i32
      %shift_left3A = arith.constant 4 : i32
      %shift_left3A_890 = arith.shli %and3A_889, %shift_left3A : i32
      %add3A_891 = vector.broadcast %shift_left3A_890 : i32 to vector<16xi32>
      %add3A_892 = arith.addi %iota3A, %add3A_891 : vector<16xi32>
      %mul3A_893 = arith.constant 16 : i32
      %mul3A_894 = arith.muli %mul3A_893, %scan3A_887 : i32
      %get3A = arith.index_cast %mul3A_894 : i32 to index
      %get3A_895 = tpu.vector_load %arg7[%get3A] {strides = array<i32>} : memref<1024xi32, #tpu.memory_space<vmem>>, vector<16xi32>,
      %and3A_896 = arith.andi %get3A_895, %broadcast_in_dim3A_137 : vector<16xi32>
      %add3A_897 = vector.broadcast %shift_right_logical3A_888 : i32 to vector<16xi32>
      %add3A_898 = arith.addi %and3A_896, %add3A_897 : vector<16xi32>
      %and3A_899 = arith.andi %get3A_895, %broadcast_in_dim3A_139 : vector<16xi32>
      tpu.vector_store_idx %arg9[%add3A_898, %and3A_899, %add3A_892], %broadcast_in_dim3A_135 : memref<64x8x128xi32, #tpu.memory_space<vmem>>[vector<16xi32>, vector<16xi32>, vector<16xi32>], vector<16xi32>,
      %shift_right_logical3A_900 = arith.constant 8 : i32
      %shift_right_logical3A_901 = vector.broadcast %shift_right_logical3A_900 : i32 to vector<16xi32>
      %shift_right_logical3A_902 = arith.shrui %get3A_895, %shift_right_logical3A_901 : vector<16xi32>
      %and3A_903 = arith.andi %shift_right_logical3A_902, %broadcast_in_dim3A_137 : vector<16xi32>
      %add3A_904 = vector.broadcast %shift_right_logical3A_888 : i32 to vector<16xi32>
      %add3A_905 = arith.addi %and3A_903, %add3A_904 : vector<16xi32>
      %and3A_906 = arith.andi %shift_right_logical3A_902, %broadcast_in_dim3A_139 : vector<16xi32>
      tpu.vector_store_idx %arg9[%add3A_905, %and3A_906, %add3A_892], %broadcast_in_dim3A_135 : memref<64x8x128xi32, #tpu.memory_space<vmem>>[vector<16xi32>, vector<16xi32>, vector<16xi32>], vector<16xi32>,
      %shift_right_logical3A_907 = arith.constant 16 : i32
      %shift_right_logical3A_908 = vector.broadcast %shift_right_logical3A_907 : i32 to vector<16xi32>
      %shift_right_logical3A_909 = arith.shrui %get3A_895, %shift_right_logical3A_908 : vector<16xi32>
      %and3A_910 = arith.andi %shift_right_logical3A_909, %broadcast_in_dim3A_137 : vector<16xi32>
      %add3A_911 = vector.broadcast %shift_right_logical3A_888 : i32 to vector<16xi32>
      %add3A_912 = arith.addi %and3A_910, %add3A_911 : vector<16xi32>
      %and3A_913 = arith.andi %shift_right_logical3A_909, %broadcast_in_dim3A_139 : vector<16xi32>
      tpu.vector_store_idx %arg9[%add3A_912, %and3A_913, %add3A_892], %broadcast_in_dim3A_135 : memref<64x8x128xi32, #tpu.memory_space<vmem>>[vector<16xi32>, vector<16xi32>, vector<16xi32>], vector<16xi32>,
      %shift_right_logical3A_914 = arith.constant 24 : i32
      %shift_right_logical3A_915 = vector.broadcast %shift_right_logical3A_914 : i32 to vector<16xi32>
      %shift_right_logical3A_916 = arith.shrui %get3A_895, %shift_right_logical3A_915 : vector<16xi32>
      %and3A_917 = arith.andi %shift_right_logical3A_916, %broadcast_in_dim3A_137 : vector<16xi32>
      %add3A_918 = vector.broadcast %shift_right_logical3A_888 : i32 to vector<16xi32>
      %add3A_919 = arith.addi %and3A_917, %add3A_918 : vector<16xi32>
      %and3A_920 = arith.andi %shift_right_logical3A_916, %broadcast_in_dim3A_139 : vector<16xi32>
      tpu.vector_store_idx %arg9[%add3A_919, %and3A_920, %add3A_892], %broadcast_in_dim3A_135 : memref<64x8x128xi32, #tpu.memory_space<vmem>>[vector<16xi32>, vector<16xi32>, vector<16xi32>], vector<16xi32>,
      %get3A_921 = arith.index_cast %mul3A_894 : i32 to index
      %get3A_922 = tpu.vector_load %arg8[%get3A_921] {strides = array<i32>} : memref<1024xi32, #tpu.memory_space<vmem>>, vector<16xi32>,
      %and3A_923 = arith.andi %get3A_922, %broadcast_in_dim3A_137 : vector<16xi32>
      %add3A_924 = vector.broadcast %shift_right_logical3A_888 : i32 to vector<16xi32>
      %add3A_925 = arith.addi %and3A_923, %add3A_924 : vector<16xi32>
      %and3A_926 = arith.andi %get3A_922, %broadcast_in_dim3A_139 : vector<16xi32>
      tpu.vector_store_idx %arg9[%add3A_925, %and3A_926, %add3A_892], %broadcast_in_dim3A_135 : memref<64x8x128xi32, #tpu.memory_space<vmem>>[vector<16xi32>, vector<16xi32>, vector<16xi32>], vector<16xi32>,
      %shift_right_logical3A_927 = arith.constant 8 : i32
      %shift_right_logical3A_928 = vector.broadcast %shift_right_logical3A_927 : i32 to vector<16xi32>
      %shift_right_logical3A_929 = arith.shrui %get3A_922, %shift_right_logical3A_928 : vector<16xi32>
      %and3A_930 = arith.andi %shift_right_logical3A_929, %broadcast_in_dim3A_137 : vector<16xi32>
      %add3A_931 = vector.broadcast %shift_right_logical3A_888 : i32 to vector<16xi32>
      %add3A_932 = arith.addi %and3A_930, %add3A_931 : vector<16xi32>
      %and3A_933 = arith.andi %shift_right_logical3A_929, %broadcast_in_dim3A_139 : vector<16xi32>
      tpu.vector_store_idx %arg9[%add3A_932, %and3A_933, %add3A_892], %broadcast_in_dim3A_135 : memref<64x8x128xi32, #tpu.memory_space<vmem>>[vector<16xi32>, vector<16xi32>, vector<16xi32>], vector<16xi32>,
      %shift_right_logical3A_934 = arith.constant 16 : i32
      %shift_right_logical3A_935 = vector.broadcast %shift_right_logical3A_934 : i32 to vector<16xi32>
      %shift_right_logical3A_936 = arith.shrui %get3A_922, %shift_right_logical3A_935 : vector<16xi32>
      %and3A_937 = arith.andi %shift_right_logical3A_936, %broadcast_in_dim3A_137 : vector<16xi32>
      %add3A_938 = vector.broadcast %shift_right_logical3A_888 : i32 to vector<16xi32>
      %add3A_939 = arith.addi %and3A_937, %add3A_938 : vector<16xi32>
      %and3A_940 = arith.andi %shift_right_logical3A_936, %broadcast_in_dim3A_139 : vector<16xi32>
      tpu.vector_store_idx %arg9[%add3A_939, %and3A_940, %add3A_892], %broadcast_in_dim3A_135 : memref<64x8x128xi32, #tpu.memory_space<vmem>>[vector<16xi32>, vector<16xi32>, vector<16xi32>], vector<16xi32>,
      %shift_right_logical3A_941 = arith.constant 24 : i32
      %shift_right_logical3A_942 = vector.broadcast %shift_right_logical3A_941 : i32 to vector<16xi32>
      %shift_right_logical3A_943 = arith.shrui %get3A_922, %shift_right_logical3A_942 : vector<16xi32>
      %and3A_944 = arith.andi %shift_right_logical3A_943, %broadcast_in_dim3A_137 : vector<16xi32>
      %add3A_945 = vector.broadcast %shift_right_logical3A_888 : i32 to vector<16xi32>
      %add3A_946 = arith.addi %and3A_944, %add3A_945 : vector<16xi32>
      %and3A_947 = arith.andi %shift_right_logical3A_943, %broadcast_in_dim3A_139 : vector<16xi32>
      tpu.vector_store_idx %arg9[%add3A_946, %and3A_947, %add3A_892], %broadcast_in_dim3A_135 : memref<64x8x128xi32, #tpu.memory_space<vmem>>[vector<16xi32>, vector<16xi32>, vector<16xi32>], vector<16xi32>,
      %scan3A_948 = arith.constant 1 : i32
      %scan3A_949 = arith.addi %scan3A_887, %scan3A_948 : i32
      %shift_right_logical3A_950 = arith.constant 3 : i32
      %shift_right_logical3A_951 = arith.shrui %scan3A_949, %shift_right_logical3A_950 : i32
      %and3A_952 = arith.constant 7 : i32
      %and3A_953 = arith.andi %scan3A_949, %and3A_952 : i32
      %shift_left3A_954 = arith.constant 4 : i32
      %shift_left3A_955 = arith.shli %and3A_953, %shift_left3A_954 : i32
      %add3A_956 = vector.broadcast %shift_left3A_955 : i32 to vector<16xi32>
      %add3A_957 = arith.addi %iota3A, %add3A_956 : vector<16xi32>
      %mul3A_958 = arith.constant 16 : i32
      %mul3A_959 = arith.muli %mul3A_958, %scan3A_949 : i32
      %get3A_960 = arith.index_cast %mul3A_959 : i32 to index
      %get3A_961 = tpu.vector_load %arg7[%get3A_960] {strides = array<i32>} : memref<1024xi32, #tpu.memory_space<vmem>>, vector<16xi32>,
      %and3A_962 = arith.andi %get3A_961, %broadcast_in_dim3A_137 : vector<16xi32>
      %add3A_963 = vector.broadcast %shift_right_logical3A_951 : i32 to vector<16xi32>
      %add3A_964 = arith.addi %and3A_962, %add3A_963 : vector<16xi32>
      %and3A_965 = arith.andi %get3A_961, %broadcast_in_dim3A_139 : vector<16xi32>
      tpu.vector_store_idx %arg9[%add3A_964, %and3A_965, %add3A_957], %broadcast_in_dim3A_135 : memref<64x8x128xi32, #tpu.memory_space<vmem>>[vector<16xi32>, vector<16xi32>, vector<16xi32>], vector<16xi32>,
      %shift_right_logical3A_966 = arith.constant 8 : i32
      %shift_right_logical3A_967 = vector.broadcast %shift_right_logical3A_966 : i32 to vector<16xi32>
      %shift_right_logical3A_968 = arith.shrui %get3A_961, %shift_right_logical3A_967 : vector<16xi32>
      %and3A_969 = arith.andi %shift_right_logical3A_968, %broadcast_in_dim3A_137 : vector<16xi32>
      %add3A_970 = vector.broadcast %shift_right_logical3A_951 : i32 to vector<16xi32>
      %add3A_971 = arith.addi %and3A_969, %add3A_970 : vector<16xi32>
      %and3A_972 = arith.andi %shift_right_logical3A_968, %broadcast_in_dim3A_139 : vector<16xi32>
      tpu.vector_store_idx %arg9[%add3A_971, %and3A_972, %add3A_957], %broadcast_in_dim3A_135 : memref<64x8x128xi32, #tpu.memory_space<vmem>>[vector<16xi32>, vector<16xi32>, vector<16xi32>], vector<16xi32>,
      %shift_right_logical3A_973 = arith.constant 16 : i32
      %shift_right_logical3A_974 = vector.broadcast %shift_right_logical3A_973 : i32 to vector<16xi32>
      %shift_right_logical3A_975 = arith.shrui %get3A_961, %shift_right_logical3A_974 : vector<16xi32>
      %and3A_976 = arith.andi %shift_right_logical3A_975, %broadcast_in_dim3A_137 : vector<16xi32>
      %add3A_977 = vector.broadcast %shift_right_logical3A_951 : i32 to vector<16xi32>
      %add3A_978 = arith.addi %and3A_976, %add3A_977 : vector<16xi32>
      %and3A_979 = arith.andi %shift_right_logical3A_975, %broadcast_in_dim3A_139 : vector<16xi32>
      tpu.vector_store_idx %arg9[%add3A_978, %and3A_979, %add3A_957], %broadcast_in_dim3A_135 : memref<64x8x128xi32, #tpu.memory_space<vmem>>[vector<16xi32>, vector<16xi32>, vector<16xi32>], vector<16xi32>,
      %shift_right_logical3A_980 = arith.constant 24 : i32
      %shift_right_logical3A_981 = vector.broadcast %shift_right_logical3A_980 : i32 to vector<16xi32>
      %shift_right_logical3A_982 = arith.shrui %get3A_961, %shift_right_logical3A_981 : vector<16xi32>
      %and3A_983 = arith.andi %shift_right_logical3A_982, %broadcast_in_dim3A_137 : vector<16xi32>
      %add3A_984 = vector.broadcast %shift_right_logical3A_951 : i32 to vector<16xi32>
      %add3A_985 = arith.addi %and3A_983, %add3A_984 : vector<16xi32>
      %and3A_986 = arith.andi %shift_right_logical3A_982, %broadcast_in_dim3A_139 : vector<16xi32>
      tpu.vector_store_idx %arg9[%add3A_985, %and3A_986, %add3A_957], %broadcast_in_dim3A_135 : memref<64x8x128xi32, #tpu.memory_space<vmem>>[vector<16xi32>, vector<16xi32>, vector<16xi32>], vector<16xi32>,
      %get3A_987 = arith.index_cast %mul3A_959 : i32 to index
      %get3A_988 = tpu.vector_load %arg8[%get3A_987] {strides = array<i32>} : memref<1024xi32, #tpu.memory_space<vmem>>, vector<16xi32>,
      %and3A_989 = arith.andi %get3A_988, %broadcast_in_dim3A_137 : vector<16xi32>
      %add3A_990 = vector.broadcast %shift_right_logical3A_951 : i32 to vector<16xi32>
      %add3A_991 = arith.addi %and3A_989, %add3A_990 : vector<16xi32>
      %and3A_992 = arith.andi %get3A_988, %broadcast_in_dim3A_139 : vector<16xi32>
      tpu.vector_store_idx %arg9[%add3A_991, %and3A_992, %add3A_957], %broadcast_in_dim3A_135 : memref<64x8x128xi32, #tpu.memory_space<vmem>>[vector<16xi32>, vector<16xi32>, vector<16xi32>], vector<16xi32>,
      %shift_right_logical3A_993 = arith.constant 8 : i32
      %shift_right_logical3A_994 = vector.broadcast %shift_right_logical3A_993 : i32 to vector<16xi32>
      %shift_right_logical3A_995 = arith.shrui %get3A_988, %shift_right_logical3A_994 : vector<16xi32>
      %and3A_996 = arith.andi %shift_right_logical3A_995, %broadcast_in_dim3A_137 : vector<16xi32>
      %add3A_997 = vector.broadcast %shift_right_logical3A_951 : i32 to vector<16xi32>
      %add3A_998 = arith.addi %and3A_996, %add3A_997 : vector<16xi32>
      %and3A_999 = arith.andi %shift_right_logical3A_995, %broadcast_in_dim3A_139 : vector<16xi32>
      tpu.vector_store_idx %arg9[%add3A_998, %and3A_999, %add3A_957], %broadcast_in_dim3A_135 : memref<64x8x128xi32, #tpu.memory_space<vmem>>[vector<16xi32>, vector<16xi32>, vector<16xi32>], vector<16xi32>,
      %shift_right_logical3A_1000 = arith.constant 16 : i32
      %shift_right_logical3A_1001 = vector.broadcast %shift_right_logical3A_1000 : i32 to vector<16xi32>
      %shift_right_logical3A_1002 = arith.shrui %get3A_988, %shift_right_logical3A_1001 : vector<16xi32>
      %and3A_1003 = arith.andi %shift_right_logical3A_1002, %broadcast_in_dim3A_137 : vector<16xi32>
      %add3A_1004 = vector.broadcast %shift_right_logical3A_951 : i32 to vector<16xi32>
      %add3A_1005 = arith.addi %and3A_1003, %add3A_1004 : vector<16xi32>
      %and3A_1006 = arith.andi %shift_right_logical3A_1002, %broadcast_in_dim3A_139 : vector<16xi32>
      tpu.vector_store_idx %arg9[%add3A_1005, %and3A_1006, %add3A_957], %broadcast_in_dim3A_135 : memref<64x8x128xi32, #tpu.memory_space<vmem>>[vector<16xi32>, vector<16xi32>, vector<16xi32>], vector<16xi32>,
      %shift_right_logical3A_1007 = arith.constant 24 : i32
      %shift_right_logical3A_1008 = vector.broadcast %shift_right_logical3A_1007 : i32 to vector<16xi32>
      %shift_right_logical3A_1009 = arith.shrui %get3A_988, %shift_right_logical3A_1008 : vector<16xi32>
      %and3A_1010 = arith.andi %shift_right_logical3A_1009, %broadcast_in_dim3A_137 : vector<16xi32>
      %add3A_1011 = vector.broadcast %shift_right_logical3A_951 : i32 to vector<16xi32>
      %add3A_1012 = arith.addi %and3A_1010, %add3A_1011 : vector<16xi32>
      %and3A_1013 = arith.andi %shift_right_logical3A_1009, %broadcast_in_dim3A_139 : vector<16xi32>
      tpu.vector_store_idx %arg9[%add3A_1012, %and3A_1013, %add3A_957], %broadcast_in_dim3A_135 : memref<64x8x128xi32, #tpu.memory_space<vmem>>[vector<16xi32>, vector<16xi32>, vector<16xi32>], vector<16xi32>,
      %scan3A_1014 = arith.constant 2 : i32
      %scan3A_1015 = arith.addi %scan3A_887, %scan3A_1014 : i32
      %shift_right_logical3A_1016 = arith.constant 3 : i32
      %shift_right_logical3A_1017 = arith.shrui %scan3A_1015, %shift_right_logical3A_1016 : i32
      %and3A_1018 = arith.constant 7 : i32
      %and3A_1019 = arith.andi %scan3A_1015, %and3A_1018 : i32
      %shift_left3A_1020 = arith.constant 4 : i32
      %shift_left3A_1021 = arith.shli %and3A_1019, %shift_left3A_1020 : i32
      %add3A_1022 = vector.broadcast %shift_left3A_1021 : i32 to vector<16xi32>
      %add3A_1023 = arith.addi %iota3A, %add3A_1022 : vector<16xi32>
      %mul3A_1024 = arith.constant 16 : i32
      %mul3A_1025 = arith.muli %mul3A_1024, %scan3A_1015 : i32
      %get3A_1026 = arith.index_cast %mul3A_1025 : i32 to index
      %get3A_1027 = tpu.vector_load %arg7[%get3A_1026] {strides = array<i32>} : memref<1024xi32, #tpu.memory_space<vmem>>, vector<16xi32>,
      %and3A_1028 = arith.andi %get3A_1027, %broadcast_in_dim3A_137 : vector<16xi32>
      %add3A_1029 = vector.broadcast %shift_right_logical3A_1017 : i32 to vector<16xi32>
      %add3A_1030 = arith.addi %and3A_1028, %add3A_1029 : vector<16xi32>
      %and3A_1031 = arith.andi %get3A_1027, %broadcast_in_dim3A_139 : vector<16xi32>
      tpu.vector_store_idx %arg9[%add3A_1030, %and3A_1031, %add3A_1023], %broadcast_in_dim3A_135 : memref<64x8x128xi32, #tpu.memory_space<vmem>>[vector<16xi32>, vector<16xi32>, vector<16xi32>], vector<16xi32>,
      %shift_right_logical3A_1032 = arith.constant 8 : i32
      %shift_right_logical3A_1033 = vector.broadcast %shift_right_logical3A_1032 : i32 to vector<16xi32>
      %shift_right_logical3A_1034 = arith.shrui %get3A_1027, %shift_right_logical3A_1033 : vector<16xi32>
      %and3A_1035 = arith.andi %shift_right_logical3A_1034, %broadcast_in_dim3A_137 : vector<16xi32>
      %add3A_1036 = vector.broadcast %shift_right_logical3A_1017 : i32 to vector<16xi32>
      %add3A_1037 = arith.addi %and3A_1035, %add3A_1036 : vector<16xi32>
      %and3A_1038 = arith.andi %shift_right_logical3A_1034, %broadcast_in_dim3A_139 : vector<16xi32>
      tpu.vector_store_idx %arg9[%add3A_1037, %and3A_1038, %add3A_1023], %broadcast_in_dim3A_135 : memref<64x8x128xi32, #tpu.memory_space<vmem>>[vector<16xi32>, vector<16xi32>, vector<16xi32>], vector<16xi32>,
      %shift_right_logical3A_1039 = arith.constant 16 : i32
      %shift_right_logical3A_1040 = vector.broadcast %shift_right_logical3A_1039 : i32 to vector<16xi32>
      %shift_right_logical3A_1041 = arith.shrui %get3A_1027, %shift_right_logical3A_1040 : vector<16xi32>
      %and3A_1042 = arith.andi %shift_right_logical3A_1041, %broadcast_in_dim3A_137 : vector<16xi32>
      %add3A_1043 = vector.broadcast %shift_right_logical3A_1017 : i32 to vector<16xi32>
      %add3A_1044 = arith.addi %and3A_1042, %add3A_1043 : vector<16xi32>
      %and3A_1045 = arith.andi %shift_right_logical3A_1041, %broadcast_in_dim3A_139 : vector<16xi32>
      tpu.vector_store_idx %arg9[%add3A_1044, %and3A_1045, %add3A_1023], %broadcast_in_dim3A_135 : memref<64x8x128xi32, #tpu.memory_space<vmem>>[vector<16xi32>, vector<16xi32>, vector<16xi32>], vector<16xi32>,
      %shift_right_logical3A_1046 = arith.constant 24 : i32
      %shift_right_logical3A_1047 = vector.broadcast %shift_right_logical3A_1046 : i32 to vector<16xi32>
      %shift_right_logical3A_1048 = arith.shrui %get3A_1027, %shift_right_logical3A_1047 : vector<16xi32>
      %and3A_1049 = arith.andi %shift_right_logical3A_1048, %broadcast_in_dim3A_137 : vector<16xi32>
      %add3A_1050 = vector.broadcast %shift_right_logical3A_1017 : i32 to vector<16xi32>
      %add3A_1051 = arith.addi %and3A_1049, %add3A_1050 : vector<16xi32>
      %and3A_1052 = arith.andi %shift_right_logical3A_1048, %broadcast_in_dim3A_139 : vector<16xi32>
      tpu.vector_store_idx %arg9[%add3A_1051, %and3A_1052, %add3A_1023], %broadcast_in_dim3A_135 : memref<64x8x128xi32, #tpu.memory_space<vmem>>[vector<16xi32>, vector<16xi32>, vector<16xi32>], vector<16xi32>,
      %get3A_1053 = arith.index_cast %mul3A_1025 : i32 to index
      %get3A_1054 = tpu.vector_load %arg8[%get3A_1053] {strides = array<i32>} : memref<1024xi32, #tpu.memory_space<vmem>>, vector<16xi32>,
      %and3A_1055 = arith.andi %get3A_1054, %broadcast_in_dim3A_137 : vector<16xi32>
      %add3A_1056 = vector.broadcast %shift_right_logical3A_1017 : i32 to vector<16xi32>
      %add3A_1057 = arith.addi %and3A_1055, %add3A_1056 : vector<16xi32>
      %and3A_1058 = arith.andi %get3A_1054, %broadcast_in_dim3A_139 : vector<16xi32>
      tpu.vector_store_idx %arg9[%add3A_1057, %and3A_1058, %add3A_1023], %broadcast_in_dim3A_135 : memref<64x8x128xi32, #tpu.memory_space<vmem>>[vector<16xi32>, vector<16xi32>, vector<16xi32>], vector<16xi32>,
      %shift_right_logical3A_1059 = arith.constant 8 : i32
      %shift_right_logical3A_1060 = vector.broadcast %shift_right_logical3A_1059 : i32 to vector<16xi32>
      %shift_right_logical3A_1061 = arith.shrui %get3A_1054, %shift_right_logical3A_1060 : vector<16xi32>
      %and3A_1062 = arith.andi %shift_right_logical3A_1061, %broadcast_in_dim3A_137 : vector<16xi32>
      %add3A_1063 = vector.broadcast %shift_right_logical3A_1017 : i32 to vector<16xi32>
      %add3A_1064 = arith.addi %and3A_1062, %add3A_1063 : vector<16xi32>
      %and3A_1065 = arith.andi %shift_right_logical3A_1061, %broadcast_in_dim3A_139 : vector<16xi32>
      tpu.vector_store_idx %arg9[%add3A_1064, %and3A_1065, %add3A_1023], %broadcast_in_dim3A_135 : memref<64x8x128xi32, #tpu.memory_space<vmem>>[vector<16xi32>, vector<16xi32>, vector<16xi32>], vector<16xi32>,
      %shift_right_logical3A_1066 = arith.constant 16 : i32
      %shift_right_logical3A_1067 = vector.broadcast %shift_right_logical3A_1066 : i32 to vector<16xi32>
      %shift_right_logical3A_1068 = arith.shrui %get3A_1054, %shift_right_logical3A_1067 : vector<16xi32>
      %and3A_1069 = arith.andi %shift_right_logical3A_1068, %broadcast_in_dim3A_137 : vector<16xi32>
      %add3A_1070 = vector.broadcast %shift_right_logical3A_1017 : i32 to vector<16xi32>
      %add3A_1071 = arith.addi %and3A_1069, %add3A_1070 : vector<16xi32>
      %and3A_1072 = arith.andi %shift_right_logical3A_1068, %broadcast_in_dim3A_139 : vector<16xi32>
      tpu.vector_store_idx %arg9[%add3A_1071, %and3A_1072, %add3A_1023], %broadcast_in_dim3A_135 : memref<64x8x128xi32, #tpu.memory_space<vmem>>[vector<16xi32>, vector<16xi32>, vector<16xi32>], vector<16xi32>,
      %shift_right_logical3A_1073 = arith.constant 24 : i32
      %shift_right_logical3A_1074 = vector.broadcast %shift_right_logical3A_1073 : i32 to vector<16xi32>
      %shift_right_logical3A_1075 = arith.shrui %get3A_1054, %shift_right_logical3A_1074 : vector<16xi32>
      %and3A_1076 = arith.andi %shift_right_logical3A_1075, %broadcast_in_dim3A_137 : vector<16xi32>
      %add3A_1077 = vector.broadcast %shift_right_logical3A_1017 : i32 to vector<16xi32>
      %add3A_1078 = arith.addi %and3A_1076, %add3A_1077 : vector<16xi32>
      %and3A_1079 = arith.andi %shift_right_logical3A_1075, %broadcast_in_dim3A_139 : vector<16xi32>
      tpu.vector_store_idx %arg9[%add3A_1078, %and3A_1079, %add3A_1023], %broadcast_in_dim3A_135 : memref<64x8x128xi32, #tpu.memory_space<vmem>>[vector<16xi32>, vector<16xi32>, vector<16xi32>], vector<16xi32>,
      %scan3A_1080 = arith.constant 3 : i32
      %scan3A_1081 = arith.addi %scan3A_887, %scan3A_1080 : i32
      %shift_right_logical3A_1082 = arith.constant 3 : i32
      %shift_right_logical3A_1083 = arith.shrui %scan3A_1081, %shift_right_logical3A_1082 : i32
      %and3A_1084 = arith.constant 7 : i32
      %and3A_1085 = arith.andi %scan3A_1081, %and3A_1084 : i32
      %shift_left3A_1086 = arith.constant 4 : i32
      %shift_left3A_1087 = arith.shli %and3A_1085, %shift_left3A_1086 : i32
      %add3A_1088 = vector.broadcast %shift_left3A_1087 : i32 to vector<16xi32>
      %add3A_1089 = arith.addi %iota3A, %add3A_1088 : vector<16xi32>
      %mul3A_1090 = arith.constant 16 : i32
      %mul3A_1091 = arith.muli %mul3A_1090, %scan3A_1081 : i32
      %get3A_1092 = arith.index_cast %mul3A_1091 : i32 to index
      %get3A_1093 = tpu.vector_load %arg7[%get3A_1092] {strides = array<i32>} : memref<1024xi32, #tpu.memory_space<vmem>>, vector<16xi32>,
      %and3A_1094 = arith.andi %get3A_1093, %broadcast_in_dim3A_137 : vector<16xi32>
      %add3A_1095 = vector.broadcast %shift_right_logical3A_1083 : i32 to vector<16xi32>
      %add3A_1096 = arith.addi %and3A_1094, %add3A_1095 : vector<16xi32>
      %and3A_1097 = arith.andi %get3A_1093, %broadcast_in_dim3A_139 : vector<16xi32>
      tpu.vector_store_idx %arg9[%add3A_1096, %and3A_1097, %add3A_1089], %broadcast_in_dim3A_135 : memref<64x8x128xi32, #tpu.memory_space<vmem>>[vector<16xi32>, vector<16xi32>, vector<16xi32>], vector<16xi32>,
      %shift_right_logical3A_1098 = arith.constant 8 : i32
      %shift_right_logical3A_1099 = vector.broadcast %shift_right_logical3A_1098 : i32 to vector<16xi32>
      %shift_right_logical3A_1100 = arith.shrui %get3A_1093, %shift_right_logical3A_1099 : vector<16xi32>
      %and3A_1101 = arith.andi %shift_right_logical3A_1100, %broadcast_in_dim3A_137 : vector<16xi32>
      %add3A_1102 = vector.broadcast %shift_right_logical3A_1083 : i32 to vector<16xi32>
      %add3A_1103 = arith.addi %and3A_1101, %add3A_1102 : vector<16xi32>
      %and3A_1104 = arith.andi %shift_right_logical3A_1100, %broadcast_in_dim3A_139 : vector<16xi32>
      tpu.vector_store_idx %arg9[%add3A_1103, %and3A_1104, %add3A_1089], %broadcast_in_dim3A_135 : memref<64x8x128xi32, #tpu.memory_space<vmem>>[vector<16xi32>, vector<16xi32>, vector<16xi32>], vector<16xi32>,
      %shift_right_logical3A_1105 = arith.constant 16 : i32
      %shift_right_logical3A_1106 = vector.broadcast %shift_right_logical3A_1105 : i32 to vector<16xi32>
      %shift_right_logical3A_1107 = arith.shrui %get3A_1093, %shift_right_logical3A_1106 : vector<16xi32>
      %and3A_1108 = arith.andi %shift_right_logical3A_1107, %broadcast_in_dim3A_137 : vector<16xi32>
      %add3A_1109 = vector.broadcast %shift_right_logical3A_1083 : i32 to vector<16xi32>
      %add3A_1110 = arith.addi %and3A_1108, %add3A_1109 : vector<16xi32>
      %and3A_1111 = arith.andi %shift_right_logical3A_1107, %broadcast_in_dim3A_139 : vector<16xi32>
      tpu.vector_store_idx %arg9[%add3A_1110, %and3A_1111, %add3A_1089], %broadcast_in_dim3A_135 : memref<64x8x128xi32, #tpu.memory_space<vmem>>[vector<16xi32>, vector<16xi32>, vector<16xi32>], vector<16xi32>,
      %shift_right_logical3A_1112 = arith.constant 24 : i32
      %shift_right_logical3A_1113 = vector.broadcast %shift_right_logical3A_1112 : i32 to vector<16xi32>
      %shift_right_logical3A_1114 = arith.shrui %get3A_1093, %shift_right_logical3A_1113 : vector<16xi32>
      %and3A_1115 = arith.andi %shift_right_logical3A_1114, %broadcast_in_dim3A_137 : vector<16xi32>
      %add3A_1116 = vector.broadcast %shift_right_logical3A_1083 : i32 to vector<16xi32>
      %add3A_1117 = arith.addi %and3A_1115, %add3A_1116 : vector<16xi32>
      %and3A_1118 = arith.andi %shift_right_logical3A_1114, %broadcast_in_dim3A_139 : vector<16xi32>
      tpu.vector_store_idx %arg9[%add3A_1117, %and3A_1118, %add3A_1089], %broadcast_in_dim3A_135 : memref<64x8x128xi32, #tpu.memory_space<vmem>>[vector<16xi32>, vector<16xi32>, vector<16xi32>], vector<16xi32>,
      %get3A_1119 = arith.index_cast %mul3A_1091 : i32 to index
      %get3A_1120 = tpu.vector_load %arg8[%get3A_1119] {strides = array<i32>} : memref<1024xi32, #tpu.memory_space<vmem>>, vector<16xi32>,
      %and3A_1121 = arith.andi %get3A_1120, %broadcast_in_dim3A_137 : vector<16xi32>
      %add3A_1122 = vector.broadcast %shift_right_logical3A_1083 : i32 to vector<16xi32>
      %add3A_1123 = arith.addi %and3A_1121, %add3A_1122 : vector<16xi32>
      %and3A_1124 = arith.andi %get3A_1120, %broadcast_in_dim3A_139 : vector<16xi32>
      tpu.vector_store_idx %arg9[%add3A_1123, %and3A_1124, %add3A_1089], %broadcast_in_dim3A_135 : memref<64x8x128xi32, #tpu.memory_space<vmem>>[vector<16xi32>, vector<16xi32>, vector<16xi32>], vector<16xi32>,
      %shift_right_logical3A_1125 = arith.constant 8 : i32
      %shift_right_logical3A_1126 = vector.broadcast %shift_right_logical3A_1125 : i32 to vector<16xi32>
      %shift_right_logical3A_1127 = arith.shrui %get3A_1120, %shift_right_logical3A_1126 : vector<16xi32>
      %and3A_1128 = arith.andi %shift_right_logical3A_1127, %broadcast_in_dim3A_137 : vector<16xi32>
      %add3A_1129 = vector.broadcast %shift_right_logical3A_1083 : i32 to vector<16xi32>
      %add3A_1130 = arith.addi %and3A_1128, %add3A_1129 : vector<16xi32>
      %and3A_1131 = arith.andi %shift_right_logical3A_1127, %broadcast_in_dim3A_139 : vector<16xi32>
      tpu.vector_store_idx %arg9[%add3A_1130, %and3A_1131, %add3A_1089], %broadcast_in_dim3A_135 : memref<64x8x128xi32, #tpu.memory_space<vmem>>[vector<16xi32>, vector<16xi32>, vector<16xi32>], vector<16xi32>,
      %shift_right_logical3A_1132 = arith.constant 16 : i32
      %shift_right_logical3A_1133 = vector.broadcast %shift_right_logical3A_1132 : i32 to vector<16xi32>
      %shift_right_logical3A_1134 = arith.shrui %get3A_1120, %shift_right_logical3A_1133 : vector<16xi32>
      %and3A_1135 = arith.andi %shift_right_logical3A_1134, %broadcast_in_dim3A_137 : vector<16xi32>
      %add3A_1136 = vector.broadcast %shift_right_logical3A_1083 : i32 to vector<16xi32>
      %add3A_1137 = arith.addi %and3A_1135, %add3A_1136 : vector<16xi32>
      %and3A_1138 = arith.andi %shift_right_logical3A_1134, %broadcast_in_dim3A_139 : vector<16xi32>
      tpu.vector_store_idx %arg9[%add3A_1137, %and3A_1138, %add3A_1089], %broadcast_in_dim3A_135 : memref<64x8x128xi32, #tpu.memory_space<vmem>>[vector<16xi32>, vector<16xi32>, vector<16xi32>], vector<16xi32>,
      %shift_right_logical3A_1139 = arith.constant 24 : i32
      %shift_right_logical3A_1140 = vector.broadcast %shift_right_logical3A_1139 : i32 to vector<16xi32>
      %shift_right_logical3A_1141 = arith.shrui %get3A_1120, %shift_right_logical3A_1140 : vector<16xi32>
      %and3A_1142 = arith.andi %shift_right_logical3A_1141, %broadcast_in_dim3A_137 : vector<16xi32>
      %add3A_1143 = vector.broadcast %shift_right_logical3A_1083 : i32 to vector<16xi32>
      %add3A_1144 = arith.addi %and3A_1142, %add3A_1143 : vector<16xi32>
      %and3A_1145 = arith.andi %shift_right_logical3A_1141, %broadcast_in_dim3A_139 : vector<16xi32>
      tpu.vector_store_idx %arg9[%add3A_1144, %and3A_1145, %add3A_1089], %broadcast_in_dim3A_135 : memref<64x8x128xi32, #tpu.memory_space<vmem>>[vector<16xi32>, vector<16xi32>, vector<16xi32>], vector<16xi32>,
    }
    %scan3A_446 = arith.constant 32 : i32
    %mul3A_447 = arith.constant 8 : i32
    %mul3A_448 = arith.muli %add3A, %mul3A_447 : i32
    %add3A_449 = arith.constant 4 : i32
    %add3A_450 = arith.addi %mul3A_448, %add3A_449 : i32
    %dma_start3A_451 = arith.constant 0 : i32
    %dma_start3A_452 = arith.constant 4 : i32
    %dma_start3A_453 = arith.constant 0 : i32
    %dma_start3A_454 = arith.constant 0 : i32
    %dma_start3A_455 = tpu.memref_slice %arg9[%dma_start3A_452, %dma_start3A_453, %dma_start3A_454] : memref<64x8x128xi32, #tpu.memory_space<vmem>> -> memref<4x8x128xi32, #tpu.memory_space<vmem>>
    %dma_start3A_456 = arith.constant 0 : i32
    %dma_start3A_457 = arith.constant 0 : i32
    %dma_start3A_458 = tpu.memref_slice %arg5[%dma_start3A_451, %add3A_450, %dma_start3A_456, %dma_start3A_457] : memref<8x256x8x128xi32, #tpu.memory_space<hbm>> -> memref<1x4x8x128xi32, #tpu.memory_space<hbm>>
    %dma_start3A_459 = tpu.memref_squeeze %dma_start3A_458 : memref<1x4x8x128xi32, #tpu.memory_space<hbm>> -> memref<4x8x128xi32, #tpu.memory_space<hbm>>
    %dma_start3A_460 = arith.constant 0 : i32
    %dma_start3A_461 = arith.constant 0 : i32
    %dma_start3A_462 = tpu.memref_slice %arg5[%dma_start3A_451, %add3A_450, %dma_start3A_460, %dma_start3A_461] : memref<8x256x8x128xi32, #tpu.memory_space<hbm>> -> memref<1x4x8x128xi32, #tpu.memory_space<hbm>>
    %dma_start3A_463 = tpu.memref_squeeze %dma_start3A_462 : memref<1x4x8x128xi32, #tpu.memory_space<hbm>> -> memref<4x8x128xi32, #tpu.memory_space<hbm>>
    %dma_start3A_464 = arith.constant 4 : i32
    %dma_start3A_465 = arith.constant 0 : i32
    %dma_start3A_466 = arith.constant 0 : i32
    %dma_start3A_467 = tpu.memref_slice %arg9[%dma_start3A_464, %dma_start3A_465, %dma_start3A_466] : memref<64x8x128xi32, #tpu.memory_space<vmem>> -> memref<4x8x128xi32, #tpu.memory_space<vmem>>
    tpu.enqueue_dma source(%dma_start3A_467 : memref<4x8x128xi32, #tpu.memory_space<vmem>>) target(%dma_start3A_463 : memref<4x8x128xi32, #tpu.memory_space<hbm>>) target_semaphore(%arg12 : memref<!tpu.dma_semaphore, #tpu.memory_space<semaphore_mem>>)
    %mul3A_468 = arith.constant 8 : i32
    %mul3A_469 = arith.muli %add3A, %mul3A_468 : i32
    %add3A_470 = arith.constant 4 : i32
    %add3A_471 = arith.addi %mul3A_469, %add3A_470 : i32
    %dma_start3A_472 = arith.constant 1 : i32
    %dma_start3A_473 = arith.constant 12 : i32
    %dma_start3A_474 = arith.constant 0 : i32
    %dma_start3A_475 = arith.constant 0 : i32
    %dma_start3A_476 = tpu.memref_slice %arg9[%dma_start3A_473, %dma_start3A_474, %dma_start3A_475] : memref<64x8x128xi32, #tpu.memory_space<vmem>> -> memref<4x8x128xi32, #tpu.memory_space<vmem>>
    %dma_start3A_477 = arith.constant 0 : i32
    %dma_start3A_478 = arith.constant 0 : i32
    %dma_start3A_479 = tpu.memref_slice %arg5[%dma_start3A_472, %add3A_471, %dma_start3A_477, %dma_start3A_478] : memref<8x256x8x128xi32, #tpu.memory_space<hbm>> -> memref<1x4x8x128xi32, #tpu.memory_space<hbm>>
    %dma_start3A_480 = tpu.memref_squeeze %dma_start3A_479 : memref<1x4x8x128xi32, #tpu.memory_space<hbm>> -> memref<4x8x128xi32, #tpu.memory_space<hbm>>
    %dma_start3A_481 = arith.constant 0 : i32
    %dma_start3A_482 = arith.constant 0 : i32
    %dma_start3A_483 = tpu.memref_slice %arg5[%dma_start3A_472, %add3A_471, %dma_start3A_481, %dma_start3A_482] : memref<8x256x8x128xi32, #tpu.memory_space<hbm>> -> memref<1x4x8x128xi32, #tpu.memory_space<hbm>>
    %dma_start3A_484 = tpu.memref_squeeze %dma_start3A_483 : memref<1x4x8x128xi32, #tpu.memory_space<hbm>> -> memref<4x8x128xi32, #tpu.memory_space<hbm>>
    %dma_start3A_485 = arith.constant 12 : i32
    %dma_start3A_486 = arith.constant 0 : i32
    %dma_start3A_487 = arith.constant 0 : i32
    %dma_start3A_488 = tpu.memref_slice %arg9[%dma_start3A_485, %dma_start3A_486, %dma_start3A_487] : memref<64x8x128xi32, #tpu.memory_space<vmem>> -> memref<4x8x128xi32, #tpu.memory_space<vmem>>
    tpu.enqueue_dma source(%dma_start3A_488 : memref<4x8x128xi32, #tpu.memory_space<vmem>>) target(%dma_start3A_484 : memref<4x8x128xi32, #tpu.memory_space<hbm>>) target_semaphore(%arg12 : memref<!tpu.dma_semaphore, #tpu.memory_space<semaphore_mem>>)
    %mul3A_489 = arith.constant 8 : i32
    %mul3A_490 = arith.muli %add3A, %mul3A_489 : i32
    %add3A_491 = arith.constant 4 : i32
    %add3A_492 = arith.addi %mul3A_490, %add3A_491 : i32
    %dma_start3A_493 = arith.constant 2 : i32
    %dma_start3A_494 = arith.constant 20 : i32
    %dma_start3A_495 = arith.constant 0 : i32
    %dma_start3A_496 = arith.constant 0 : i32
    %dma_start3A_497 = tpu.memref_slice %arg9[%dma_start3A_494, %dma_start3A_495, %dma_start3A_496] : memref<64x8x128xi32, #tpu.memory_space<vmem>> -> memref<4x8x128xi32, #tpu.memory_space<vmem>>
    %dma_start3A_498 = arith.constant 0 : i32
    %dma_start3A_499 = arith.constant 0 : i32
    %dma_start3A_500 = tpu.memref_slice %arg5[%dma_start3A_493, %add3A_492, %dma_start3A_498, %dma_start3A_499] : memref<8x256x8x128xi32, #tpu.memory_space<hbm>> -> memref<1x4x8x128xi32, #tpu.memory_space<hbm>>
    %dma_start3A_501 = tpu.memref_squeeze %dma_start3A_500 : memref<1x4x8x128xi32, #tpu.memory_space<hbm>> -> memref<4x8x128xi32, #tpu.memory_space<hbm>>
    %dma_start3A_502 = arith.constant 0 : i32
    %dma_start3A_503 = arith.constant 0 : i32
    %dma_start3A_504 = tpu.memref_slice %arg5[%dma_start3A_493, %add3A_492, %dma_start3A_502, %dma_start3A_503] : memref<8x256x8x128xi32, #tpu.memory_space<hbm>> -> memref<1x4x8x128xi32, #tpu.memory_space<hbm>>
    %dma_start3A_505 = tpu.memref_squeeze %dma_start3A_504 : memref<1x4x8x128xi32, #tpu.memory_space<hbm>> -> memref<4x8x128xi32, #tpu.memory_space<hbm>>
    %dma_start3A_506 = arith.constant 20 : i32
    %dma_start3A_507 = arith.constant 0 : i32
    %dma_start3A_508 = arith.constant 0 : i32
    %dma_start3A_509 = tpu.memref_slice %arg9[%dma_start3A_506, %dma_start3A_507, %dma_start3A_508] : memref<64x8x128xi32, #tpu.memory_space<vmem>> -> memref<4x8x128xi32, #tpu.memory_space<vmem>>
    tpu.enqueue_dma source(%dma_start3A_509 : memref<4x8x128xi32, #tpu.memory_space<vmem>>) target(%dma_start3A_505 : memref<4x8x128xi32, #tpu.memory_space<hbm>>) target_semaphore(%arg12 : memref<!tpu.dma_semaphore, #tpu.memory_space<semaphore_mem>>)
    %mul3A_510 = arith.constant 8 : i32
    %mul3A_511 = arith.muli %add3A, %mul3A_510 : i32
    %add3A_512 = arith.constant 4 : i32
    %add3A_513 = arith.addi %mul3A_511, %add3A_512 : i32
    %dma_start3A_514 = arith.constant 3 : i32
    %dma_start3A_515 = arith.constant 28 : i32
    %dma_start3A_516 = arith.constant 0 : i32
    %dma_start3A_517 = arith.constant 0 : i32
    %dma_start3A_518 = tpu.memref_slice %arg9[%dma_start3A_515, %dma_start3A_516, %dma_start3A_517] : memref<64x8x128xi32, #tpu.memory_space<vmem>> -> memref<4x8x128xi32, #tpu.memory_space<vmem>>
    %dma_start3A_519 = arith.constant 0 : i32
    %dma_start3A_520 = arith.constant 0 : i32
    %dma_start3A_521 = tpu.memref_slice %arg5[%dma_start3A_514, %add3A_513, %dma_start3A_519, %dma_start3A_520] : memref<8x256x8x128xi32, #tpu.memory_space<hbm>> -> memref<1x4x8x128xi32, #tpu.memory_space<hbm>>
    %dma_start3A_522 = tpu.memref_squeeze %dma_start3A_521 : memref<1x4x8x128xi32, #tpu.memory_space<hbm>> -> memref<4x8x128xi32, #tpu.memory_space<hbm>>
    %dma_start3A_523 = arith.constant 0 : i32
    %dma_start3A_524 = arith.constant 0 : i32
    %dma_start3A_525 = tpu.memref_slice %arg5[%dma_start3A_514, %add3A_513, %dma_start3A_523, %dma_start3A_524] : memref<8x256x8x128xi32, #tpu.memory_space<hbm>> -> memref<1x4x8x128xi32, #tpu.memory_space<hbm>>
    %dma_start3A_526 = tpu.memref_squeeze %dma_start3A_525 : memref<1x4x8x128xi32, #tpu.memory_space<hbm>> -> memref<4x8x128xi32, #tpu.memory_space<hbm>>
    %dma_start3A_527 = arith.constant 28 : i32
    %dma_start3A_528 = arith.constant 0 : i32
    %dma_start3A_529 = arith.constant 0 : i32
    %dma_start3A_530 = tpu.memref_slice %arg9[%dma_start3A_527, %dma_start3A_528, %dma_start3A_529] : memref<64x8x128xi32, #tpu.memory_space<vmem>> -> memref<4x8x128xi32, #tpu.memory_space<vmem>>
    tpu.enqueue_dma source(%dma_start3A_530 : memref<4x8x128xi32, #tpu.memory_space<vmem>>) target(%dma_start3A_526 : memref<4x8x128xi32, #tpu.memory_space<hbm>>) target_semaphore(%arg12 : memref<!tpu.dma_semaphore, #tpu.memory_space<semaphore_mem>>)
    %mul3A_531 = arith.constant 8 : i32
    %mul3A_532 = arith.muli %add3A, %mul3A_531 : i32
    %add3A_533 = arith.constant 4 : i32
    %add3A_534 = arith.addi %mul3A_532, %add3A_533 : i32
    %dma_start3A_535 = arith.constant 4 : i32
    %dma_start3A_536 = arith.constant 36 : i32
    %dma_start3A_537 = arith.constant 0 : i32
    %dma_start3A_538 = arith.constant 0 : i32
    %dma_start3A_539 = tpu.memref_slice %arg9[%dma_start3A_536, %dma_start3A_537, %dma_start3A_538] : memref<64x8x128xi32, #tpu.memory_space<vmem>> -> memref<4x8x128xi32, #tpu.memory_space<vmem>>
    %dma_start3A_540 = arith.constant 0 : i32
    %dma_start3A_541 = arith.constant 0 : i32
    %dma_start3A_542 = tpu.memref_slice %arg5[%dma_start3A_535, %add3A_534, %dma_start3A_540, %dma_start3A_541] : memref<8x256x8x128xi32, #tpu.memory_space<hbm>> -> memref<1x4x8x128xi32, #tpu.memory_space<hbm>>
    %dma_start3A_543 = tpu.memref_squeeze %dma_start3A_542 : memref<1x4x8x128xi32, #tpu.memory_space<hbm>> -> memref<4x8x128xi32, #tpu.memory_space<hbm>>
    %dma_start3A_544 = arith.constant 0 : i32
    %dma_start3A_545 = arith.constant 0 : i32
    %dma_start3A_546 = tpu.memref_slice %arg5[%dma_start3A_535, %add3A_534, %dma_start3A_544, %dma_start3A_545] : memref<8x256x8x128xi32, #tpu.memory_space<hbm>> -> memref<1x4x8x128xi32, #tpu.memory_space<hbm>>
    %dma_start3A_547 = tpu.memref_squeeze %dma_start3A_546 : memref<1x4x8x128xi32, #tpu.memory_space<hbm>> -> memref<4x8x128xi32, #tpu.memory_space<hbm>>
    %dma_start3A_548 = arith.constant 36 : i32
    %dma_start3A_549 = arith.constant 0 : i32
    %dma_start3A_550 = arith.constant 0 : i32
    %dma_start3A_551 = tpu.memref_slice %arg9[%dma_start3A_548, %dma_start3A_549, %dma_start3A_550] : memref<64x8x128xi32, #tpu.memory_space<vmem>> -> memref<4x8x128xi32, #tpu.memory_space<vmem>>
    tpu.enqueue_dma source(%dma_start3A_551 : memref<4x8x128xi32, #tpu.memory_space<vmem>>) target(%dma_start3A_547 : memref<4x8x128xi32, #tpu.memory_space<hbm>>) target_semaphore(%arg12 : memref<!tpu.dma_semaphore, #tpu.memory_space<semaphore_mem>>)
    %mul3A_552 = arith.constant 8 : i32
    %mul3A_553 = arith.muli %add3A, %mul3A_552 : i32
    %add3A_554 = arith.constant 4 : i32
    %add3A_555 = arith.addi %mul3A_553, %add3A_554 : i32
    %dma_start3A_556 = arith.constant 5 : i32
    %dma_start3A_557 = arith.constant 44 : i32
    %dma_start3A_558 = arith.constant 0 : i32
    %dma_start3A_559 = arith.constant 0 : i32
    %dma_start3A_560 = tpu.memref_slice %arg9[%dma_start3A_557, %dma_start3A_558, %dma_start3A_559] : memref<64x8x128xi32, #tpu.memory_space<vmem>> -> memref<4x8x128xi32, #tpu.memory_space<vmem>>
    %dma_start3A_561 = arith.constant 0 : i32
    %dma_start3A_562 = arith.constant 0 : i32
    %dma_start3A_563 = tpu.memref_slice %arg5[%dma_start3A_556, %add3A_555, %dma_start3A_561, %dma_start3A_562] : memref<8x256x8x128xi32, #tpu.memory_space<hbm>> -> memref<1x4x8x128xi32, #tpu.memory_space<hbm>>
    %dma_start3A_564 = tpu.memref_squeeze %dma_start3A_563 : memref<1x4x8x128xi32, #tpu.memory_space<hbm>> -> memref<4x8x128xi32, #tpu.memory_space<hbm>>
    %dma_start3A_565 = arith.constant 0 : i32
    %dma_start3A_566 = arith.constant 0 : i32
    %dma_start3A_567 = tpu.memref_slice %arg5[%dma_start3A_556, %add3A_555, %dma_start3A_565, %dma_start3A_566] : memref<8x256x8x128xi32, #tpu.memory_space<hbm>> -> memref<1x4x8x128xi32, #tpu.memory_space<hbm>>
    %dma_start3A_568 = tpu.memref_squeeze %dma_start3A_567 : memref<1x4x8x128xi32, #tpu.memory_space<hbm>> -> memref<4x8x128xi32, #tpu.memory_space<hbm>>
    %dma_start3A_569 = arith.constant 44 : i32
    %dma_start3A_570 = arith.constant 0 : i32
    %dma_start3A_571 = arith.constant 0 : i32
    %dma_start3A_572 = tpu.memref_slice %arg9[%dma_start3A_569, %dma_start3A_570, %dma_start3A_571] : memref<64x8x128xi32, #tpu.memory_space<vmem>> -> memref<4x8x128xi32, #tpu.memory_space<vmem>>
    tpu.enqueue_dma source(%dma_start3A_572 : memref<4x8x128xi32, #tpu.memory_space<vmem>>) target(%dma_start3A_568 : memref<4x8x128xi32, #tpu.memory_space<hbm>>) target_semaphore(%arg12 : memref<!tpu.dma_semaphore, #tpu.memory_space<semaphore_mem>>)
    %mul3A_573 = arith.constant 8 : i32
    %mul3A_574 = arith.muli %add3A, %mul3A_573 : i32
    %add3A_575 = arith.constant 4 : i32
    %add3A_576 = arith.addi %mul3A_574, %add3A_575 : i32
    %dma_start3A_577 = arith.constant 6 : i32
    %dma_start3A_578 = arith.constant 52 : i32
    %dma_start3A_579 = arith.constant 0 : i32
    %dma_start3A_580 = arith.constant 0 : i32
    %dma_start3A_581 = tpu.memref_slice %arg9[%dma_start3A_578, %dma_start3A_579, %dma_start3A_580] : memref<64x8x128xi32, #tpu.memory_space<vmem>> -> memref<4x8x128xi32, #tpu.memory_space<vmem>>
    %dma_start3A_582 = arith.constant 0 : i32
    %dma_start3A_583 = arith.constant 0 : i32
    %dma_start3A_584 = tpu.memref_slice %arg5[%dma_start3A_577, %add3A_576, %dma_start3A_582, %dma_start3A_583] : memref<8x256x8x128xi32, #tpu.memory_space<hbm>> -> memref<1x4x8x128xi32, #tpu.memory_space<hbm>>
    %dma_start3A_585 = tpu.memref_squeeze %dma_start3A_584 : memref<1x4x8x128xi32, #tpu.memory_space<hbm>> -> memref<4x8x128xi32, #tpu.memory_space<hbm>>
    %dma_start3A_586 = arith.constant 0 : i32
    %dma_start3A_587 = arith.constant 0 : i32
    %dma_start3A_588 = tpu.memref_slice %arg5[%dma_start3A_577, %add3A_576, %dma_start3A_586, %dma_start3A_587] : memref<8x256x8x128xi32, #tpu.memory_space<hbm>> -> memref<1x4x8x128xi32, #tpu.memory_space<hbm>>
    %dma_start3A_589 = tpu.memref_squeeze %dma_start3A_588 : memref<1x4x8x128xi32, #tpu.memory_space<hbm>> -> memref<4x8x128xi32, #tpu.memory_space<hbm>>
    %dma_start3A_590 = arith.constant 52 : i32
    %dma_start3A_591 = arith.constant 0 : i32
    %dma_start3A_592 = arith.constant 0 : i32
    %dma_start3A_593 = tpu.memref_slice %arg9[%dma_start3A_590, %dma_start3A_591, %dma_start3A_592] : memref<64x8x128xi32, #tpu.memory_space<vmem>> -> memref<4x8x128xi32, #tpu.memory_space<vmem>>
    tpu.enqueue_dma source(%dma_start3A_593 : memref<4x8x128xi32, #tpu.memory_space<vmem>>) target(%dma_start3A_589 : memref<4x8x128xi32, #tpu.memory_space<hbm>>) target_semaphore(%arg12 : memref<!tpu.dma_semaphore, #tpu.memory_space<semaphore_mem>>)
    %mul3A_594 = arith.constant 8 : i32
    %mul3A_595 = arith.muli %add3A, %mul3A_594 : i32
    %add3A_596 = arith.constant 4 : i32
    %add3A_597 = arith.addi %mul3A_595, %add3A_596 : i32
    %dma_start3A_598 = arith.constant 7 : i32
    %dma_start3A_599 = arith.constant 60 : i32
    %dma_start3A_600 = arith.constant 0 : i32
    %dma_start3A_601 = arith.constant 0 : i32
    %dma_start3A_602 = tpu.memref_slice %arg9[%dma_start3A_599, %dma_start3A_600, %dma_start3A_601] : memref<64x8x128xi32, #tpu.memory_space<vmem>> -> memref<4x8x128xi32, #tpu.memory_space<vmem>>
    %dma_start3A_603 = arith.constant 0 : i32
    %dma_start3A_604 = arith.constant 0 : i32
    %dma_start3A_605 = tpu.memref_slice %arg5[%dma_start3A_598, %add3A_597, %dma_start3A_603, %dma_start3A_604] : memref<8x256x8x128xi32, #tpu.memory_space<hbm>> -> memref<1x4x8x128xi32, #tpu.memory_space<hbm>>
    %dma_start3A_606 = tpu.memref_squeeze %dma_start3A_605 : memref<1x4x8x128xi32, #tpu.memory_space<hbm>> -> memref<4x8x128xi32, #tpu.memory_space<hbm>>
    %dma_start3A_607 = arith.constant 0 : i32
    %dma_start3A_608 = arith.constant 0 : i32
    %dma_start3A_609 = tpu.memref_slice %arg5[%dma_start3A_598, %add3A_597, %dma_start3A_607, %dma_start3A_608] : memref<8x256x8x128xi32, #tpu.memory_space<hbm>> -> memref<1x4x8x128xi32, #tpu.memory_space<hbm>>
    %dma_start3A_610 = tpu.memref_squeeze %dma_start3A_609 : memref<1x4x8x128xi32, #tpu.memory_space<hbm>> -> memref<4x8x128xi32, #tpu.memory_space<hbm>>
    %dma_start3A_611 = arith.constant 60 : i32
    %dma_start3A_612 = arith.constant 0 : i32
    %dma_start3A_613 = arith.constant 0 : i32
    %dma_start3A_614 = tpu.memref_slice %arg9[%dma_start3A_611, %dma_start3A_612, %dma_start3A_613] : memref<64x8x128xi32, #tpu.memory_space<vmem>> -> memref<4x8x128xi32, #tpu.memory_space<vmem>>
    tpu.enqueue_dma source(%dma_start3A_614 : memref<4x8x128xi32, #tpu.memory_space<vmem>>) target(%dma_start3A_610 : memref<4x8x128xi32, #tpu.memory_space<hbm>>) target_semaphore(%arg12 : memref<!tpu.dma_semaphore, #tpu.memory_space<semaphore_mem>>)
    %dma_wait3A_615 = arith.constant 0 : i32
    %dma_wait3A_616 = arith.constant 0 : i32
    %dma_wait3A_617 = arith.constant 0 : i32
    %dma_wait3A_618 = arith.constant 0 : i32
    %dma_wait3A_619 = tpu.memref_slice %arg9[%dma_wait3A_616, %dma_wait3A_617, %dma_wait3A_618] : memref<64x8x128xi32, #tpu.memory_space<vmem>> -> memref<4x8x128xi32, #tpu.memory_space<vmem>>
    %dma_wait3A_620 = arith.constant 0 : i32
    %dma_wait3A_621 = arith.constant 0 : i32
    %dma_wait3A_622 = tpu.memref_slice %arg5[%dma_wait3A_615, %add3A_212, %dma_wait3A_620, %dma_wait3A_621] : memref<8x256x8x128xi32, #tpu.memory_space<hbm>> -> memref<1x4x8x128xi32, #tpu.memory_space<hbm>>
    %dma_wait3A_623 = tpu.memref_squeeze %dma_wait3A_622 : memref<1x4x8x128xi32, #tpu.memory_space<hbm>> -> memref<4x8x128xi32, #tpu.memory_space<hbm>>
    %dma_wait3A_624 = arith.constant 0 : i32
    %dma_wait3A_625 = arith.constant 0 : i32
    %dma_wait3A_626 = tpu.memref_slice %arg5[%dma_wait3A_615, %add3A_212, %dma_wait3A_624, %dma_wait3A_625] : memref<8x256x8x128xi32, #tpu.memory_space<hbm>> -> memref<1x4x8x128xi32, #tpu.memory_space<hbm>>
    %dma_wait3A_627 = tpu.memref_squeeze %dma_wait3A_626 : memref<1x4x8x128xi32, #tpu.memory_space<hbm>> -> memref<4x8x128xi32, #tpu.memory_space<hbm>>
    %dma_wait3A_628 = arith.constant 0 : i32
    %dma_wait3A_629 = arith.constant 0 : i32
    %dma_wait3A_630 = arith.constant 0 : i32
    %dma_wait3A_631 = tpu.memref_slice %arg9[%dma_wait3A_628, %dma_wait3A_629, %dma_wait3A_630] : memref<64x8x128xi32, #tpu.memory_space<vmem>> -> memref<4x8x128xi32, #tpu.memory_space<vmem>>
    tpu.wait_dma2 semaphore(%arg12 : memref<!tpu.dma_semaphore, #tpu.memory_space<semaphore_mem>>) src(%dma_wait3A_631 : memref<4x8x128xi32, #tpu.memory_space<vmem>>) dst(%dma_wait3A_627 : memref<4x8x128xi32, #tpu.memory_space<hbm>>)
    %dma_wait3A_632 = arith.constant 1 : i32
    %dma_wait3A_633 = arith.constant 8 : i32
    %dma_wait3A_634 = arith.constant 0 : i32
    %dma_wait3A_635 = arith.constant 0 : i32
    %dma_wait3A_636 = tpu.memref_slice %arg9[%dma_wait3A_633, %dma_wait3A_634, %dma_wait3A_635] : memref<64x8x128xi32, #tpu.memory_space<vmem>> -> memref<4x8x128xi32, #tpu.memory_space<vmem>>
    %dma_wait3A_637 = arith.constant 0 : i32
    %dma_wait3A_638 = arith.constant 0 : i32
    %dma_wait3A_639 = tpu.memref_slice %arg5[%dma_wait3A_632, %add3A_233, %dma_wait3A_637, %dma_wait3A_638] : memref<8x256x8x128xi32, #tpu.memory_space<hbm>> -> memref<1x4x8x128xi32, #tpu.memory_space<hbm>>
    %dma_wait3A_640 = tpu.memref_squeeze %dma_wait3A_639 : memref<1x4x8x128xi32, #tpu.memory_space<hbm>> -> memref<4x8x128xi32, #tpu.memory_space<hbm>>
    %dma_wait3A_641 = arith.constant 0 : i32
    %dma_wait3A_642 = arith.constant 0 : i32
    %dma_wait3A_643 = tpu.memref_slice %arg5[%dma_wait3A_632, %add3A_233, %dma_wait3A_641, %dma_wait3A_642] : memref<8x256x8x128xi32, #tpu.memory_space<hbm>> -> memref<1x4x8x128xi32, #tpu.memory_space<hbm>>
    %dma_wait3A_644 = tpu.memref_squeeze %dma_wait3A_643 : memref<1x4x8x128xi32, #tpu.memory_space<hbm>> -> memref<4x8x128xi32, #tpu.memory_space<hbm>>
    %dma_wait3A_645 = arith.constant 8 : i32
    %dma_wait3A_646 = arith.constant 0 : i32
    %dma_wait3A_647 = arith.constant 0 : i32
    %dma_wait3A_648 = tpu.memref_slice %arg9[%dma_wait3A_645, %dma_wait3A_646, %dma_wait3A_647] : memref<64x8x128xi32, #tpu.memory_space<vmem>> -> memref<4x8x128xi32, #tpu.memory_space<vmem>>
    tpu.wait_dma2 semaphore(%arg12 : memref<!tpu.dma_semaphore, #tpu.memory_space<semaphore_mem>>) src(%dma_wait3A_648 : memref<4x8x128xi32, #tpu.memory_space<vmem>>) dst(%dma_wait3A_644 : memref<4x8x128xi32, #tpu.memory_space<hbm>>)
    %dma_wait3A_649 = arith.constant 2 : i32
    %dma_wait3A_650 = arith.constant 16 : i32
    %dma_wait3A_651 = arith.constant 0 : i32
    %dma_wait3A_652 = arith.constant 0 : i32
    %dma_wait3A_653 = tpu.memref_slice %arg9[%dma_wait3A_650, %dma_wait3A_651, %dma_wait3A_652] : memref<64x8x128xi32, #tpu.memory_space<vmem>> -> memref<4x8x128xi32, #tpu.memory_space<vmem>>
    %dma_wait3A_654 = arith.constant 0 : i32
    %dma_wait3A_655 = arith.constant 0 : i32
    %dma_wait3A_656 = tpu.memref_slice %arg5[%dma_wait3A_649, %add3A_254, %dma_wait3A_654, %dma_wait3A_655] : memref<8x256x8x128xi32, #tpu.memory_space<hbm>> -> memref<1x4x8x128xi32, #tpu.memory_space<hbm>>
    %dma_wait3A_657 = tpu.memref_squeeze %dma_wait3A_656 : memref<1x4x8x128xi32, #tpu.memory_space<hbm>> -> memref<4x8x128xi32, #tpu.memory_space<hbm>>
    %dma_wait3A_658 = arith.constant 0 : i32
    %dma_wait3A_659 = arith.constant 0 : i32
    %dma_wait3A_660 = tpu.memref_slice %arg5[%dma_wait3A_649, %add3A_254, %dma_wait3A_658, %dma_wait3A_659] : memref<8x256x8x128xi32, #tpu.memory_space<hbm>> -> memref<1x4x8x128xi32, #tpu.memory_space<hbm>>
    %dma_wait3A_661 = tpu.memref_squeeze %dma_wait3A_660 : memref<1x4x8x128xi32, #tpu.memory_space<hbm>> -> memref<4x8x128xi32, #tpu.memory_space<hbm>>
    %dma_wait3A_662 = arith.constant 16 : i32
    %dma_wait3A_663 = arith.constant 0 : i32
    %dma_wait3A_664 = arith.constant 0 : i32
    %dma_wait3A_665 = tpu.memref_slice %arg9[%dma_wait3A_662, %dma_wait3A_663, %dma_wait3A_664] : memref<64x8x128xi32, #tpu.memory_space<vmem>> -> memref<4x8x128xi32, #tpu.memory_space<vmem>>
    tpu.wait_dma2 semaphore(%arg12 : memref<!tpu.dma_semaphore, #tpu.memory_space<semaphore_mem>>) src(%dma_wait3A_665 : memref<4x8x128xi32, #tpu.memory_space<vmem>>) dst(%dma_wait3A_661 : memref<4x8x128xi32, #tpu.memory_space<hbm>>)
    %dma_wait3A_666 = arith.constant 3 : i32
    %dma_wait3A_667 = arith.constant 24 : i32
    %dma_wait3A_668 = arith.constant 0 : i32
    %dma_wait3A_669 = arith.constant 0 : i32
    %dma_wait3A_670 = tpu.memref_slice %arg9[%dma_wait3A_667, %dma_wait3A_668, %dma_wait3A_669] : memref<64x8x128xi32, #tpu.memory_space<vmem>> -> memref<4x8x128xi32, #tpu.memory_space<vmem>>
    %dma_wait3A_671 = arith.constant 0 : i32
    %dma_wait3A_672 = arith.constant 0 : i32
    %dma_wait3A_673 = tpu.memref_slice %arg5[%dma_wait3A_666, %add3A_275, %dma_wait3A_671, %dma_wait3A_672] : memref<8x256x8x128xi32, #tpu.memory_space<hbm>> -> memref<1x4x8x128xi32, #tpu.memory_space<hbm>>
    %dma_wait3A_674 = tpu.memref_squeeze %dma_wait3A_673 : memref<1x4x8x128xi32, #tpu.memory_space<hbm>> -> memref<4x8x128xi32, #tpu.memory_space<hbm>>
    %dma_wait3A_675 = arith.constant 0 : i32
    %dma_wait3A_676 = arith.constant 0 : i32
    %dma_wait3A_677 = tpu.memref_slice %arg5[%dma_wait3A_666, %add3A_275, %dma_wait3A_675, %dma_wait3A_676] : memref<8x256x8x128xi32, #tpu.memory_space<hbm>> -> memref<1x4x8x128xi32, #tpu.memory_space<hbm>>
    %dma_wait3A_678 = tpu.memref_squeeze %dma_wait3A_677 : memref<1x4x8x128xi32, #tpu.memory_space<hbm>> -> memref<4x8x128xi32, #tpu.memory_space<hbm>>
    %dma_wait3A_679 = arith.constant 24 : i32
    %dma_wait3A_680 = arith.constant 0 : i32
    %dma_wait3A_681 = arith.constant 0 : i32
    %dma_wait3A_682 = tpu.memref_slice %arg9[%dma_wait3A_679, %dma_wait3A_680, %dma_wait3A_681] : memref<64x8x128xi32, #tpu.memory_space<vmem>> -> memref<4x8x128xi32, #tpu.memory_space<vmem>>
    tpu.wait_dma2 semaphore(%arg12 : memref<!tpu.dma_semaphore, #tpu.memory_space<semaphore_mem>>) src(%dma_wait3A_682 : memref<4x8x128xi32, #tpu.memory_space<vmem>>) dst(%dma_wait3A_678 : memref<4x8x128xi32, #tpu.memory_space<hbm>>)
    %dma_wait3A_683 = arith.constant 4 : i32
    %dma_wait3A_684 = arith.constant 32 : i32
    %dma_wait3A_685 = arith.constant 0 : i32
    %dma_wait3A_686 = arith.constant 0 : i32
    %dma_wait3A_687 = tpu.memref_slice %arg9[%dma_wait3A_684, %dma_wait3A_685, %dma_wait3A_686] : memref<64x8x128xi32, #tpu.memory_space<vmem>> -> memref<4x8x128xi32, #tpu.memory_space<vmem>>
    %dma_wait3A_688 = arith.constant 0 : i32
    %dma_wait3A_689 = arith.constant 0 : i32
    %dma_wait3A_690 = tpu.memref_slice %arg5[%dma_wait3A_683, %add3A_296, %dma_wait3A_688, %dma_wait3A_689] : memref<8x256x8x128xi32, #tpu.memory_space<hbm>> -> memref<1x4x8x128xi32, #tpu.memory_space<hbm>>
    %dma_wait3A_691 = tpu.memref_squeeze %dma_wait3A_690 : memref<1x4x8x128xi32, #tpu.memory_space<hbm>> -> memref<4x8x128xi32, #tpu.memory_space<hbm>>
    %dma_wait3A_692 = arith.constant 0 : i32
    %dma_wait3A_693 = arith.constant 0 : i32
    %dma_wait3A_694 = tpu.memref_slice %arg5[%dma_wait3A_683, %add3A_296, %dma_wait3A_692, %dma_wait3A_693] : memref<8x256x8x128xi32, #tpu.memory_space<hbm>> -> memref<1x4x8x128xi32, #tpu.memory_space<hbm>>
    %dma_wait3A_695 = tpu.memref_squeeze %dma_wait3A_694 : memref<1x4x8x128xi32, #tpu.memory_space<hbm>> -> memref<4x8x128xi32, #tpu.memory_space<hbm>>
    %dma_wait3A_696 = arith.constant 32 : i32
    %dma_wait3A_697 = arith.constant 0 : i32
    %dma_wait3A_698 = arith.constant 0 : i32
    %dma_wait3A_699 = tpu.memref_slice %arg9[%dma_wait3A_696, %dma_wait3A_697, %dma_wait3A_698] : memref<64x8x128xi32, #tpu.memory_space<vmem>> -> memref<4x8x128xi32, #tpu.memory_space<vmem>>
    tpu.wait_dma2 semaphore(%arg12 : memref<!tpu.dma_semaphore, #tpu.memory_space<semaphore_mem>>) src(%dma_wait3A_699 : memref<4x8x128xi32, #tpu.memory_space<vmem>>) dst(%dma_wait3A_695 : memref<4x8x128xi32, #tpu.memory_space<hbm>>)
    %dma_wait3A_700 = arith.constant 5 : i32
    %dma_wait3A_701 = arith.constant 40 : i32
    %dma_wait3A_702 = arith.constant 0 : i32
    %dma_wait3A_703 = arith.constant 0 : i32
    %dma_wait3A_704 = tpu.memref_slice %arg9[%dma_wait3A_701, %dma_wait3A_702, %dma_wait3A_703] : memref<64x8x128xi32, #tpu.memory_space<vmem>> -> memref<4x8x128xi32, #tpu.memory_space<vmem>>
    %dma_wait3A_705 = arith.constant 0 : i32
    %dma_wait3A_706 = arith.constant 0 : i32
    %dma_wait3A_707 = tpu.memref_slice %arg5[%dma_wait3A_700, %add3A_317, %dma_wait3A_705, %dma_wait3A_706] : memref<8x256x8x128xi32, #tpu.memory_space<hbm>> -> memref<1x4x8x128xi32, #tpu.memory_space<hbm>>
    %dma_wait3A_708 = tpu.memref_squeeze %dma_wait3A_707 : memref<1x4x8x128xi32, #tpu.memory_space<hbm>> -> memref<4x8x128xi32, #tpu.memory_space<hbm>>
    %dma_wait3A_709 = arith.constant 0 : i32
    %dma_wait3A_710 = arith.constant 0 : i32
    %dma_wait3A_711 = tpu.memref_slice %arg5[%dma_wait3A_700, %add3A_317, %dma_wait3A_709, %dma_wait3A_710] : memref<8x256x8x128xi32, #tpu.memory_space<hbm>> -> memref<1x4x8x128xi32, #tpu.memory_space<hbm>>
    %dma_wait3A_712 = tpu.memref_squeeze %dma_wait3A_711 : memref<1x4x8x128xi32, #tpu.memory_space<hbm>> -> memref<4x8x128xi32, #tpu.memory_space<hbm>>
    %dma_wait3A_713 = arith.constant 40 : i32
    %dma_wait3A_714 = arith.constant 0 : i32
    %dma_wait3A_715 = arith.constant 0 : i32
    %dma_wait3A_716 = tpu.memref_slice %arg9[%dma_wait3A_713, %dma_wait3A_714, %dma_wait3A_715] : memref<64x8x128xi32, #tpu.memory_space<vmem>> -> memref<4x8x128xi32, #tpu.memory_space<vmem>>
    tpu.wait_dma2 semaphore(%arg12 : memref<!tpu.dma_semaphore, #tpu.memory_space<semaphore_mem>>) src(%dma_wait3A_716 : memref<4x8x128xi32, #tpu.memory_space<vmem>>) dst(%dma_wait3A_712 : memref<4x8x128xi32, #tpu.memory_space<hbm>>)
    %dma_wait3A_717 = arith.constant 6 : i32
    %dma_wait3A_718 = arith.constant 48 : i32
    %dma_wait3A_719 = arith.constant 0 : i32
    %dma_wait3A_720 = arith.constant 0 : i32
    %dma_wait3A_721 = tpu.memref_slice %arg9[%dma_wait3A_718, %dma_wait3A_719, %dma_wait3A_720] : memref<64x8x128xi32, #tpu.memory_space<vmem>> -> memref<4x8x128xi32, #tpu.memory_space<vmem>>
    %dma_wait3A_722 = arith.constant 0 : i32
    %dma_wait3A_723 = arith.constant 0 : i32
    %dma_wait3A_724 = tpu.memref_slice %arg5[%dma_wait3A_717, %add3A_338, %dma_wait3A_722, %dma_wait3A_723] : memref<8x256x8x128xi32, #tpu.memory_space<hbm>> -> memref<1x4x8x128xi32, #tpu.memory_space<hbm>>
    %dma_wait3A_725 = tpu.memref_squeeze %dma_wait3A_724 : memref<1x4x8x128xi32, #tpu.memory_space<hbm>> -> memref<4x8x128xi32, #tpu.memory_space<hbm>>
    %dma_wait3A_726 = arith.constant 0 : i32
    %dma_wait3A_727 = arith.constant 0 : i32
    %dma_wait3A_728 = tpu.memref_slice %arg5[%dma_wait3A_717, %add3A_338, %dma_wait3A_726, %dma_wait3A_727] : memref<8x256x8x128xi32, #tpu.memory_space<hbm>> -> memref<1x4x8x128xi32, #tpu.memory_space<hbm>>
    %dma_wait3A_729 = tpu.memref_squeeze %dma_wait3A_728 : memref<1x4x8x128xi32, #tpu.memory_space<hbm>> -> memref<4x8x128xi32, #tpu.memory_space<hbm>>
    %dma_wait3A_730 = arith.constant 48 : i32
    %dma_wait3A_731 = arith.constant 0 : i32
    %dma_wait3A_732 = arith.constant 0 : i32
    %dma_wait3A_733 = tpu.memref_slice %arg9[%dma_wait3A_730, %dma_wait3A_731, %dma_wait3A_732] : memref<64x8x128xi32, #tpu.memory_space<vmem>> -> memref<4x8x128xi32, #tpu.memory_space<vmem>>
    tpu.wait_dma2 semaphore(%arg12 : memref<!tpu.dma_semaphore, #tpu.memory_space<semaphore_mem>>) src(%dma_wait3A_733 : memref<4x8x128xi32, #tpu.memory_space<vmem>>) dst(%dma_wait3A_729 : memref<4x8x128xi32, #tpu.memory_space<hbm>>)
    %dma_wait3A_734 = arith.constant 7 : i32
    %dma_wait3A_735 = arith.constant 56 : i32
    %dma_wait3A_736 = arith.constant 0 : i32
    %dma_wait3A_737 = arith.constant 0 : i32
    %dma_wait3A_738 = tpu.memref_slice %arg9[%dma_wait3A_735, %dma_wait3A_736, %dma_wait3A_737] : memref<64x8x128xi32, #tpu.memory_space<vmem>> -> memref<4x8x128xi32, #tpu.memory_space<vmem>>
    %dma_wait3A_739 = arith.constant 0 : i32
    %dma_wait3A_740 = arith.constant 0 : i32
    %dma_wait3A_741 = tpu.memref_slice %arg5[%dma_wait3A_734, %add3A_359, %dma_wait3A_739, %dma_wait3A_740] : memref<8x256x8x128xi32, #tpu.memory_space<hbm>> -> memref<1x4x8x128xi32, #tpu.memory_space<hbm>>
    %dma_wait3A_742 = tpu.memref_squeeze %dma_wait3A_741 : memref<1x4x8x128xi32, #tpu.memory_space<hbm>> -> memref<4x8x128xi32, #tpu.memory_space<hbm>>
    %dma_wait3A_743 = arith.constant 0 : i32
    %dma_wait3A_744 = arith.constant 0 : i32
    %dma_wait3A_745 = tpu.memref_slice %arg5[%dma_wait3A_734, %add3A_359, %dma_wait3A_743, %dma_wait3A_744] : memref<8x256x8x128xi32, #tpu.memory_space<hbm>> -> memref<1x4x8x128xi32, #tpu.memory_space<hbm>>
    %dma_wait3A_746 = tpu.memref_squeeze %dma_wait3A_745 : memref<1x4x8x128xi32, #tpu.memory_space<hbm>> -> memref<4x8x128xi32, #tpu.memory_space<hbm>>
    %dma_wait3A_747 = arith.constant 56 : i32
    %dma_wait3A_748 = arith.constant 0 : i32
    %dma_wait3A_749 = arith.constant 0 : i32
    %dma_wait3A_750 = tpu.memref_slice %arg9[%dma_wait3A_747, %dma_wait3A_748, %dma_wait3A_749] : memref<64x8x128xi32, #tpu.memory_space<vmem>> -> memref<4x8x128xi32, #tpu.memory_space<vmem>>
    tpu.wait_dma2 semaphore(%arg12 : memref<!tpu.dma_semaphore, #tpu.memory_space<semaphore_mem>>) src(%dma_wait3A_750 : memref<4x8x128xi32, #tpu.memory_space<vmem>>) dst(%dma_wait3A_746 : memref<4x8x128xi32, #tpu.memory_space<hbm>>)
    %dma_wait3A_751 = arith.constant 0 : i32
    %dma_wait3A_752 = arith.constant 4 : i32
    %dma_wait3A_753 = arith.constant 0 : i32
    %dma_wait3A_754 = arith.constant 0 : i32
    %dma_wait3A_755 = tpu.memref_slice %arg9[%dma_wait3A_752, %dma_wait3A_753, %dma_wait3A_754] : memref<64x8x128xi32, #tpu.memory_space<vmem>> -> memref<4x8x128xi32, #tpu.memory_space<vmem>>
    %dma_wait3A_756 = arith.constant 0 : i32
    %dma_wait3A_757 = arith.constant 0 : i32
    %dma_wait3A_758 = tpu.memref_slice %arg5[%dma_wait3A_751, %add3A_450, %dma_wait3A_756, %dma_wait3A_757] : memref<8x256x8x128xi32, #tpu.memory_space<hbm>> -> memref<1x4x8x128xi32, #tpu.memory_space<hbm>>
    %dma_wait3A_759 = tpu.memref_squeeze %dma_wait3A_758 : memref<1x4x8x128xi32, #tpu.memory_space<hbm>> -> memref<4x8x128xi32, #tpu.memory_space<hbm>>
    %dma_wait3A_760 = arith.constant 0 : i32
    %dma_wait3A_761 = arith.constant 0 : i32
    %dma_wait3A_762 = tpu.memref_slice %arg5[%dma_wait3A_751, %add3A_450, %dma_wait3A_760, %dma_wait3A_761] : memref<8x256x8x128xi32, #tpu.memory_space<hbm>> -> memref<1x4x8x128xi32, #tpu.memory_space<hbm>>
    %dma_wait3A_763 = tpu.memref_squeeze %dma_wait3A_762 : memref<1x4x8x128xi32, #tpu.memory_space<hbm>> -> memref<4x8x128xi32, #tpu.memory_space<hbm>>
    %dma_wait3A_764 = arith.constant 4 : i32
    %dma_wait3A_765 = arith.constant 0 : i32
    %dma_wait3A_766 = arith.constant 0 : i32
    %dma_wait3A_767 = tpu.memref_slice %arg9[%dma_wait3A_764, %dma_wait3A_765, %dma_wait3A_766] : memref<64x8x128xi32, #tpu.memory_space<vmem>> -> memref<4x8x128xi32, #tpu.memory_space<vmem>>
    tpu.wait_dma2 semaphore(%arg12 : memref<!tpu.dma_semaphore, #tpu.memory_space<semaphore_mem>>) src(%dma_wait3A_767 : memref<4x8x128xi32, #tpu.memory_space<vmem>>) dst(%dma_wait3A_763 : memref<4x8x128xi32, #tpu.memory_space<hbm>>)
    %dma_wait3A_768 = arith.constant 1 : i32
    %dma_wait3A_769 = arith.constant 12 : i32
    %dma_wait3A_770 = arith.constant 0 : i32
    %dma_wait3A_771 = arith.constant 0 : i32
    %dma_wait3A_772 = tpu.memref_slice %arg9[%dma_wait3A_769, %dma_wait3A_770, %dma_wait3A_771] : memref<64x8x128xi32, #tpu.memory_space<vmem>> -> memref<4x8x128xi32, #tpu.memory_space<vmem>>
    %dma_wait3A_773 = arith.constant 0 : i32
    %dma_wait3A_774 = arith.constant 0 : i32
    %dma_wait3A_775 = tpu.memref_slice %arg5[%dma_wait3A_768, %add3A_471, %dma_wait3A_773, %dma_wait3A_774] : memref<8x256x8x128xi32, #tpu.memory_space<hbm>> -> memref<1x4x8x128xi32, #tpu.memory_space<hbm>>
    %dma_wait3A_776 = tpu.memref_squeeze %dma_wait3A_775 : memref<1x4x8x128xi32, #tpu.memory_space<hbm>> -> memref<4x8x128xi32, #tpu.memory_space<hbm>>
    %dma_wait3A_777 = arith.constant 0 : i32
    %dma_wait3A_778 = arith.constant 0 : i32
    %dma_wait3A_779 = tpu.memref_slice %arg5[%dma_wait3A_768, %add3A_471, %dma_wait3A_777, %dma_wait3A_778] : memref<8x256x8x128xi32, #tpu.memory_space<hbm>> -> memref<1x4x8x128xi32, #tpu.memory_space<hbm>>
    %dma_wait3A_780 = tpu.memref_squeeze %dma_wait3A_779 : memref<1x4x8x128xi32, #tpu.memory_space<hbm>> -> memref<4x8x128xi32, #tpu.memory_space<hbm>>
    %dma_wait3A_781 = arith.constant 12 : i32
    %dma_wait3A_782 = arith.constant 0 : i32
    %dma_wait3A_783 = arith.constant 0 : i32
    %dma_wait3A_784 = tpu.memref_slice %arg9[%dma_wait3A_781, %dma_wait3A_782, %dma_wait3A_783] : memref<64x8x128xi32, #tpu.memory_space<vmem>> -> memref<4x8x128xi32, #tpu.memory_space<vmem>>
    tpu.wait_dma2 semaphore(%arg12 : memref<!tpu.dma_semaphore, #tpu.memory_space<semaphore_mem>>) src(%dma_wait3A_784 : memref<4x8x128xi32, #tpu.memory_space<vmem>>) dst(%dma_wait3A_780 : memref<4x8x128xi32, #tpu.memory_space<hbm>>)
    %dma_wait3A_785 = arith.constant 2 : i32
    %dma_wait3A_786 = arith.constant 20 : i32
    %dma_wait3A_787 = arith.constant 0 : i32
    %dma_wait3A_788 = arith.constant 0 : i32
    %dma_wait3A_789 = tpu.memref_slice %arg9[%dma_wait3A_786, %dma_wait3A_787, %dma_wait3A_788] : memref<64x8x128xi32, #tpu.memory_space<vmem>> -> memref<4x8x128xi32, #tpu.memory_space<vmem>>
    %dma_wait3A_790 = arith.constant 0 : i32
    %dma_wait3A_791 = arith.constant 0 : i32
    %dma_wait3A_792 = tpu.memref_slice %arg5[%dma_wait3A_785, %add3A_492, %dma_wait3A_790, %dma_wait3A_791] : memref<8x256x8x128xi32, #tpu.memory_space<hbm>> -> memref<1x4x8x128xi32, #tpu.memory_space<hbm>>
    %dma_wait3A_793 = tpu.memref_squeeze %dma_wait3A_792 : memref<1x4x8x128xi32, #tpu.memory_space<hbm>> -> memref<4x8x128xi32, #tpu.memory_space<hbm>>
    %dma_wait3A_794 = arith.constant 0 : i32
    %dma_wait3A_795 = arith.constant 0 : i32
    %dma_wait3A_796 = tpu.memref_slice %arg5[%dma_wait3A_785, %add3A_492, %dma_wait3A_794, %dma_wait3A_795] : memref<8x256x8x128xi32, #tpu.memory_space<hbm>> -> memref<1x4x8x128xi32, #tpu.memory_space<hbm>>
    %dma_wait3A_797 = tpu.memref_squeeze %dma_wait3A_796 : memref<1x4x8x128xi32, #tpu.memory_space<hbm>> -> memref<4x8x128xi32, #tpu.memory_space<hbm>>
    %dma_wait3A_798 = arith.constant 20 : i32
    %dma_wait3A_799 = arith.constant 0 : i32
    %dma_wait3A_800 = arith.constant 0 : i32
    %dma_wait3A_801 = tpu.memref_slice %arg9[%dma_wait3A_798, %dma_wait3A_799, %dma_wait3A_800] : memref<64x8x128xi32, #tpu.memory_space<vmem>> -> memref<4x8x128xi32, #tpu.memory_space<vmem>>
    tpu.wait_dma2 semaphore(%arg12 : memref<!tpu.dma_semaphore, #tpu.memory_space<semaphore_mem>>) src(%dma_wait3A_801 : memref<4x8x128xi32, #tpu.memory_space<vmem>>) dst(%dma_wait3A_797 : memref<4x8x128xi32, #tpu.memory_space<hbm>>)
    %dma_wait3A_802 = arith.constant 3 : i32
    %dma_wait3A_803 = arith.constant 28 : i32
    %dma_wait3A_804 = arith.constant 0 : i32
    %dma_wait3A_805 = arith.constant 0 : i32
    %dma_wait3A_806 = tpu.memref_slice %arg9[%dma_wait3A_803, %dma_wait3A_804, %dma_wait3A_805] : memref<64x8x128xi32, #tpu.memory_space<vmem>> -> memref<4x8x128xi32, #tpu.memory_space<vmem>>
    %dma_wait3A_807 = arith.constant 0 : i32
    %dma_wait3A_808 = arith.constant 0 : i32
    %dma_wait3A_809 = tpu.memref_slice %arg5[%dma_wait3A_802, %add3A_513, %dma_wait3A_807, %dma_wait3A_808] : memref<8x256x8x128xi32, #tpu.memory_space<hbm>> -> memref<1x4x8x128xi32, #tpu.memory_space<hbm>>
    %dma_wait3A_810 = tpu.memref_squeeze %dma_wait3A_809 : memref<1x4x8x128xi32, #tpu.memory_space<hbm>> -> memref<4x8x128xi32, #tpu.memory_space<hbm>>
    %dma_wait3A_811 = arith.constant 0 : i32
    %dma_wait3A_812 = arith.constant 0 : i32
    %dma_wait3A_813 = tpu.memref_slice %arg5[%dma_wait3A_802, %add3A_513, %dma_wait3A_811, %dma_wait3A_812] : memref<8x256x8x128xi32, #tpu.memory_space<hbm>> -> memref<1x4x8x128xi32, #tpu.memory_space<hbm>>
    %dma_wait3A_814 = tpu.memref_squeeze %dma_wait3A_813 : memref<1x4x8x128xi32, #tpu.memory_space<hbm>> -> memref<4x8x128xi32, #tpu.memory_space<hbm>>
    %dma_wait3A_815 = arith.constant 28 : i32
    %dma_wait3A_816 = arith.constant 0 : i32
    %dma_wait3A_817 = arith.constant 0 : i32
    %dma_wait3A_818 = tpu.memref_slice %arg9[%dma_wait3A_815, %dma_wait3A_816, %dma_wait3A_817] : memref<64x8x128xi32, #tpu.memory_space<vmem>> -> memref<4x8x128xi32, #tpu.memory_space<vmem>>
    tpu.wait_dma2 semaphore(%arg12 : memref<!tpu.dma_semaphore, #tpu.memory_space<semaphore_mem>>) src(%dma_wait3A_818 : memref<4x8x128xi32, #tpu.memory_space<vmem>>) dst(%dma_wait3A_814 : memref<4x8x128xi32, #tpu.memory_space<hbm>>)
    %dma_wait3A_819 = arith.constant 4 : i32
    %dma_wait3A_820 = arith.constant 36 : i32
    %dma_wait3A_821 = arith.constant 0 : i32
    %dma_wait3A_822 = arith.constant 0 : i32
    %dma_wait3A_823 = tpu.memref_slice %arg9[%dma_wait3A_820, %dma_wait3A_821, %dma_wait3A_822] : memref<64x8x128xi32, #tpu.memory_space<vmem>> -> memref<4x8x128xi32, #tpu.memory_space<vmem>>
    %dma_wait3A_824 = arith.constant 0 : i32
    %dma_wait3A_825 = arith.constant 0 : i32
    %dma_wait3A_826 = tpu.memref_slice %arg5[%dma_wait3A_819, %add3A_534, %dma_wait3A_824, %dma_wait3A_825] : memref<8x256x8x128xi32, #tpu.memory_space<hbm>> -> memref<1x4x8x128xi32, #tpu.memory_space<hbm>>
    %dma_wait3A_827 = tpu.memref_squeeze %dma_wait3A_826 : memref<1x4x8x128xi32, #tpu.memory_space<hbm>> -> memref<4x8x128xi32, #tpu.memory_space<hbm>>
    %dma_wait3A_828 = arith.constant 0 : i32
    %dma_wait3A_829 = arith.constant 0 : i32
    %dma_wait3A_830 = tpu.memref_slice %arg5[%dma_wait3A_819, %add3A_534, %dma_wait3A_828, %dma_wait3A_829] : memref<8x256x8x128xi32, #tpu.memory_space<hbm>> -> memref<1x4x8x128xi32, #tpu.memory_space<hbm>>
    %dma_wait3A_831 = tpu.memref_squeeze %dma_wait3A_830 : memref<1x4x8x128xi32, #tpu.memory_space<hbm>> -> memref<4x8x128xi32, #tpu.memory_space<hbm>>
    %dma_wait3A_832 = arith.constant 36 : i32
    %dma_wait3A_833 = arith.constant 0 : i32
    %dma_wait3A_834 = arith.constant 0 : i32
    %dma_wait3A_835 = tpu.memref_slice %arg9[%dma_wait3A_832, %dma_wait3A_833, %dma_wait3A_834] : memref<64x8x128xi32, #tpu.memory_space<vmem>> -> memref<4x8x128xi32, #tpu.memory_space<vmem>>
    tpu.wait_dma2 semaphore(%arg12 : memref<!tpu.dma_semaphore, #tpu.memory_space<semaphore_mem>>) src(%dma_wait3A_835 : memref<4x8x128xi32, #tpu.memory_space<vmem>>) dst(%dma_wait3A_831 : memref<4x8x128xi32, #tpu.memory_space<hbm>>)
    %dma_wait3A_836 = arith.constant 5 : i32
    %dma_wait3A_837 = arith.constant 44 : i32
    %dma_wait3A_838 = arith.constant 0 : i32
    %dma_wait3A_839 = arith.constant 0 : i32
    %dma_wait3A_840 = tpu.memref_slice %arg9[%dma_wait3A_837, %dma_wait3A_838, %dma_wait3A_839] : memref<64x8x128xi32, #tpu.memory_space<vmem>> -> memref<4x8x128xi32, #tpu.memory_space<vmem>>
    %dma_wait3A_841 = arith.constant 0 : i32
    %dma_wait3A_842 = arith.constant 0 : i32
    %dma_wait3A_843 = tpu.memref_slice %arg5[%dma_wait3A_836, %add3A_555, %dma_wait3A_841, %dma_wait3A_842] : memref<8x256x8x128xi32, #tpu.memory_space<hbm>> -> memref<1x4x8x128xi32, #tpu.memory_space<hbm>>
    %dma_wait3A_844 = tpu.memref_squeeze %dma_wait3A_843 : memref<1x4x8x128xi32, #tpu.memory_space<hbm>> -> memref<4x8x128xi32, #tpu.memory_space<hbm>>
    %dma_wait3A_845 = arith.constant 0 : i32
    %dma_wait3A_846 = arith.constant 0 : i32
    %dma_wait3A_847 = tpu.memref_slice %arg5[%dma_wait3A_836, %add3A_555, %dma_wait3A_845, %dma_wait3A_846] : memref<8x256x8x128xi32, #tpu.memory_space<hbm>> -> memref<1x4x8x128xi32, #tpu.memory_space<hbm>>
    %dma_wait3A_848 = tpu.memref_squeeze %dma_wait3A_847 : memref<1x4x8x128xi32, #tpu.memory_space<hbm>> -> memref<4x8x128xi32, #tpu.memory_space<hbm>>
    %dma_wait3A_849 = arith.constant 44 : i32
    %dma_wait3A_850 = arith.constant 0 : i32
    %dma_wait3A_851 = arith.constant 0 : i32
    %dma_wait3A_852 = tpu.memref_slice %arg9[%dma_wait3A_849, %dma_wait3A_850, %dma_wait3A_851] : memref<64x8x128xi32, #tpu.memory_space<vmem>> -> memref<4x8x128xi32, #tpu.memory_space<vmem>>
    tpu.wait_dma2 semaphore(%arg12 : memref<!tpu.dma_semaphore, #tpu.memory_space<semaphore_mem>>) src(%dma_wait3A_852 : memref<4x8x128xi32, #tpu.memory_space<vmem>>) dst(%dma_wait3A_848 : memref<4x8x128xi32, #tpu.memory_space<hbm>>)
    %dma_wait3A_853 = arith.constant 6 : i32
    %dma_wait3A_854 = arith.constant 52 : i32
    %dma_wait3A_855 = arith.constant 0 : i32
    %dma_wait3A_856 = arith.constant 0 : i32
    %dma_wait3A_857 = tpu.memref_slice %arg9[%dma_wait3A_854, %dma_wait3A_855, %dma_wait3A_856] : memref<64x8x128xi32, #tpu.memory_space<vmem>> -> memref<4x8x128xi32, #tpu.memory_space<vmem>>
    %dma_wait3A_858 = arith.constant 0 : i32
    %dma_wait3A_859 = arith.constant 0 : i32
    %dma_wait3A_860 = tpu.memref_slice %arg5[%dma_wait3A_853, %add3A_576, %dma_wait3A_858, %dma_wait3A_859] : memref<8x256x8x128xi32, #tpu.memory_space<hbm>> -> memref<1x4x8x128xi32, #tpu.memory_space<hbm>>
    %dma_wait3A_861 = tpu.memref_squeeze %dma_wait3A_860 : memref<1x4x8x128xi32, #tpu.memory_space<hbm>> -> memref<4x8x128xi32, #tpu.memory_space<hbm>>
    %dma_wait3A_862 = arith.constant 0 : i32
    %dma_wait3A_863 = arith.constant 0 : i32
    %dma_wait3A_864 = tpu.memref_slice %arg5[%dma_wait3A_853, %add3A_576, %dma_wait3A_862, %dma_wait3A_863] : memref<8x256x8x128xi32, #tpu.memory_space<hbm>> -> memref<1x4x8x128xi32, #tpu.memory_space<hbm>>
    %dma_wait3A_865 = tpu.memref_squeeze %dma_wait3A_864 : memref<1x4x8x128xi32, #tpu.memory_space<hbm>> -> memref<4x8x128xi32, #tpu.memory_space<hbm>>
    %dma_wait3A_866 = arith.constant 52 : i32
    %dma_wait3A_867 = arith.constant 0 : i32
    %dma_wait3A_868 = arith.constant 0 : i32
    %dma_wait3A_869 = tpu.memref_slice %arg9[%dma_wait3A_866, %dma_wait3A_867, %dma_wait3A_868] : memref<64x8x128xi32, #tpu.memory_space<vmem>> -> memref<4x8x128xi32, #tpu.memory_space<vmem>>
    tpu.wait_dma2 semaphore(%arg12 : memref<!tpu.dma_semaphore, #tpu.memory_space<semaphore_mem>>) src(%dma_wait3A_869 : memref<4x8x128xi32, #tpu.memory_space<vmem>>) dst(%dma_wait3A_865 : memref<4x8x128xi32, #tpu.memory_space<hbm>>)
    %dma_wait3A_870 = arith.constant 7 : i32
    %dma_wait3A_871 = arith.constant 60 : i32
    %dma_wait3A_872 = arith.constant 0 : i32
    %dma_wait3A_873 = arith.constant 0 : i32
    %dma_wait3A_874 = tpu.memref_slice %arg9[%dma_wait3A_871, %dma_wait3A_872, %dma_wait3A_873] : memref<64x8x128xi32, #tpu.memory_space<vmem>> -> memref<4x8x128xi32, #tpu.memory_space<vmem>>
    %dma_wait3A_875 = arith.constant 0 : i32
    %dma_wait3A_876 = arith.constant 0 : i32
    %dma_wait3A_877 = tpu.memref_slice %arg5[%dma_wait3A_870, %add3A_597, %dma_wait3A_875, %dma_wait3A_876] : memref<8x256x8x128xi32, #tpu.memory_space<hbm>> -> memref<1x4x8x128xi32, #tpu.memory_space<hbm>>
    %dma_wait3A_878 = tpu.memref_squeeze %dma_wait3A_877 : memref<1x4x8x128xi32, #tpu.memory_space<hbm>> -> memref<4x8x128xi32, #tpu.memory_space<hbm>>
    %dma_wait3A_879 = arith.constant 0 : i32
    %dma_wait3A_880 = arith.constant 0 : i32
    %dma_wait3A_881 = tpu.memref_slice %arg5[%dma_wait3A_870, %add3A_597, %dma_wait3A_879, %dma_wait3A_880] : memref<8x256x8x128xi32, #tpu.memory_space<hbm>> -> memref<1x4x8x128xi32, #tpu.memory_space<hbm>>
    %dma_wait3A_882 = tpu.memref_squeeze %dma_wait3A_881 : memref<1x4x8x128xi32, #tpu.memory_space<hbm>> -> memref<4x8x128xi32, #tpu.memory_space<hbm>>
    %dma_wait3A_883 = arith.constant 60 : i32
    %dma_wait3A_884 = arith.constant 0 : i32
    %dma_wait3A_885 = arith.constant 0 : i32
    %dma_wait3A_886 = tpu.memref_slice %arg9[%dma_wait3A_883, %dma_wait3A_884, %dma_wait3A_885] : memref<64x8x128xi32, #tpu.memory_space<vmem>> -> memref<4x8x128xi32, #tpu.memory_space<vmem>>
    tpu.wait_dma2 semaphore(%arg12 : memref<!tpu.dma_semaphore, #tpu.memory_space<semaphore_mem>>) src(%dma_wait3A_886 : memref<4x8x128xi32, #tpu.memory_space<vmem>>) dst(%dma_wait3A_882 : memref<4x8x128xi32, #tpu.memory_space<hbm>>)
    return
  }
}

</mosaic_0001>

<sc_bundles>
// kernel: _run.3.cloned.1.call-start
scs
__scs_entry_jumppad:
0x0: {  	(pc) =	sbr.rel $0x88, $3  }
0x1: {  	(tag) =	ssettag $0x0;
	lr =	simm.s32 $0x1  }
0x2: {  	[smem:$0x3F9F] =	sst lr;
	_ =	strace $0xD0000000  }
0x3: {  	_ = 	snop  }
0x4: {  	_ = 	snop  }
0x5: {  	_ = 	snop  }
0x6: {  	_ = 	snop  }
0x7: {  	_ = 	snop  }
__scs_overlays_trampoline_lowered:
0x8: {  	[smem:$0x3FAE] =	sst s0  }
0x9: {  	[smem:$0x3FAF] =	sst s1  }
0xa: {  	[smem:$0x3FB0] =	sst s2  }
0xb: {  	[smem:$0x3FB1] =	sst s3  }
0xc: {  	[smem:$0x3FB2] =	sst s4  }
0xd: {  	[smem:$0x3FB3] =	sst s5  }
0xe: {  	[smem:$0x3FB4] =	sst s6  }
0xf: {  	[smem:$0x3FB5] =	sst s7  }
0x10: {  	[smem:$0x3FB6] =	sst s8  }
0x11: {  	[smem:$0x3FB7] =	sst s9;
	s0 =	simm.s32 @!p0 $0x0  }
0x12: {  	s1 =	sld [smem:$0x3F9D];
	s0 =	simm.s32 @p0 $0x1  }
0x13: {  	[smem:$0x3FB8] =	sst s0;
	s0 =	simm.s32 @!p1 $0x0  }
0x14: {  	s2 =	sld [smem:$0x3F9C];
	s0 =	simm.s32 @p1 $0x1  }
0x15: {  	[smem:$0x3FB9] =	sst s0;
	s0 =	simm.s32 @!p2 $0x0  }
0x16: {  	s3 =	sld [smem:$0x3FDB];
	s0 =	simm.s32 @p2 $0x1  }
0x17: {  	s4 =	simm.s32 $0x1BF5;
	[smem:$0x3FBB] =	sst s0  }
0x18: {  	s0 =	sld [smem:$0x3F9E];
	_ =	swait.ge [sflag:s4], $0x0  }
0x19: {  	s7 =	sld [smem:$0x3F9F]  }
0x1a: {  	s8 =	sadd.s32 $0xFFFFE003, lr  }
0x1b: {  	s9 =	sadd.s32 $0xFFFFFEF7, lr;
	s5 =	simm.s32 $0xFFFFFFFF;
	p2 =	slt.u32 s8, $0xFFFFF086  }
0x1c: {  	p1 =	slt.u32 s9, $0xF7A;
	s5 =	simm.s32 @!p2 $0x0  }
0x1d: {  	s5 =	simm.s32 @p1 $0x1;
	p0 =	seq.s32 s7, s2  }
0x1e: {  	s7 =	smul.u32 @!p0 $0xF7A, s2;
	p2 =	seq.s32 @!p0 s5, $0x0  }
0x1f: {  	s9 =	smul.u32 $0xF7A, s1;
	s8 =	simm.s32 @!p0 $0x1BF5;
	p2 =	por !p2, p0  }
0x20: {  	[sflag:s8] =	ssyncset.s32 @!p0 $0xFFFFF086;
	s6 =	sadd.s32 @!p0 s3, s7;
	s7 =	simm.s32 @!p0 $0x108  }
0x21: {  	s3 =	sadd.s32 s3, s9;
	s6 =	sadd.s32 @!p0 $0x88, s6;
	s7 =	simm.s32 @p2 $0x1082  }
0x22: {  	[simem:s7], [sflag:s8] =	dma.local @!p0 [hbm:s6], $0xF7A  }
0x23: {  	s9 =	sor.u32 $0xD0000000, s2;
	s6 =	simm.s32 $0x108;
	_ =	swait.ge @!p0 [sflag:s8], $0x0  }
0x24: {  	s3 =	sadd.s32 $0x88, s3;
	s6 =	simm.s32 @!p1 $0x1082;
	[sflag:s4] =	ssyncset.s32 $0xFFFFF086  }
0x25: {  	[simem:s6], [sflag:s4] =	dma.local [hbm:s3], $0xF7A  }
0x26: {  	[smem:$0x3F9F] =	sst s1;
	(tag) =	ssettag s2;
	_ =	strace s9  }
0x27: {  	s1 =	sld [smem:$0x3FAF]  }
0x28: {  	s2 =	sld [smem:$0x3FB0]  }
0x29: {  	s4 =	sld [smem:$0x3FB2]  }
0x2a: {  	p0 =	seq.s32 s5, $0x0;
	s5 =	sld [smem:$0x3FB3]  }
0x2b: {  	s6 =	sld [smem:$0x3FB4]  }
0x2c: {  	s7 =	sld [smem:$0x3FB5]  }
0x2d: {  	s3 =	simm.s32 $0x108;
	s8 =	sld [smem:$0x3FB6]  }
0x2e: {  	s3 =	simm.s32 @!p0 $0x1082;
	s9 =	sld [smem:$0x3FB7]  }
0x2f: {  	lr =	sadd.s32 s0, s3;
	s0 =	sld [smem:$0x3FAE]  }
0x30: {  	s3 =	sld [smem:$0x3FB1]  }
0x31: {  	[smem:$0x3FBA] =	sst s10  }
0x32: {  	s10 =	sld [smem:$0x3FB8];
	_ =	sdelay $0x3  }
0x33: {  	p0 =	seq.s32 s10, $0x1;
	s10 =	sld [smem:$0x3FBA];
	_ =	sdelay $0x3  }
0x34: {  	[smem:$0x3FBA] =	sst s10  }
0x35: {  	s10 =	sld [smem:$0x3FB9];
	_ =	sdelay $0x3  }
0x36: {  	p1 =	seq.s32 s10, $0x1;
	s10 =	sld [smem:$0x3FBA];
	_ =	sdelay $0x3  }
0x37: {  	[smem:$0x3FBA] =	sst s10  }
0x38: {  	s10 =	sld [smem:$0x3FBB]  }
0x39: {  	_ = 	snop;
	(pc) =	sbr.ind lr, $3  }
0x3a: {  	_ = 	snop  }
0x3b: {  	_ = 	snop  }
0x3c: {  	p2 =	seq.s32 s10, $0x1;
	s10 =	sld [smem:$0x3FBA]  }
0x3d: {  	_ =	shalt  }
0x3e: {  	_ =	shalt  }
0x3f: {  	_ =	shalt  }
0x40: {  	_ =	shalt  }
0x41: {  	_ =	shalt  }
0x42: {  	_ =	shalt  }
0x43: {  	_ =	shalt  }
0x44: {  	_ =	shalt  }
0x45: {  	_ =	shalt  }
0x46: {  	_ =	shalt  }
0x47: {  	_ =	shalt  }
0x48: {  	_ =	shalt  }
0x49: {  	_ =	shalt  }
0x4a: {  	_ =	shalt  }
0x4b: {  	_ =	shalt  }
0x4c: {  	_ =	shalt  }
0x4d: {  	_ =	shalt  }
0x4e: {  	_ =	shalt  }
0x4f: {  	_ =	shalt  }
0x50: {  	_ =	shalt  }
0x51: {  	_ =	shalt  }
0x52: {  	_ =	shalt  }
0x53: {  	_ =	shalt  }
0x54: {  	_ =	shalt  }
0x55: {  	_ =	shalt  }
0x56: {  	_ =	shalt  }
0x57: {  	_ =	shalt  }
0x58: {  	_ =	shalt  }
0x59: {  	_ =	shalt  }
0x5a: {  	_ =	shalt  }
0x5b: {  	_ =	shalt  }
0x5c: {  	_ =	shalt  }
0x5d: {  	_ =	shalt  }
0x5e: {  	_ =	shalt  }
0x5f: {  	_ =	shalt  }
0x60: {  	_ =	shalt  }
0x61: {  	_ =	shalt  }
0x62: {  	_ =	shalt  }
0x63: {  	_ =	shalt  }
0x64: {  	_ =	shalt  }
0x65: {  	_ =	shalt  }
0x66: {  	_ =	shalt  }
0x67: {  	_ =	shalt  }
0x68: {  	_ =	shalt  }
0x69: {  	_ =	shalt  }
0x6a: {  	_ =	shalt  }
0x6b: {  	_ =	shalt  }
0x6c: {  	_ =	shalt  }
0x6d: {  	_ =	shalt  }
0x6e: {  	_ =	shalt  }
0x6f: {  	_ =	shalt  }
0x70: {  	_ =	shalt  }
0x71: {  	_ =	shalt  }
0x72: {  	_ =	shalt  }
0x73: {  	_ =	shalt  }
0x74: {  	_ =	shalt  }
0x75: {  	_ =	shalt  }
0x76: {  	_ =	shalt  }
0x77: {  	_ =	shalt  }
0x78: {  	_ =	shalt  }
0x79: {  	_ =	shalt  }
0x7a: {  	_ =	shalt  }
0x7b: {  	_ =	shalt  }
0x7c: {  	_ =	shalt  }
0x7d: {  	_ =	shalt  }
0x7e: {  	_ =	shalt  }
0x7f: {  	_ =	shalt  }
0x80: {  	_ =	shalt  }
0x81: {  	_ =	shalt  }
0x82: {  	_ =	shalt  }
0x83: {  	_ =	shalt  }
0x84: {  	_ =	shalt  }
0x85: {  	_ =	shalt  }
0x86: {  	_ =	shalt  }
0x87: {  	_ =	shalt  }
.Lfunc_end0:
.L_simem_size_0:
called_computation_lowered:
.L_overlay_start_0:
0x88: {  	s2 =	sld [smem:$0x3FD9]  }
0x89: {  	s3 =	sld [smem:$0x3FFE];
	_ =	sdelay $0x1  }
0x8a: {  	s1 =	srdreg.scid  }
0x8b: {  	s0 =	sand.u32 $0x1, s1  }
0x8c: {  	s17 =	sshll.u32 s0, $0xA;
	s2 =	sadd.s32 s3, s2  }
0x8d: {  	s2 =	sadd.s32 s2, s17  }
0x8e: {  	[smem:$0x3FC6] =	sst s2  }
0x8f: {  	_ = 	snop  }
0x90: {  	s2 =	sld [smem:$0x3FC9]  }
0x91: {  	s18 =	sld [smem:$0x3FD0];
	(tm) =	ssettm $0x1  }
0x92: {  	s4 =	sld [smem:$0x3FFB];
	_ =	sdelay $0x3  }
0x93: {  	_ =	strace s4  }
0x94: {  	s4 =	sld [smem:$0x3FFC];
	_ =	sdelay $0x3  }
0x95: {  	_ =	strace s4  }
0x96: {  	s4 =	sld [smem:$0x3FFD];
	_ =	sdelay $0x3  }
0x97: {  	_ =	strace s4  }
0x98: {  	_ =	strace $0x8FFFFFFF  }
0x99: {  	s19 =	sld [smem:$0x3FDB];
	_ =	sdelay $0x1  }
0x9a: {  	s5 =	simm.s32 $_scs_section_size  }
0x9b: {  	s6 =	simm.s32 $_size__tile_overlayer_lowered;
	s7 =	simm.s32 $_tile_overlayer_lowered  }
0x9c: {  	s22 =	simm.s32 $0x1BFF;
	s21 =	sshll.u32 s7, $0x1;
	s4 =	sadd.s32 s5, s19  }
0x9d: {  	s8 =	simm.s32 $0x0;
	s20 =	sshll.u32 s6, $0x1;
	s6 =	sadd.s32 s21, s4  }
0x9e: {  	[timem:s8], [sflag:s22] =	dma.local [hbm:s6], s20  }
0x9f: {  	_ =	swait.ge [sflag:s22], s20  }
0xa0: {  	s5 =	ssub.s32 $0x0, s20;
	[sflag:s22] =	ssyncset.done $0x0  }
0xa1: {  	[sflag:s22] =	ssyncadd.s32 s5;
	_ =	sdelay $0x1  }
0xa2: {  	s23 =	simm.s32 $0x1B8B  }
0xa3: {  	_ =	swait.ge [sflag:s23], $0x1  }
0xa4: {  	[sflag:s23] =	ssyncset.done $0x0  }
0xa5: {  	s25 =	simm.s32 $0x1B8E;
	s24 =	sld [smem:$0x3FFE];
	[sflag:s23] =	ssyncadd.s32 $0xFFFFFFFF  }
0xa6: {  	s26 =	simm.s32 $execute0_lowered;
	[smem:$0x3FD2] =	sst s25  }
0xa7: {  	s6 =	sshll.u32 s26, $0x1;
	_ =	strace $0x80000046;
	[dreg:$0x1] =	wrdreg $0xFFFFFFFF  }
0xa8: {  	s28 =	simm.s32 $_size_execute0_lowered;
	s4 =	sadd.s32 s4, s6;
	[dreg:$0x0] =	wrdreg $0x0  }
0xa9: {  	s6 =	sshll.u32 s28, $0x1;
	[dreg:$0x2] =	wrdreg s4  }
0xaa: {  	[dreg:$0x3] =	wrdreg s6  }
0xab: {  	[dreg:$0x4] =	wrdreg $0xC0  }
0xac: {  	_ =	task [dreg:s8], $0x5FFFF  }
0xad: {  	[dreg:$0x1] =	wrdreg $0xFFFFFFFF  }
0xae: {  	[dreg:$0x0] =	wrdreg $0x60  }
0xaf: {  	[dreg:$0x2] =	wrdreg s2  }
0xb0: {  	[dreg:$0x3] =	wrdreg s24  }
0xb1: {  	[dreg:$0x4] =	wrdreg s18  }
0xb2: {  	[dreg:$0x5] =	wrdreg $0x9  }
0xb3: {  	_ =	task.clear_ibuf [dreg:s8], $0x6FFFF;
	_ =	strace $0x90000046  }
0xb4: {  	s29 =	simm.s32 $0x9;
	_ =	strace $0x80000048  }
0xb5: {  	_ =	swait.ge [sflag:s29], $0x1  }
0xb6: {  	[sflag:s29] =	ssyncadd.s32 $0xFFFFFFFF  }
0xb7: {  	_ =	strace $0x90000048  }
0xb8: {  	_ =	sfence  }
0xb9: {  	s30 =	sld [smem:$0x0];
	_ =	sdelay $0x2  }
0xba: {  	s31 =	sshll.u32 s1, $0xD;
	s1 =	sshrl.u32 s1, $0x2  }
0xbb: {  	s3 =	sand.u32 $0x4000, s31;
	s1 =	sadd.s32 s1, s30  }
0xbc: {  	s0 =	sor.u32 s3, s0;
	s1 =	sshll.u32 s1, $0x11  }
0xbd: {  	s0 =	sor.u32 s1, s0  }
0xbe: {  	s0 =	sadd.s32 $0x8F2B, s0  }
0xbf: {  	[sflag:s0] =	ssyncadd.remote.s32 $0x1  }
0xc0: {  	_ =	sfence.sel $0xFFFF  }
0xc1: {  	[dreg:$0x0] =	wrdreg $0xFFFFFFFF;
	(pc) =	sbr.abs _section_cstart, $3  }
0xc2: {  	[dreg:$0x1] =	wrdreg $0xFFFFFFFF  }
0xc3: {  	_ =	task.clear_ibuf [dreg:s8], $0x2FFFF;
	_ =	strace $0x9FFFFFFF  }
0xc4: {  	(tm) =	ssettm $0x7FFFFFFF  }
0xc5: {  	_ =	shalt  }
tec
execute0_lowered:
.L_overlay_start_1:
0x0: {  	(tag) =	ssettag $0x1  }
0x1: {  	s0 =	rddreg [dreg:$0x0]  }
0x2: {  	s1 =	rddreg [dreg:$0x1]  }
0x3: {  	s3 =	rddreg [dreg:$0x2];
	s2 =	simm.s32 $0x0;
	s4 =	srdreg.scid  }
0x4: {  	s7 =	stileid.u32;
	s28 =	simm.s32 $0x200;
	s29 =	simm.s32 $0x300  }
0x5: {  	s31 =	simm.s32 $0x1;
	[smem:$0x7FF] =	sst s2;
	s5 =	sand.u32 $0x1, s4  }
0x6: {  	s4 =	sadd.s32 $0x1A00, s1;
	s6 =	sshll.u32 s5, $0x4;
	s5 =	ssub.s32 $0x2, s5  }
0x7: {  	_ =	strace $0x80000047;
	s6 =	sor.u32 s7, s6;
	s21 =	sshrl.u32 s5, $0x1  }
0x8: {  	s7 =	simm.s32 $0x3;
	s8 =	sshll.u32 s6, $0x7;
	s6 =	sshll.u32 s6, $0xA  }
0x9: {  	s5 =	ssub.s32 s5, s21;
	s0 =	sadd.s32 s0, s8;
	s6 =	sadd.s32 s3, s6  }
0xa: {  	s8 =	simm.s32 $0x0;
	[dreg:$0x4] =	wrdreg s0;
	s22 =	sadd.s32 $0x8000, s6  }
0xb: {  	s23 =	sadd.s32 $0x10000, s6;
	s24 =	sadd.s32 $0x18000, s6;
	s25 =	sadd.s32 $0x20000, s6  }
0xc: {  	s26 =	sadd.s32 $0x28000, s6;
	s30 =	sadd.s32 $0x30000, s6;
	[dreg:$0x5] =	wrdreg s22  }
0xd: {  	s13 =	sadd.s32 $0x38000, s6;
	s14 =	sadd.s32 $0x200, s6;
	[dreg:$0x6] =	wrdreg s23  }
0xe: {  	s15 =	sadd.s32 $0x8200, s6;
	s16 =	sadd.s32 $0x10200, s6;
	[dreg:$0x7] =	wrdreg s24  }
0xf: {  	s17 =	sadd.s32 $0x18200, s6;
	s18 =	sadd.s32 $0x20200, s6;
	[dreg:$0x8] =	wrdreg s25  }
0x10: {  	s19 =	sadd.s32 $0x28200, s6;
	s20 =	sadd.s32 $0x30200, s6;
	[dreg:$0x9] =	wrdreg s26  }
0x11: {  	v2 =	vlaneseq.u32;
	s21 =	sadd.s32 $0x38200, s6;
	s0 =	simm.s32 $0x280;
	[dreg:$0xa] =	wrdreg s30  }
0x12: {  	v0 =	vimm.s32 $0x0;
	v1 =	vshrl.u32 v2, $0x3;
	s22 =	smax.u32 s5, $0x1;
	s23 =	simm.s32 $0x4;
	s24 =	simm.s32 $0x80  }
0x13: {  	v3 =	vimm.s32 $0x1;
	v2 =	vand.u32 $0x7, v2;
	v1 =	vmul.u32 $0x8, v1;
	s26 =	simm.s32 $0x380;
	s25 =	simm.s32 $0xC00;
	s5 =	simm.s32 $0x2  }
.LBB2_1:
0x14: {  	s3 =	rddreg [dreg:$0x4]  }
0x15: {  	[tilespmem:s2], [sflag:$0x4] =	stream.linear.gather [hbm4b:s3+s2], $0x400, $0x38;
	[tilespmem:$0x10C00] =	vst v63  }
0x16: {  	_ =	swait.ge [sflag:s23], $0x400  }
0x17: {  	[sflag:s23] =	ssyncset.done $0x0  }
0x18: {  	s11 =	simm.s32 $0x400;
	[sflag:s23] =	ssyncadd.s32 $0xFFFFFC00  }
0x19: {  	[tilespmem:s11], [sflag:$0x1] =	stream.indirect.gather [hbm4b:s4+s24], $0x1, s2, s24, $0xb8;
	[tilespmem:$0x10C00] =	vst v63  }
0x1a: {  	s12 =	simm.s32 $0x800  }
0x1b: {  	[tilespmem:s12], [sflag:$0x1] =	stream.indirect.gather [hbm4b:s1+s24], $0x1, s2, s24, $0xb8;
	[tilespmem:$0x10C00] =	vst v63  }
0x1c: {  	s30 =	simm.s32 $0x480  }
0x1d: {  	[tilespmem:s30], [sflag:$0x1] =	stream.indirect.gather [hbm4b:s4+s24], $0x1, s24, s24, $0xb8;
	[tilespmem:$0x10C00] =	vst v63  }
0x1e: {  	s9 =	simm.s32 $0x880  }
0x1f: {  	[tilespmem:s9], [sflag:$0x1] =	stream.indirect.gather [hbm4b:s1+s24], $0x1, s24, s24, $0xb8;
	[tilespmem:$0x10C00] =	vst v63  }
0x20: {  	s10 =	simm.s32 $0x100;
	s9 =	simm.s32 $0x500  }
0x21: {  	[tilespmem:s9], [sflag:$0x1] =	stream.indirect.gather [hbm4b:s4+s24], $0x1, s10, s24, $0xb8;
	[tilespmem:$0x10C00] =	vst v63  }
0x22: {  	s11 =	simm.s32 $0x900  }
0x23: {  	[tilespmem:s11], [sflag:$0x1] =	stream.indirect.gather [hbm4b:s1+s24], $0x1, s10, s24, $0xb8;
	[tilespmem:$0x10C00] =	vst v63  }
0x24: {  	s12 =	simm.s32 $0x180;
	s30 =	simm.s32 $0x580  }
0x25: {  	[tilespmem:s30], [sflag:$0x1] =	stream.indirect.gather [hbm4b:s4+s24], $0x1, s12, s24, $0xb8;
	[tilespmem:$0x10C00] =	vst v63  }
0x26: {  	s10 =	simm.s32 $0x980  }
0x27: {  	[tilespmem:s10], [sflag:$0x1] =	stream.indirect.gather [hbm4b:s1+s24], $0x1, s12, s24, $0xb8;
	[tilespmem:$0x10C00] =	vst v63  }
0x28: {  	s11 =	simm.s32 $0x600  }
0x29: {  	[tilespmem:s11], [sflag:$0x2] =	stream.indirect.gather [hbm4b:s4+s24], $0x1, s28, s24, $0xb8;
	[tilespmem:$0x10C00] =	vst v63  }
0x2a: {  	s12 =	simm.s32 $0xA00  }
0x2b: {  	[tilespmem:s12], [sflag:$0x2] =	stream.indirect.gather [hbm4b:s1+s24], $0x1, s28, s24, $0xb8;
	[tilespmem:$0x10C00] =	vst v63  }
0x2c: {  	s30 =	simm.s32 $0x680  }
0x2d: {  	[tilespmem:s30], [sflag:$0x2] =	stream.indirect.gather [hbm4b:s4+s24], $0x1, s0, s24, $0xb8;
	[tilespmem:$0x10C00] =	vst v63  }
0x2e: {  	s9 =	simm.s32 $0xA80  }
0x2f: {  	[tilespmem:s9], [sflag:$0x2] =	stream.indirect.gather [hbm4b:s1+s24], $0x1, s0, s24, $0xb8;
	[tilespmem:$0x10C00] =	vst v63  }
0x30: {  	s10 =	simm.s32 $0x700  }
0x31: {  	[tilespmem:s10], [sflag:$0x2] =	stream.indirect.gather [hbm4b:s4+s24], $0x1, s29, s24, $0xb8;
	[tilespmem:$0x10C00] =	vst v63  }
0x32: {  	s11 =	simm.s32 $0xB00  }
0x33: {  	[tilespmem:s11], [sflag:$0x2] =	stream.indirect.gather [hbm4b:s1+s24], $0x1, s29, s24, $0xb8;
	[tilespmem:$0x10C00] =	vst v63  }
0x34: {  	s12 =	simm.s32 $0x780  }
0x35: {  	[tilespmem:s12], [sflag:$0x2] =	stream.indirect.gather [hbm4b:s4+s24], $0x1, s26, s24, $0xb8;
	[tilespmem:$0x10C00] =	vst v63  }
0x36: {  	s30 =	simm.s32 $0xB80;
	s9 =	simm.s32 $0x1000  }
0x37: {  	[tilespmem:s30], [sflag:$0x2] =	stream.indirect.gather [hbm4b:s1+s24], $0x1, s26, s24, $0xb8;
	[tilespmem:$0x10C00] =	vst v63  }
0x38: {  	[tilespmem:s9+$0xFFFFFC00] =	vst v0  }
0x39: {  	[tilespmem:s9+$0x3F0] =	vst v0  }
0x3a: {  	[tilespmem:s9+$0x3E0] =	vst v0  }
0x3b: {  	[tilespmem:s9+$0x3D0] =	vst v0  }
0x3c: {  	[tilespmem:s9+$0x3C0] =	vst v0  }
0x3d: {  	[tilespmem:s9+$0x3B0] =	vst v0  }
0x3e: {  	[tilespmem:s9+$0x3A0] =	vst v0  }
0x3f: {  	[tilespmem:s9+$0x390] =	vst v0  }
0x40: {  	[tilespmem:s9+$0x380] =	vst v0  }
0x41: {  	[tilespmem:s9+$0x370] =	vst v0  }
0x42: {  	[tilespmem:s9+$0x360] =	vst v0  }
0x43: {  	[tilespmem:s9+$0x350] =	vst v0  }
0x44: {  	[tilespmem:s9+$0x340] =	vst v0  }
0x45: {  	[tilespmem:s9+$0x330] =	vst v0  }
0x46: {  	[tilespmem:s9+$0x320] =	vst v0  }
0x47: {  	[tilespmem:s9+$0x310] =	vst v0  }
0x48: {  	[tilespmem:s9+$0x300] =	vst v0  }
0x49: {  	[tilespmem:s9+$0x2F0] =	vst v0  }
0x4a: {  	[tilespmem:s9+$0x2E0] =	vst v0  }
0x4b: {  	[tilespmem:s9+$0x2D0] =	vst v0  }
0x4c: {  	[tilespmem:s9+$0x2C0] =	vst v0  }
0x4d: {  	[tilespmem:s9+$0x2B0] =	vst v0  }
0x4e: {  	[tilespmem:s9+$0x2A0] =	vst v0  }
0x4f: {  	[tilespmem:s9+$0x290] =	vst v0  }
0x50: {  	[tilespmem:s9+$0x280] =	vst v0  }
0x51: {  	[tilespmem:s9+$0x270] =	vst v0  }
0x52: {  	[tilespmem:s9+$0x260] =	vst v0  }
0x53: {  	[tilespmem:s9+$0x250] =	vst v0  }
0x54: {  	[tilespmem:s9+$0x240] =	vst v0  }
0x55: {  	[tilespmem:s9+$0x230] =	vst v0  }
0x56: {  	[tilespmem:s9+$0x220] =	vst v0  }
0x57: {  	[tilespmem:s9+$0x210] =	vst v0  }
0x58: {  	[tilespmem:s9+$0x200] =	vst v0  }
0x59: {  	[tilespmem:s9+$0x1F0] =	vst v0  }
0x5a: {  	[tilespmem:s9+$0x1E0] =	vst v0  }
0x5b: {  	[tilespmem:s9+$0x1D0] =	vst v0  }
0x5c: {  	[tilespmem:s9+$0x1C0] =	vst v0  }
0x5d: {  	[tilespmem:s9+$0x1B0] =	vst v0  }
0x5e: {  	[tilespmem:s9+$0x1A0] =	vst v0  }
0x5f: {  	[tilespmem:s9+$0x190] =	vst v0  }
0x60: {  	[tilespmem:s9+$0x180] =	vst v0  }
0x61: {  	[tilespmem:s9+$0x170] =	vst v0  }
0x62: {  	[tilespmem:s9+$0x160] =	vst v0  }
0x63: {  	[tilespmem:s9+$0x150] =	vst v0  }
0x64: {  	[tilespmem:s9+$0x140] =	vst v0  }
0x65: {  	[tilespmem:s9+$0x130] =	vst v0  }
0x66: {  	[tilespmem:s9+$0x120] =	vst v0  }
0x67: {  	[tilespmem:s9+$0x110] =	vst v0  }
0x68: {  	[tilespmem:s9+$0x100] =	vst v0  }
0x69: {  	[tilespmem:s9+$0xF0] =	vst v0  }
0x6a: {  	[tilespmem:s9+$0xE0] =	vst v0  }
0x6b: {  	[tilespmem:s9+$0xD0] =	vst v0  }
0x6c: {  	[tilespmem:s9+$0xC0] =	vst v0  }
0x6d: {  	[tilespmem:s9+$0xB0] =	vst v0  }
0x6e: {  	[tilespmem:s9+$0xA0] =	vst v0  }
0x6f: {  	[tilespmem:s9+$0x90] =	vst v0  }
0x70: {  	[tilespmem:s9+$0x80] =	vst v0  }
0x71: {  	[tilespmem:s9+$0x70] =	vst v0  }
0x72: {  	[tilespmem:s9+$0x60] =	vst v0  }
0x73: {  	[tilespmem:s9+$0x50] =	vst v0  }
0x74: {  	[tilespmem:s9+$0x40] =	vst v0  }
0x75: {  	[tilespmem:s9+$0x30] =	vst v0  }
0x76: {  	[tilespmem:s9+$0x20] =	vst v0  }
0x77: {  	[tilespmem:s9+$0x10] =	vst v0  }
0x78: {  	[tilespmem:s9+$0x0] =	vst v0  }
0x79: {  	[tilespmem:s9+$0xFFFFFFF0] =	vst v0  }
0x7a: {  	[tilespmem:s9+$0xFFFFFFE0] =	vst v0  }
0x7b: {  	[tilespmem:s9+$0xFFFFFFD0] =	vst v0  }
0x7c: {  	[tilespmem:s9+$0xFFFFFFC0] =	vst v0  }
0x7d: {  	[tilespmem:s9+$0xFFFFFFB0] =	vst v0  }
0x7e: {  	[tilespmem:s9+$0xFFFFFFA0] =	vst v0  }
0x7f: {  	[tilespmem:s9+$0xFFFFFF90] =	vst v0  }
0x80: {  	[tilespmem:s9+$0xFFFFFF80] =	vst v0  }
0x81: {  	[tilespmem:s9+$0xFFFFFF70] =	vst v0  }
0x82: {  	[tilespmem:s9+$0xFFFFFF60] =	vst v0  }
0x83: {  	[tilespmem:s9+$0xFFFFFF50] =	vst v0  }
0x84: {  	[tilespmem:s9+$0xFFFFFF40] =	vst v0  }
0x85: {  	[tilespmem:s9+$0xFFFFFF30] =	vst v0  }
0x86: {  	[tilespmem:s9+$0xFFFFFF20] =	vst v0  }
0x87: {  	[tilespmem:s9+$0xFFFFFF10] =	vst v0  }
0x88: {  	[tilespmem:s9+$0xFFFFFF00] =	vst v0  }
0x89: {  	[tilespmem:s9+$0xFFFFFEF0] =	vst v0  }
0x8a: {  	[tilespmem:s9+$0xFFFFFEE0] =	vst v0  }
0x8b: {  	[tilespmem:s9+$0xFFFFFED0] =	vst v0  }
0x8c: {  	[tilespmem:s9+$0xFFFFFEC0] =	vst v0  }
0x8d: {  	[tilespmem:s9+$0xFFFFFEB0] =	vst v0  }
0x8e: {  	[tilespmem:s9+$0xFFFFFEA0] =	vst v0  }
0x8f: {  	[tilespmem:s9+$0xFFFFFE90] =	vst v0  }
0x90: {  	[tilespmem:s9+$0xFFFFFE80] =	vst v0  }
0x91: {  	[tilespmem:s9+$0xFFFFFE70] =	vst v0  }
0x92: {  	[tilespmem:s9+$0xFFFFFE60] =	vst v0  }
0x93: {  	[tilespmem:s9+$0xFFFFFE50] =	vst v0  }
0x94: {  	[tilespmem:s9+$0xFFFFFE40] =	vst v0  }
0x95: {  	[tilespmem:s9+$0xFFFFFE30] =	vst v0  }
0x96: {  	[tilespmem:s9+$0xFFFFFE20] =	vst v0  }
0x97: {  	[tilespmem:s9+$0xFFFFFE10] =	vst v0  }
0x98: {  	[tilespmem:s9+$0xFFFFFE00] =	vst v0  }
0x99: {  	[tilespmem:s9+$0xFFFFFDF0] =	vst v0  }
0x9a: {  	[tilespmem:s9+$0xFFFFFDE0] =	vst v0  }
0x9b: {  	[tilespmem:s9+$0xFFFFFDD0] =	vst v0  }
0x9c: {  	[tilespmem:s9+$0xFFFFFDC0] =	vst v0  }
0x9d: {  	[tilespmem:s9+$0xFFFFFDB0] =	vst v0  }
0x9e: {  	[tilespmem:s9+$0xFFFFFDA0] =	vst v0  }
0x9f: {  	[tilespmem:s9+$0xFFFFFD90] =	vst v0  }
0xa0: {  	[tilespmem:s9+$0xFFFFFD80] =	vst v0  }
0xa1: {  	[tilespmem:s9+$0xFFFFFD70] =	vst v0  }
0xa2: {  	[tilespmem:s9+$0xFFFFFD60] =	vst v0  }
0xa3: {  	[tilespmem:s9+$0xFFFFFD50] =	vst v0  }
0xa4: {  	[tilespmem:s9+$0xFFFFFD40] =	vst v0  }
0xa5: {  	[tilespmem:s9+$0xFFFFFD30] =	vst v0  }
0xa6: {  	[tilespmem:s9+$0xFFFFFD20] =	vst v0  }
0xa7: {  	[tilespmem:s9+$0xFFFFFD10] =	vst v0  }
0xa8: {  	[tilespmem:s9+$0xFFFFFD00] =	vst v0  }
0xa9: {  	[tilespmem:s9+$0xFFFFFCF0] =	vst v0  }
0xaa: {  	[tilespmem:s9+$0xFFFFFCE0] =	vst v0  }
0xab: {  	[tilespmem:s9+$0xFFFFFCD0] =	vst v0  }
0xac: {  	[tilespmem:s9+$0xFFFFFCC0] =	vst v0  }
0xad: {  	[tilespmem:s9+$0xFFFFFCB0] =	vst v0  }
0xae: {  	[tilespmem:s9+$0xFFFFFCA0] =	vst v0  }
0xaf: {  	[tilespmem:s9+$0xFFFFFC90] =	vst v0  }
0xb0: {  	[tilespmem:s9+$0xFFFFFC80] =	vst v0  }
0xb1: {  	[tilespmem:s9+$0xFFFFFC70] =	vst v0  }
0xb2: {  	[tilespmem:s9+$0xFFFFFC60] =	vst v0  }
0xb3: {  	[tilespmem:s9+$0xFFFFFC50] =	vst v0  }
0xb4: {  	[tilespmem:s9+$0xFFFFFC40] =	vst v0  }
0xb5: {  	[tilespmem:s9+$0xFFFFFC30] =	vst v0  }
0xb6: {  	s10 =	simm.s32 $0x0;
	[tilespmem:s9+$0xFFFFFC20] =	vst v0  }
.LBB2_2:
0xb7: {  	s10 =	sadd.s32 $0x2, s10;
	[tilespmem:s9+$0xFFFFFC10] =	vst v0;
	s9 =	sadd.s32 $0x800, s9  }
0xb8: {  	[tilespmem:s9+$0xFFFFFC00] =	vst v0;
	p0 =	slt.u32 s10, $0x3E  }
0xb9: {  	[tilespmem:s9+$0x3F0] =	vst v0  }
0xba: {  	[tilespmem:s9+$0x3E0] =	vst v0  }
0xbb: {  	[tilespmem:s9+$0x3D0] =	vst v0  }
0xbc: {  	[tilespmem:s9+$0x3C0] =	vst v0  }
0xbd: {  	[tilespmem:s9+$0x3B0] =	vst v0  }
0xbe: {  	[tilespmem:s9+$0x3A0] =	vst v0  }
0xbf: {  	[tilespmem:s9+$0x390] =	vst v0  }
0xc0: {  	[tilespmem:s9+$0x380] =	vst v0  }
0xc1: {  	[tilespmem:s9+$0x370] =	vst v0  }
0xc2: {  	[tilespmem:s9+$0x360] =	vst v0  }
0xc3: {  	[tilespmem:s9+$0x350] =	vst v0  }
0xc4: {  	[tilespmem:s9+$0x340] =	vst v0  }
0xc5: {  	[tilespmem:s9+$0x330] =	vst v0  }
0xc6: {  	[tilespmem:s9+$0x320] =	vst v0  }
0xc7: {  	[tilespmem:s9+$0x310] =	vst v0  }
0xc8: {  	[tilespmem:s9+$0x300] =	vst v0  }
0xc9: {  	[tilespmem:s9+$0x2F0] =	vst v0  }
0xca: {  	[tilespmem:s9+$0x2E0] =	vst v0  }
0xcb: {  	[tilespmem:s9+$0x2D0] =	vst v0  }
0xcc: {  	[tilespmem:s9+$0x2C0] =	vst v0  }
0xcd: {  	[tilespmem:s9+$0x2B0] =	vst v0  }
0xce: {  	[tilespmem:s9+$0x2A0] =	vst v0  }
0xcf: {  	[tilespmem:s9+$0x290] =	vst v0  }
0xd0: {  	[tilespmem:s9+$0x280] =	vst v0  }
0xd1: {  	[tilespmem:s9+$0x270] =	vst v0  }
0xd2: {  	[tilespmem:s9+$0x260] =	vst v0  }
0xd3: {  	[tilespmem:s9+$0x250] =	vst v0  }
0xd4: {  	[tilespmem:s9+$0x240] =	vst v0  }
0xd5: {  	[tilespmem:s9+$0x230] =	vst v0  }
0xd6: {  	[tilespmem:s9+$0x220] =	vst v0  }
0xd7: {  	[tilespmem:s9+$0x210] =	vst v0  }
0xd8: {  	[tilespmem:s9+$0x200] =	vst v0  }
0xd9: {  	[tilespmem:s9+$0x1F0] =	vst v0  }
0xda: {  	[tilespmem:s9+$0x1E0] =	vst v0  }
0xdb: {  	[tilespmem:s9+$0x1D0] =	vst v0  }
0xdc: {  	[tilespmem:s9+$0x1C0] =	vst v0  }
0xdd: {  	[tilespmem:s9+$0x1B0] =	vst v0  }
0xde: {  	[tilespmem:s9+$0x1A0] =	vst v0  }
0xdf: {  	[tilespmem:s9+$0x190] =	vst v0  }
0xe0: {  	[tilespmem:s9+$0x180] =	vst v0  }
0xe1: {  	[tilespmem:s9+$0x170] =	vst v0  }
0xe2: {  	[tilespmem:s9+$0x160] =	vst v0  }
0xe3: {  	[tilespmem:s9+$0x150] =	vst v0  }
0xe4: {  	[tilespmem:s9+$0x140] =	vst v0  }
0xe5: {  	[tilespmem:s9+$0x130] =	vst v0  }
0xe6: {  	[tilespmem:s9+$0x120] =	vst v0  }
0xe7: {  	[tilespmem:s9+$0x110] =	vst v0  }
0xe8: {  	[tilespmem:s9+$0x100] =	vst v0  }
0xe9: {  	[tilespmem:s9+$0xF0] =	vst v0  }
0xea: {  	[tilespmem:s9+$0xE0] =	vst v0  }
0xeb: {  	[tilespmem:s9+$0xD0] =	vst v0  }
0xec: {  	[tilespmem:s9+$0xC0] =	vst v0  }
0xed: {  	[tilespmem:s9+$0xB0] =	vst v0  }
0xee: {  	[tilespmem:s9+$0xA0] =	vst v0  }
0xef: {  	[tilespmem:s9+$0x90] =	vst v0  }
0xf0: {  	[tilespmem:s9+$0x80] =	vst v0  }
0xf1: {  	[tilespmem:s9+$0x70] =	vst v0  }
0xf2: {  	[tilespmem:s9+$0x60] =	vst v0  }
0xf3: {  	[tilespmem:s9+$0x50] =	vst v0  }
0xf4: {  	[tilespmem:s9+$0x40] =	vst v0  }
0xf5: {  	[tilespmem:s9+$0x30] =	vst v0  }
0xf6: {  	[tilespmem:s9+$0x20] =	vst v0  }
0xf7: {  	[tilespmem:s9+$0x10] =	vst v0  }
0xf8: {  	[tilespmem:s9+$0x0] =	vst v0  }
0xf9: {  	[tilespmem:s9+$0xFFFFFFF0] =	vst v0  }
0xfa: {  	[tilespmem:s9+$0xFFFFFFE0] =	vst v0  }
0xfb: {  	[tilespmem:s9+$0xFFFFFFD0] =	vst v0  }
0xfc: {  	[tilespmem:s9+$0xFFFFFFC0] =	vst v0  }
0xfd: {  	[tilespmem:s9+$0xFFFFFFB0] =	vst v0  }
0xfe: {  	[tilespmem:s9+$0xFFFFFFA0] =	vst v0  }
0xff: {  	[tilespmem:s9+$0xFFFFFF90] =	vst v0  }
0x100: {  	[tilespmem:s9+$0xFFFFFF80] =	vst v0  }
0x101: {  	[tilespmem:s9+$0xFFFFFF70] =	vst v0  }
0x102: {  	[tilespmem:s9+$0xFFFFFF60] =	vst v0  }
0x103: {  	[tilespmem:s9+$0xFFFFFF50] =	vst v0  }
0x104: {  	[tilespmem:s9+$0xFFFFFF40] =	vst v0  }
0x105: {  	[tilespmem:s9+$0xFFFFFF30] =	vst v0  }
0x106: {  	[tilespmem:s9+$0xFFFFFF20] =	vst v0  }
0x107: {  	[tilespmem:s9+$0xFFFFFF10] =	vst v0  }
0x108: {  	[tilespmem:s9+$0xFFFFFF00] =	vst v0  }
0x109: {  	[tilespmem:s9+$0xFFFFFEF0] =	vst v0  }
0x10a: {  	[tilespmem:s9+$0xFFFFFEE0] =	vst v0  }
0x10b: {  	[tilespmem:s9+$0xFFFFFED0] =	vst v0  }
0x10c: {  	[tilespmem:s9+$0xFFFFFEC0] =	vst v0  }
0x10d: {  	[tilespmem:s9+$0xFFFFFEB0] =	vst v0  }
0x10e: {  	[tilespmem:s9+$0xFFFFFEA0] =	vst v0  }
0x10f: {  	[tilespmem:s9+$0xFFFFFE90] =	vst v0  }
0x110: {  	[tilespmem:s9+$0xFFFFFE80] =	vst v0  }
0x111: {  	[tilespmem:s9+$0xFFFFFE70] =	vst v0  }
0x112: {  	[tilespmem:s9+$0xFFFFFE60] =	vst v0  }
0x113: {  	[tilespmem:s9+$0xFFFFFE50] =	vst v0  }
0x114: {  	[tilespmem:s9+$0xFFFFFE40] =	vst v0  }
0x115: {  	[tilespmem:s9+$0xFFFFFE30] =	vst v0  }
0x116: {  	[tilespmem:s9+$0xFFFFFE20] =	vst v0  }
0x117: {  	[tilespmem:s9+$0xFFFFFE10] =	vst v0  }
0x118: {  	[tilespmem:s9+$0xFFFFFE00] =	vst v0  }
0x119: {  	[tilespmem:s9+$0xFFFFFDF0] =	vst v0  }
0x11a: {  	[tilespmem:s9+$0xFFFFFDE0] =	vst v0  }
0x11b: {  	[tilespmem:s9+$0xFFFFFDD0] =	vst v0  }
0x11c: {  	[tilespmem:s9+$0xFFFFFDC0] =	vst v0  }
0x11d: {  	[tilespmem:s9+$0xFFFFFDB0] =	vst v0  }
0x11e: {  	[tilespmem:s9+$0xFFFFFDA0] =	vst v0  }
0x11f: {  	[tilespmem:s9+$0xFFFFFD90] =	vst v0  }
0x120: {  	[tilespmem:s9+$0xFFFFFD80] =	vst v0  }
0x121: {  	[tilespmem:s9+$0xFFFFFD70] =	vst v0  }
0x122: {  	[tilespmem:s9+$0xFFFFFD60] =	vst v0  }
0x123: {  	[tilespmem:s9+$0xFFFFFD50] =	vst v0  }
0x124: {  	[tilespmem:s9+$0xFFFFFD40] =	vst v0  }
0x125: {  	[tilespmem:s9+$0xFFFFFD30] =	vst v0  }
0x126: {  	[tilespmem:s9+$0xFFFFFD20] =	vst v0  }
0x127: {  	[tilespmem:s9+$0xFFFFFD10] =	vst v0  }
0x128: {  	[tilespmem:s9+$0xFFFFFD00] =	vst v0  }
0x129: {  	[tilespmem:s9+$0xFFFFFCF0] =	vst v0  }
0x12a: {  	[tilespmem:s9+$0xFFFFFCE0] =	vst v0  }
0x12b: {  	[tilespmem:s9+$0xFFFFFCD0] =	vst v0  }
0x12c: {  	[tilespmem:s9+$0xFFFFFCC0] =	vst v0  }
0x12d: {  	[tilespmem:s9+$0xFFFFFCB0] =	vst v0  }
0x12e: {  	[tilespmem:s9+$0xFFFFFCA0] =	vst v0  }
0x12f: {  	[tilespmem:s9+$0xFFFFFC90] =	vst v0  }
0x130: {  	[tilespmem:s9+$0xFFFFFC80] =	vst v0  }
0x131: {  	[tilespmem:s9+$0xFFFFFC70] =	vst v0  }
.Ltmp0:
0x132: {  	[tilespmem:s9+$0xFFFFFC60] =	vst v0;
	(pc) =	sbr.rel @p0 .LBB2_2-.Ltmp0, $4  }
0x133: {  	[tilespmem:s9+$0xFFFFFC50] =	vst v0  }
0x134: {  	[tilespmem:s9+$0xFFFFFC40] =	vst v0  }
0x135: {  	[tilespmem:s9+$0xFFFFFC30] =	vst v0  }
0x136: {  	[tilespmem:s9+$0xFFFFFC20] =	vst v0  }
0x137: {  	[tilespmem:s9+$0xFFFFFC10] =	vst v0  }
0x138: {  	_ =	swait.ge [sflag:s31], $0x80  }
0x139: {  	[sflag:s31] =	ssyncset.done $0x0  }
0x13a: {  	[sflag:s31] =	ssyncadd.s32 $0xFFFFFF80  }
0x13b: {  	_ =	swait.ge [sflag:s31], $0x80  }
0x13c: {  	[sflag:s31] =	ssyncset.done $0x0  }
0x13d: {  	[sflag:s31] =	ssyncadd.s32 $0xFFFFFF80  }
0x13e: {  	_ =	swait.ge [sflag:s31], $0x80  }
0x13f: {  	[sflag:s31] =	ssyncset.done $0x0  }
0x140: {  	[sflag:s31] =	ssyncadd.s32 $0xFFFFFF80  }
0x141: {  	_ =	swait.ge [sflag:s31], $0x80  }
0x142: {  	[sflag:s31] =	ssyncset.done $0x0  }
0x143: {  	[sflag:s31] =	ssyncadd.s32 $0xFFFFFF80  }
0x144: {  	_ =	swait.ge [sflag:s31], $0x80  }
0x145: {  	[sflag:s31] =	ssyncset.done $0x0  }
0x146: {  	[sflag:s31] =	ssyncadd.s32 $0xFFFFFF80  }
0x147: {  	_ =	swait.ge [sflag:s31], $0x80  }
0x148: {  	[sflag:s31] =	ssyncset.done $0x0  }
0x149: {  	[sflag:s31] =	ssyncadd.s32 $0xFFFFFF80  }
0x14a: {  	_ =	swait.ge [sflag:s31], $0x80  }
0x14b: {  	[sflag:s31] =	ssyncset.done $0x0  }
0x14c: {  	[sflag:s31] =	ssyncadd.s32 $0xFFFFFF80  }
0x14d: {  	_ =	swait.ge [sflag:s31], $0x80  }
0x14e: {  	s9 =	simm.s32 $0xFFFFFFFC;
	s30 =	simm.s32 $0x30;
	[sflag:s31] =	ssyncset.done $0x0  }
0x14f: {  	s10 =	simm.s32 $0x420;
	s11 =	simm.s32 $0x820;
	[sflag:s31] =	ssyncadd.s32 $0xFFFFFF80  }
.LBB2_4:
0x150: {  	v4 =	vld [tilespmem:s10+$0xFFFFFFE0];
	_ =	sdelay $0x2  }
0x151: {  	s3 =	sadd.s32 $0xFFFFFFD0, s30  }
0x152: {  	s3 =	sand.u32 $0x40, s3  }
0x153: {  	v8 =	vor.u32 s3, v1;
	v5 =	vand.u32 $0x38, v4;
	v6 =	vshll.u32 v4, $0x7  }
0x154: {  	s9 =	sadd.s32 $0x4, s9;
	v7 =	vshrl.u32 v4, $0x8;
	v53 =	vshrl.u32 v4, $0x1;
	v9 =	vshrl.u32 v4, $0x10  }
0x155: {  	s12 =	sshrl.u32 s9, $0x3;
	v55 =	vshrl.u32 v4, $0x18;
	v10 =	vshrl.u32 v4, $0x9;
	v4 =	vshrl.u32 v4, $0x11  }
0x156: {  	v5 =	vadd.s32 s12, v5;
	v6 =	vand.u32 $0x380, v6;
	v52 =	vand.u32 $0x38, v7  }
0x157: {  	v7 =	vand.u32 $0x380, v53;
	v54 =	vand.u32 $0x38, v9;
	v5 =	vshll.u32 v5, $0xA  }
0x158: {  	v9 =	vand.u32 $0x38, v55;
	v5 =	vor.u32 v6, v5;
	v6 =	vadd.s32 s12, v52  }
0x159: {  	v10 =	vand.u32 $0x380, v10;
	v4 =	vand.u32 $0x380, v4;
	v6 =	vshll.u32 v6, $0xA  }
0x15a: {  	v9 =	vadd.s32 s12, v9;
	v6 =	vor.u32 v7, v6;
	v7 =	vadd.s32 s12, v54  }
0x15b: {  	v9 =	vshll.u32 v9, $0xA;
	v5 =	vor.u32 v8, v5;
	v7 =	vshll.u32 v7, $0xA  }
0x15c: {  	v5 =	vor.u32 v2, v5;
	v6 =	vor.u32 v8, v6;
	v7 =	vor.u32 v10, v7  }
0x15d: {  	v4 =	vor.u32 v4, v9;
	v6 =	vor.u32 v2, v6;
	v7 =	vor.u32 v8, v7  }
0x15e: {  	v4 =	vor.u32 v8, v4;
	v7 =	vor.u32 v2, v7  }
0x15f: {  	v4 =	vor.u32 v2, v4;
	_ =	sdelay $0x1  }
0x160: {  	[tilespmem:v5+s25+$0x0] =	vst.idx.msk $0xffff, v3  }
0x161: {  	[tilespmem:v6+s25+$0x0] =	vst.idx.msk $0xffff, v3  }
0x162: {  	[tilespmem:v7+s25+$0x0] =	vst.idx.msk $0xffff, v3  }
0x163: {  	[tilespmem:v4+s25+$0x0] =	vst.idx.msk $0xffff, v3  }
0x164: {  	v4 =	vld [tilespmem:s11+$0xFFFFFFE0];
	_ =	sdelay $0x4  }
0x165: {  	v5 =	vand.u32 $0x38, v4;
	v56 =	vshll.u32 v4, $0x7  }
0x166: {  	v57 =	vshrl.u32 v4, $0x8;
	v59 =	vshrl.u32 v4, $0x1;
	v60 =	vshrl.u32 v4, $0x10  }
0x167: {  	v62 =	vshrl.u32 v4, $0x18;
	v63 =	vshrl.u32 v4, $0x9;
	v4 =	vshrl.u32 v4, $0x11  }
0x168: {  	v5 =	vadd.s32 s12, v5;
	v6 =	vand.u32 $0x380, v56;
	v58 =	vand.u32 $0x38, v57  }
0x169: {  	v7 =	vand.u32 $0x380, v59;
	v61 =	vand.u32 $0x38, v60;
	v5 =	vshll.u32 v5, $0xA  }
0x16a: {  	v9 =	vand.u32 $0x38, v62;
	v5 =	vor.u32 v6, v5;
	v6 =	vadd.s32 s12, v58  }
0x16b: {  	v10 =	vand.u32 $0x380, v63;
	v4 =	vand.u32 $0x380, v4;
	v6 =	vshll.u32 v6, $0xA  }
0x16c: {  	v9 =	vadd.s32 s12, v9;
	v6 =	vor.u32 v7, v6;
	v7 =	vadd.s32 s12, v61  }
0x16d: {  	v9 =	vshll.u32 v9, $0xA;
	v5 =	vor.u32 v8, v5;
	v7 =	vshll.u32 v7, $0xA  }
0x16e: {  	v5 =	vor.u32 v2, v5;
	v6 =	vor.u32 v8, v6;
	v7 =	vor.u32 v10, v7  }
0x16f: {  	v4 =	vor.u32 v4, v9;
	v6 =	vor.u32 v2, v6;
	v7 =	vor.u32 v8, v7  }
0x170: {  	v4 =	vor.u32 v8, v4;
	v7 =	vor.u32 v2, v7  }
0x171: {  	v4 =	vor.u32 v2, v4;
	_ =	sdelay $0x1  }
0x172: {  	[tilespmem:v5+s25+$0x0] =	vst.idx.msk $0xffff, v3  }
0x173: {  	[tilespmem:v6+s25+$0x0] =	vst.idx.msk $0xffff, v3  }
0x174: {  	[tilespmem:v7+s25+$0x0] =	vst.idx.msk $0xffff, v3  }
0x175: {  	[tilespmem:v4+s25+$0x0] =	vst.idx.msk $0xffff, v3  }
0x176: {  	v4 =	vld [tilespmem:s10+$0xFFFFFFF0];
	_ =	sdelay $0x2  }
0x177: {  	s3 =	sadd.s32 $0xFFFFFFE0, s30  }
0x178: {  	s3 =	sand.u32 $0x50, s3  }
0x179: {  	v14 =	vor.u32 s3, v1;
	v5 =	vand.u32 $0x38, v4;
	v12 =	vshll.u32 v4, $0x7  }
0x17a: {  	v13 =	vshrl.u32 v4, $0x8;
	v16 =	vshrl.u32 v4, $0x1;
	v17 =	vshrl.u32 v4, $0x10  }
0x17b: {  	v19 =	vshrl.u32 v4, $0x18;
	v20 =	vshrl.u32 v4, $0x9;
	v4 =	vshrl.u32 v4, $0x11  }
0x17c: {  	v5 =	vadd.s32 s12, v5;
	v6 =	vand.u32 $0x380, v12;
	v15 =	vand.u32 $0x38, v13  }
0x17d: {  	v7 =	vand.u32 $0x380, v16;
	v18 =	vand.u32 $0x38, v17;
	v5 =	vshll.u32 v5, $0xA  }
0x17e: {  	v9 =	vand.u32 $0x38, v19;
	v5 =	vor.u32 v6, v5;
	v6 =	vadd.s32 s12, v15  }
0x17f: {  	v10 =	vand.u32 $0x380, v20;
	v4 =	vand.u32 $0x380, v4;
	v6 =	vshll.u32 v6, $0xA  }
0x180: {  	v9 =	vadd.s32 s12, v9;
	v6 =	vor.u32 v7, v6;
	v7 =	vadd.s32 s12, v18  }
0x181: {  	v9 =	vshll.u32 v9, $0xA;
	v5 =	vor.u32 v14, v5;
	v7 =	vshll.u32 v7, $0xA  }
0x182: {  	v5 =	vor.u32 v2, v5;
	v6 =	vor.u32 v14, v6;
	v7 =	vor.u32 v10, v7  }
0x183: {  	v4 =	vor.u32 v4, v9;
	v6 =	vor.u32 v2, v6;
	v7 =	vor.u32 v14, v7  }
0x184: {  	v4 =	vor.u32 v14, v4;
	v7 =	vor.u32 v2, v7  }
0x185: {  	v4 =	vor.u32 v2, v4;
	_ =	sdelay $0x1  }
0x186: {  	[tilespmem:v5+s25+$0x0] =	vst.idx.msk $0xffff, v3  }
0x187: {  	[tilespmem:v6+s25+$0x0] =	vst.idx.msk $0xffff, v3  }
0x188: {  	[tilespmem:v7+s25+$0x0] =	vst.idx.msk $0xffff, v3  }
0x189: {  	[tilespmem:v4+s25+$0x0] =	vst.idx.msk $0xffff, v3  }
0x18a: {  	v4 =	vld [tilespmem:s11+$0xFFFFFFF0];
	_ =	sdelay $0x4  }
0x18b: {  	v5 =	vand.u32 $0x38, v4;
	v21 =	vshll.u32 v4, $0x7  }
0x18c: {  	v22 =	vshrl.u32 v4, $0x8;
	v24 =	vshrl.u32 v4, $0x1;
	v25 =	vshrl.u32 v4, $0x10  }
0x18d: {  	v27 =	vshrl.u32 v4, $0x18;
	v28 =	vshrl.u32 v4, $0x9;
	v4 =	vshrl.u32 v4, $0x11  }
0x18e: {  	v5 =	vadd.s32 s12, v5;
	v6 =	vand.u32 $0x380, v21;
	v23 =	vand.u32 $0x38, v22  }
0x18f: {  	v7 =	vand.u32 $0x380, v24;
	v26 =	vand.u32 $0x38, v25;
	v5 =	vshll.u32 v5, $0xA  }
0x190: {  	v9 =	vand.u32 $0x38, v27;
	v5 =	vor.u32 v6, v5;
	v6 =	vadd.s32 s12, v23  }
0x191: {  	v10 =	vand.u32 $0x380, v28;
	v4 =	vand.u32 $0x380, v4;
	v6 =	vshll.u32 v6, $0xA  }
0x192: {  	v9 =	vadd.s32 s12, v9;
	v6 =	vor.u32 v7, v6;
	v7 =	vadd.s32 s12, v26  }
0x193: {  	v9 =	vshll.u32 v9, $0xA;
	v5 =	vor.u32 v14, v5;
	v7 =	vshll.u32 v7, $0xA  }
0x194: {  	v5 =	vor.u32 v2, v5;
	v6 =	vor.u32 v14, v6;
	v7 =	vor.u32 v10, v7  }
0x195: {  	v4 =	vor.u32 v4, v9;
	v6 =	vor.u32 v2, v6;
	v7 =	vor.u32 v14, v7  }
0x196: {  	v4 =	vor.u32 v14, v4;
	v7 =	vor.u32 v2, v7  }
0x197: {  	v4 =	vor.u32 v2, v4;
	_ =	sdelay $0x1  }
0x198: {  	[tilespmem:v5+s25+$0x0] =	vst.idx.msk $0xffff, v3  }
0x199: {  	[tilespmem:v6+s25+$0x0] =	vst.idx.msk $0xffff, v3  }
0x19a: {  	[tilespmem:v7+s25+$0x0] =	vst.idx.msk $0xffff, v3  }
0x19b: {  	[tilespmem:v4+s25+$0x0] =	vst.idx.msk $0xffff, v3  }
0x19c: {  	v4 =	vld [tilespmem:s10+$0x0];
	_ =	sdelay $0x2  }
0x19d: {  	s3 =	sadd.s32 $0xFFFFFFF0, s30  }
0x19e: {  	s3 =	sand.u32 $0x60, s3  }
0x19f: {  	v31 =	vor.u32 s3, v1;
	v5 =	vand.u32 $0x38, v4;
	v29 =	vshll.u32 v4, $0x7  }
0x1a0: {  	v30 =	vshrl.u32 v4, $0x8;
	v33 =	vshrl.u32 v4, $0x1;
	v34 =	vshrl.u32 v4, $0x10  }
0x1a1: {  	v36 =	vshrl.u32 v4, $0x18;
	v37 =	vshrl.u32 v4, $0x9;
	v4 =	vshrl.u32 v4, $0x11  }
0x1a2: {  	v5 =	vadd.s32 s12, v5;
	v6 =	vand.u32 $0x380, v29;
	v32 =	vand.u32 $0x38, v30  }
0x1a3: {  	v7 =	vand.u32 $0x380, v33;
	v35 =	vand.u32 $0x38, v34;
	v5 =	vshll.u32 v5, $0xA  }
0x1a4: {  	v9 =	vand.u32 $0x38, v36;
	v5 =	vor.u32 v6, v5;
	v6 =	vadd.s32 s12, v32  }
0x1a5: {  	v10 =	vand.u32 $0x380, v37;
	v4 =	vand.u32 $0x380, v4;
	v6 =	vshll.u32 v6, $0xA  }
0x1a6: {  	v9 =	vadd.s32 s12, v9;
	v6 =	vor.u32 v7, v6;
	v7 =	vadd.s32 s12, v35  }
0x1a7: {  	v9 =	vshll.u32 v9, $0xA;
	v5 =	vor.u32 v31, v5;
	v7 =	vshll.u32 v7, $0xA  }
0x1a8: {  	v5 =	vor.u32 v2, v5;
	v6 =	vor.u32 v31, v6;
	v7 =	vor.u32 v10, v7  }
0x1a9: {  	v4 =	vor.u32 v4, v9;
	v6 =	vor.u32 v2, v6;
	v7 =	vor.u32 v31, v7  }
0x1aa: {  	v4 =	vor.u32 v31, v4;
	v7 =	vor.u32 v2, v7  }
0x1ab: {  	v4 =	vor.u32 v2, v4;
	_ =	sdelay $0x1  }
0x1ac: {  	[tilespmem:v5+s25+$0x0] =	vst.idx.msk $0xffff, v3  }
0x1ad: {  	[tilespmem:v6+s25+$0x0] =	vst.idx.msk $0xffff, v3  }
0x1ae: {  	[tilespmem:v7+s25+$0x0] =	vst.idx.msk $0xffff, v3  }
0x1af: {  	[tilespmem:v4+s25+$0x0] =	vst.idx.msk $0xffff, v3  }
0x1b0: {  	v4 =	vld [tilespmem:s11+$0x0];
	_ =	sdelay $0x4  }
0x1b1: {  	v5 =	vand.u32 $0x38, v4;
	v38 =	vshll.u32 v4, $0x7  }
0x1b2: {  	v39 =	vshrl.u32 v4, $0x8;
	v41 =	vshrl.u32 v4, $0x1;
	v42 =	vshrl.u32 v4, $0x10  }
0x1b3: {  	v44 =	vshrl.u32 v4, $0x18;
	v45 =	vshrl.u32 v4, $0x9;
	v4 =	vshrl.u32 v4, $0x11  }
0x1b4: {  	v5 =	vadd.s32 s12, v5;
	v6 =	vand.u32 $0x380, v38;
	v40 =	vand.u32 $0x38, v39  }
0x1b5: {  	v7 =	vand.u32 $0x380, v41;
	v43 =	vand.u32 $0x38, v42;
	v5 =	vshll.u32 v5, $0xA  }
0x1b6: {  	v9 =	vand.u32 $0x38, v44;
	v5 =	vor.u32 v6, v5;
	v6 =	vadd.s32 s12, v40  }
0x1b7: {  	v10 =	vand.u32 $0x380, v45;
	v4 =	vand.u32 $0x380, v4;
	v6 =	vshll.u32 v6, $0xA  }
0x1b8: {  	v9 =	vadd.s32 s12, v9;
	v6 =	vor.u32 v7, v6;
	v7 =	vadd.s32 s12, v43  }
0x1b9: {  	v9 =	vshll.u32 v9, $0xA;
	v5 =	vor.u32 v31, v5;
	v7 =	vshll.u32 v7, $0xA  }
0x1ba: {  	v5 =	vor.u32 v2, v5;
	v6 =	vor.u32 v31, v6;
	v7 =	vor.u32 v10, v7  }
0x1bb: {  	v4 =	vor.u32 v4, v9;
	v6 =	vor.u32 v2, v6;
	v7 =	vor.u32 v31, v7  }
0x1bc: {  	v4 =	vor.u32 v31, v4;
	v7 =	vor.u32 v2, v7  }
0x1bd: {  	v4 =	vor.u32 v2, v4;
	_ =	sdelay $0x1  }
0x1be: {  	[tilespmem:v5+s25+$0x0] =	vst.idx.msk $0xffff, v3  }
0x1bf: {  	[tilespmem:v6+s25+$0x0] =	vst.idx.msk $0xffff, v3  }
0x1c0: {  	[tilespmem:v7+s25+$0x0] =	vst.idx.msk $0xffff, v3  }
0x1c1: {  	[tilespmem:v4+s25+$0x0] =	vst.idx.msk $0xffff, v3  }
0x1c2: {  	v4 =	vld [tilespmem:s10+$0x10];
	_ =	sdelay $0x3  }
0x1c3: {  	s3 =	sand.u32 $0x70, s30  }
0x1c4: {  	v48 =	vor.u32 s3, v1;
	v5 =	vand.u32 $0x38, v4;
	v46 =	vshll.u32 v4, $0x7  }
0x1c5: {  	v47 =	vshrl.u32 v4, $0x8;
	v50 =	vshrl.u32 v4, $0x1;
	v51 =	vshrl.u32 v4, $0x10  }
0x1c6: {  	v53 =	vshrl.u32 v4, $0x18;
	v54 =	vshrl.u32 v4, $0x9;
	v4 =	vshrl.u32 v4, $0x11  }
0x1c7: {  	v5 =	vadd.s32 s12, v5;
	v6 =	vand.u32 $0x380, v46;
	v49 =	vand.u32 $0x38, v47  }
0x1c8: {  	v7 =	vand.u32 $0x380, v50;
	v52 =	vand.u32 $0x38, v51;
	v5 =	vshll.u32 v5, $0xA  }
0x1c9: {  	v9 =	vand.u32 $0x38, v53;
	v5 =	vor.u32 v6, v5;
	v6 =	vadd.s32 s12, v49  }
0x1ca: {  	v10 =	vand.u32 $0x380, v54;
	v4 =	vand.u32 $0x380, v4;
	v6 =	vshll.u32 v6, $0xA  }
0x1cb: {  	v9 =	vadd.s32 s12, v9;
	v6 =	vor.u32 v7, v6;
	v7 =	vadd.s32 s12, v52  }
0x1cc: {  	v9 =	vshll.u32 v9, $0xA;
	v5 =	vor.u32 v48, v5;
	v7 =	vshll.u32 v7, $0xA  }
0x1cd: {  	v5 =	vor.u32 v2, v5;
	v6 =	vor.u32 v48, v6;
	v7 =	vor.u32 v10, v7  }
0x1ce: {  	v4 =	vor.u32 v4, v9;
	v6 =	vor.u32 v2, v6;
	v7 =	vor.u32 v48, v7  }
0x1cf: {  	v4 =	vor.u32 v48, v4;
	v7 =	vor.u32 v2, v7  }
0x1d0: {  	v4 =	vor.u32 v2, v4;
	_ =	sdelay $0x1  }
0x1d1: {  	[tilespmem:v5+s25+$0x0] =	vst.idx.msk $0xffff, v3  }
0x1d2: {  	[tilespmem:v6+s25+$0x0] =	vst.idx.msk $0xffff, v3  }
0x1d3: {  	[tilespmem:v7+s25+$0x0] =	vst.idx.msk $0xffff, v3  }
0x1d4: {  	[tilespmem:v4+s25+$0x0] =	vst.idx.msk $0xffff, v3  }
0x1d5: {  	v4 =	vld [tilespmem:s11+$0x10];
	_ =	sdelay $0x4  }
0x1d6: {  	v5 =	vand.u32 $0x38, v4;
	v55 =	vshll.u32 v4, $0x7  }
0x1d7: {  	v56 =	vshrl.u32 v4, $0x8;
	v58 =	vshrl.u32 v4, $0x1;
	v59 =	vshrl.u32 v4, $0x10  }
0x1d8: {  	v61 =	vshrl.u32 v4, $0x9;
	v62 =	vshrl.u32 v4, $0x18;
	v4 =	vshrl.u32 v4, $0x11  }
0x1d9: {  	v5 =	vadd.s32 s12, v5;
	v6 =	vand.u32 $0x380, v55;
	v57 =	vand.u32 $0x38, v56  }
0x1da: {  	v7 =	vand.u32 $0x380, v58;
	v9 =	vand.u32 $0x38, v59;
	v5 =	vshll.u32 v5, $0xA  }
0x1db: {  	v63 =	vand.u32 $0x38, v62;
	v5 =	vor.u32 v6, v5;
	v6 =	vadd.s32 s12, v57  }
0x1dc: {  	v4 =	vand.u32 $0x380, v4;
	v60 =	vadd.s32 s12, v9;
	v6 =	vshll.u32 v6, $0xA  }
0x1dd: {  	v9 =	vand.u32 $0x380, v61;
	v6 =	vor.u32 v7, v6;
	v7 =	vshll.u32 v60, $0xA  }
0x1de: {  	v5 =	vor.u32 v48, v5;
	v7 =	vor.u32 v9, v7;
	v9 =	vadd.s32 s12, v63  }
0x1df: {  	v5 =	vor.u32 v2, v5;
	v6 =	vor.u32 v48, v6;
	v9 =	vshll.u32 v9, $0xA  }
0x1e0: {  	v6 =	vor.u32 v2, v6;
	v7 =	vor.u32 v48, v7;
	v4 =	vor.u32 v4, v9  }
0x1e1: {  	v7 =	vor.u32 v2, v7;
	v4 =	vor.u32 v48, v4  }
0x1e2: {  	p0 =	slt.u32 s9, $0x1C;
	v4 =	vor.u32 v2, v4  }
.Ltmp1:
0x1e3: {  	_ = 	snop;
	(pc) =	sbr.rel @p0 .LBB2_4-.Ltmp1, $4  }
0x1e4: {  	[tilespmem:v5+s25+$0x0] =	vst.idx.msk $0xffff, v3  }
0x1e5: {  	[tilespmem:v6+s25+$0x0] =	vst.idx.msk $0xffff, v3  }
0x1e6: {  	[tilespmem:v7+s25+$0x0] =	vst.idx.msk $0xffff, v3  }
0x1e7: {  	s30 =	sadd.s32 $0x40, s30;
	s10 =	sadd.s32 $0x40, s10;
	s11 =	sadd.s32 $0x40, s11;
	[tilespmem:v4+s25+$0x0] =	vst.idx.msk $0xffff, v3  }
0x1e8: {  	[hbm4b:s6+s2] =	stream.linear.scatter [tilespmem:s25], [sflag:$0x3], $0x1000, $0x38;
	[tilespmem:$0x10C00] =	vst v63  }
0x1e9: {  	s3 =	rddreg [dreg:$0x5];
	s9 =	simm.s32 $0x2C00  }
0x1ea: {  	[hbm4b:s3+s2] =	stream.linear.scatter [tilespmem:s9], [sflag:$0x3], $0x1000, $0x38;
	[tilespmem:$0x10C00] =	vst v63  }
0x1eb: {  	s10 =	simm.s32 $0x4C00;
	s9 =	rddreg [dreg:$0x6]  }
0x1ec: {  	[hbm4b:s9+s2] =	stream.linear.scatter [tilespmem:s10], [sflag:$0x3], $0x1000, $0x38;
	[tilespmem:$0x10C00] =	vst v63  }
0x1ed: {  	s11 =	rddreg [dreg:$0x7];
	s12 =	simm.s32 $0x6C00  }
0x1ee: {  	[hbm4b:s11+s2] =	stream.linear.scatter [tilespmem:s12], [sflag:$0x3], $0x1000, $0x38;
	[tilespmem:$0x10C00] =	vst v63  }
0x1ef: {  	s9 =	rddreg [dreg:$0x8];
	s10 =	simm.s32 $0x8C00  }
0x1f0: {  	[hbm4b:s9+s2] =	stream.linear.scatter [tilespmem:s10], [sflag:$0x3], $0x1000, $0x38;
	[tilespmem:$0x10C00] =	vst v63  }
0x1f1: {  	s11 =	rddreg [dreg:$0x9];
	s12 =	simm.s32 $0xAC00  }
0x1f2: {  	[hbm4b:s11+s2] =	stream.linear.scatter [tilespmem:s12], [sflag:$0x3], $0x1000, $0x38;
	[tilespmem:$0x10C00] =	vst v63  }
0x1f3: {  	s10 =	rddreg [dreg:$0xa];
	s11 =	simm.s32 $0xCC00  }
0x1f4: {  	[hbm4b:s10+s2] =	stream.linear.scatter [tilespmem:s11], [sflag:$0x3], $0x1000, $0x38;
	[tilespmem:$0x10C00] =	vst v63  }
0x1f5: {  	s12 =	simm.s32 $0xEC00  }
0x1f6: {  	[hbm4b:s13+s2] =	stream.linear.scatter [tilespmem:s12], [sflag:$0x3], $0x1000, $0x38;
	[tilespmem:$0x10C00] =	vst v63  }
0x1f7: {  	_ =	swait.ge [sflag:s5], $0x80  }
0x1f8: {  	[sflag:s5] =	ssyncset.done $0x0  }
0x1f9: {  	[sflag:s5] =	ssyncadd.s32 $0xFFFFFF80  }
0x1fa: {  	_ =	swait.ge [sflag:s5], $0x80  }
0x1fb: {  	[sflag:s5] =	ssyncset.done $0x0  }
0x1fc: {  	[sflag:s5] =	ssyncadd.s32 $0xFFFFFF80  }
0x1fd: {  	_ =	swait.ge [sflag:s5], $0x80  }
0x1fe: {  	[sflag:s5] =	ssyncset.done $0x0  }
0x1ff: {  	[sflag:s5] =	ssyncadd.s32 $0xFFFFFF80  }
0x200: {  	_ =	swait.ge [sflag:s5], $0x80  }
0x201: {  	[sflag:s5] =	ssyncset.done $0x0  }
0x202: {  	[sflag:s5] =	ssyncadd.s32 $0xFFFFFF80  }
0x203: {  	_ =	swait.ge [sflag:s5], $0x80  }
0x204: {  	[sflag:s5] =	ssyncset.done $0x0  }
0x205: {  	[sflag:s5] =	ssyncadd.s32 $0xFFFFFF80  }
0x206: {  	_ =	swait.ge [sflag:s5], $0x80  }
0x207: {  	[sflag:s5] =	ssyncset.done $0x0  }
0x208: {  	[sflag:s5] =	ssyncadd.s32 $0xFFFFFF80  }
0x209: {  	_ =	swait.ge [sflag:s5], $0x80  }
0x20a: {  	[sflag:s5] =	ssyncset.done $0x0  }
0x20b: {  	[sflag:s5] =	ssyncadd.s32 $0xFFFFFF80  }
0x20c: {  	_ =	swait.ge [sflag:s5], $0x80  }
0x20d: {  	s30 =	simm.s32 $0x230;
	s9 =	simm.s32 $0x1C;
	[sflag:s5] =	ssyncset.done $0x0  }
0x20e: {  	s10 =	simm.s32 $0x630;
	s11 =	simm.s32 $0xA30;
	[sflag:s5] =	ssyncadd.s32 $0xFFFFFF80  }
.LBB2_6:
0x20f: {  	v4 =	vld [tilespmem:s10+$0xFFFFFFD0];
	_ =	sdelay $0x2  }
0x210: {  	s3 =	sadd.s32 $0xFFFFFFD0, s30  }
0x211: {  	s3 =	sand.u32 $0x40, s3  }
0x212: {  	v8 =	vor.u32 s3, v1;
	v5 =	vand.u32 $0x38, v4;
	v6 =	vshll.u32 v4, $0x7  }
0x213: {  	s9 =	sadd.s32 $0x4, s9;
	v7 =	vshrl.u32 v4, $0x8;
	v53 =	vshrl.u32 v4, $0x1;
	v9 =	vshrl.u32 v4, $0x10  }
0x214: {  	s12 =	sshrl.u32 s9, $0x3;
	v55 =	vshrl.u32 v4, $0x18;
	v10 =	vshrl.u32 v4, $0x9;
	v4 =	vshrl.u32 v4, $0x11  }
0x215: {  	v5 =	vadd.s32 s12, v5;
	v6 =	vand.u32 $0x380, v6;
	v52 =	vand.u32 $0x38, v7  }
0x216: {  	v7 =	vand.u32 $0x380, v53;
	v54 =	vand.u32 $0x38, v9;
	v5 =	vshll.u32 v5, $0xA  }
0x217: {  	v9 =	vand.u32 $0x38, v55;
	v5 =	vor.u32 v6, v5;
	v6 =	vadd.s32 s12, v52  }
0x218: {  	v10 =	vand.u32 $0x380, v10;
	v4 =	vand.u32 $0x380, v4;
	v6 =	vshll.u32 v6, $0xA  }
0x219: {  	v9 =	vadd.s32 s12, v9;
	v6 =	vor.u32 v7, v6;
	v7 =	vadd.s32 s12, v54  }
0x21a: {  	v9 =	vshll.u32 v9, $0xA;
	v5 =	vor.u32 v8, v5;
	v7 =	vshll.u32 v7, $0xA  }
0x21b: {  	v5 =	vor.u32 v2, v5;
	v6 =	vor.u32 v8, v6;
	v7 =	vor.u32 v10, v7  }
0x21c: {  	v4 =	vor.u32 v4, v9;
	v6 =	vor.u32 v2, v6;
	v7 =	vor.u32 v8, v7  }
0x21d: {  	v4 =	vor.u32 v8, v4;
	v7 =	vor.u32 v2, v7  }
0x21e: {  	v4 =	vor.u32 v2, v4;
	_ =	sdelay $0x1  }
0x21f: {  	[tilespmem:v5+s25+$0x0] =	vst.idx.msk $0xffff, v3  }
0x220: {  	[tilespmem:v6+s25+$0x0] =	vst.idx.msk $0xffff, v3  }
0x221: {  	[tilespmem:v7+s25+$0x0] =	vst.idx.msk $0xffff, v3  }
0x222: {  	[tilespmem:v4+s25+$0x0] =	vst.idx.msk $0xffff, v3  }
0x223: {  	v4 =	vld [tilespmem:s11+$0xFFFFFFD0];
	_ =	sdelay $0x4  }
0x224: {  	v5 =	vand.u32 $0x38, v4;
	v56 =	vshll.u32 v4, $0x7  }
0x225: {  	v57 =	vshrl.u32 v4, $0x8;
	v59 =	vshrl.u32 v4, $0x1;
	v60 =	vshrl.u32 v4, $0x10  }
0x226: {  	v62 =	vshrl.u32 v4, $0x18;
	v63 =	vshrl.u32 v4, $0x9;
	v4 =	vshrl.u32 v4, $0x11  }
0x227: {  	v5 =	vadd.s32 s12, v5;
	v6 =	vand.u32 $0x380, v56;
	v58 =	vand.u32 $0x38, v57  }
0x228: {  	v7 =	vand.u32 $0x380, v59;
	v61 =	vand.u32 $0x38, v60;
	v5 =	vshll.u32 v5, $0xA  }
0x229: {  	v9 =	vand.u32 $0x38, v62;
	v5 =	vor.u32 v6, v5;
	v6 =	vadd.s32 s12, v58  }
0x22a: {  	v10 =	vand.u32 $0x380, v63;
	v4 =	vand.u32 $0x380, v4;
	v6 =	vshll.u32 v6, $0xA  }
0x22b: {  	v9 =	vadd.s32 s12, v9;
	v6 =	vor.u32 v7, v6;
	v7 =	vadd.s32 s12, v61  }
0x22c: {  	v9 =	vshll.u32 v9, $0xA;
	v5 =	vor.u32 v8, v5;
	v7 =	vshll.u32 v7, $0xA  }
0x22d: {  	v5 =	vor.u32 v2, v5;
	v6 =	vor.u32 v8, v6;
	v7 =	vor.u32 v10, v7  }
0x22e: {  	v4 =	vor.u32 v4, v9;
	v6 =	vor.u32 v2, v6;
	v7 =	vor.u32 v8, v7  }
0x22f: {  	v4 =	vor.u32 v8, v4;
	v7 =	vor.u32 v2, v7  }
0x230: {  	v4 =	vor.u32 v2, v4;
	_ =	sdelay $0x1  }
0x231: {  	[tilespmem:v5+s25+$0x0] =	vst.idx.msk $0xffff, v3  }
0x232: {  	[tilespmem:v6+s25+$0x0] =	vst.idx.msk $0xffff, v3  }
0x233: {  	[tilespmem:v7+s25+$0x0] =	vst.idx.msk $0xffff, v3  }
0x234: {  	[tilespmem:v4+s25+$0x0] =	vst.idx.msk $0xffff, v3  }
0x235: {  	v4 =	vld [tilespmem:s10+$0xFFFFFFE0];
	_ =	sdelay $0x2  }
0x236: {  	s3 =	sadd.s32 $0xFFFFFFE0, s30  }
0x237: {  	s3 =	sand.u32 $0x50, s3  }
0x238: {  	v14 =	vor.u32 s3, v1;
	v5 =	vand.u32 $0x38, v4;
	v12 =	vshll.u32 v4, $0x7  }
0x239: {  	v13 =	vshrl.u32 v4, $0x8;
	v16 =	vshrl.u32 v4, $0x1;
	v17 =	vshrl.u32 v4, $0x10  }
0x23a: {  	v19 =	vshrl.u32 v4, $0x18;
	v20 =	vshrl.u32 v4, $0x9;
	v4 =	vshrl.u32 v4, $0x11  }
0x23b: {  	v5 =	vadd.s32 s12, v5;
	v6 =	vand.u32 $0x380, v12;
	v15 =	vand.u32 $0x38, v13  }
0x23c: {  	v7 =	vand.u32 $0x380, v16;
	v18 =	vand.u32 $0x38, v17;
	v5 =	vshll.u32 v5, $0xA  }
0x23d: {  	v9 =	vand.u32 $0x38, v19;
	v5 =	vor.u32 v6, v5;
	v6 =	vadd.s32 s12, v15  }
0x23e: {  	v10 =	vand.u32 $0x380, v20;
	v4 =	vand.u32 $0x380, v4;
	v6 =	vshll.u32 v6, $0xA  }
0x23f: {  	v9 =	vadd.s32 s12, v9;
	v6 =	vor.u32 v7, v6;
	v7 =	vadd.s32 s12, v18  }
0x240: {  	v9 =	vshll.u32 v9, $0xA;
	v5 =	vor.u32 v14, v5;
	v7 =	vshll.u32 v7, $0xA  }
0x241: {  	v5 =	vor.u32 v2, v5;
	v6 =	vor.u32 v14, v6;
	v7 =	vor.u32 v10, v7  }
0x242: {  	v4 =	vor.u32 v4, v9;
	v6 =	vor.u32 v2, v6;
	v7 =	vor.u32 v14, v7  }
0x243: {  	v4 =	vor.u32 v14, v4;
	v7 =	vor.u32 v2, v7  }
0x244: {  	v4 =	vor.u32 v2, v4;
	_ =	sdelay $0x1  }
0x245: {  	[tilespmem:v5+s25+$0x0] =	vst.idx.msk $0xffff, v3  }
0x246: {  	[tilespmem:v6+s25+$0x0] =	vst.idx.msk $0xffff, v3  }
0x247: {  	[tilespmem:v7+s25+$0x0] =	vst.idx.msk $0xffff, v3  }
0x248: {  	[tilespmem:v4+s25+$0x0] =	vst.idx.msk $0xffff, v3  }
0x249: {  	v4 =	vld [tilespmem:s11+$0xFFFFFFE0];
	_ =	sdelay $0x4  }
0x24a: {  	v5 =	vand.u32 $0x38, v4;
	v21 =	vshll.u32 v4, $0x7  }
0x24b: {  	v22 =	vshrl.u32 v4, $0x8;
	v24 =	vshrl.u32 v4, $0x1;
	v25 =	vshrl.u32 v4, $0x10  }
0x24c: {  	v27 =	vshrl.u32 v4, $0x18;
	v28 =	vshrl.u32 v4, $0x9;
	v4 =	vshrl.u32 v4, $0x11  }
0x24d: {  	v5 =	vadd.s32 s12, v5;
	v6 =	vand.u32 $0x380, v21;
	v23 =	vand.u32 $0x38, v22  }
0x24e: {  	v7 =	vand.u32 $0x380, v24;
	v26 =	vand.u32 $0x38, v25;
	v5 =	vshll.u32 v5, $0xA  }
0x24f: {  	v9 =	vand.u32 $0x38, v27;
	v5 =	vor.u32 v6, v5;
	v6 =	vadd.s32 s12, v23  }
0x250: {  	v10 =	vand.u32 $0x380, v28;
	v4 =	vand.u32 $0x380, v4;
	v6 =	vshll.u32 v6, $0xA  }
0x251: {  	v9 =	vadd.s32 s12, v9;
	v6 =	vor.u32 v7, v6;
	v7 =	vadd.s32 s12, v26  }
0x252: {  	v9 =	vshll.u32 v9, $0xA;
	v5 =	vor.u32 v14, v5;
	v7 =	vshll.u32 v7, $0xA  }
0x253: {  	v5 =	vor.u32 v2, v5;
	v6 =	vor.u32 v14, v6;
	v7 =	vor.u32 v10, v7  }
0x254: {  	v4 =	vor.u32 v4, v9;
	v6 =	vor.u32 v2, v6;
	v7 =	vor.u32 v14, v7  }
0x255: {  	v4 =	vor.u32 v14, v4;
	v7 =	vor.u32 v2, v7  }
0x256: {  	v4 =	vor.u32 v2, v4;
	_ =	sdelay $0x1  }
0x257: {  	[tilespmem:v5+s25+$0x0] =	vst.idx.msk $0xffff, v3  }
0x258: {  	[tilespmem:v6+s25+$0x0] =	vst.idx.msk $0xffff, v3  }
0x259: {  	[tilespmem:v7+s25+$0x0] =	vst.idx.msk $0xffff, v3  }
0x25a: {  	[tilespmem:v4+s25+$0x0] =	vst.idx.msk $0xffff, v3  }
0x25b: {  	v4 =	vld [tilespmem:s10+$0xFFFFFFF0];
	_ =	sdelay $0x2  }
0x25c: {  	s3 =	sadd.s32 $0xFFFFFFF0, s30  }
0x25d: {  	s3 =	sand.u32 $0x60, s3  }
0x25e: {  	v31 =	vor.u32 s3, v1;
	v5 =	vand.u32 $0x38, v4;
	v29 =	vshll.u32 v4, $0x7  }
0x25f: {  	v30 =	vshrl.u32 v4, $0x8;
	v33 =	vshrl.u32 v4, $0x1;
	v34 =	vshrl.u32 v4, $0x10  }
0x260: {  	v36 =	vshrl.u32 v4, $0x18;
	v37 =	vshrl.u32 v4, $0x9;
	v4 =	vshrl.u32 v4, $0x11  }
0x261: {  	v5 =	vadd.s32 s12, v5;
	v6 =	vand.u32 $0x380, v29;
	v32 =	vand.u32 $0x38, v30  }
0x262: {  	v7 =	vand.u32 $0x380, v33;
	v35 =	vand.u32 $0x38, v34;
	v5 =	vshll.u32 v5, $0xA  }
0x263: {  	v9 =	vand.u32 $0x38, v36;
	v5 =	vor.u32 v6, v5;
	v6 =	vadd.s32 s12, v32  }
0x264: {  	v10 =	vand.u32 $0x380, v37;
	v4 =	vand.u32 $0x380, v4;
	v6 =	vshll.u32 v6, $0xA  }
0x265: {  	v9 =	vadd.s32 s12, v9;
	v6 =	vor.u32 v7, v6;
	v7 =	vadd.s32 s12, v35  }
0x266: {  	v9 =	vshll.u32 v9, $0xA;
	v5 =	vor.u32 v31, v5;
	v7 =	vshll.u32 v7, $0xA  }
0x267: {  	v5 =	vor.u32 v2, v5;
	v6 =	vor.u32 v31, v6;
	v7 =	vor.u32 v10, v7  }
0x268: {  	v4 =	vor.u32 v4, v9;
	v6 =	vor.u32 v2, v6;
	v7 =	vor.u32 v31, v7  }
0x269: {  	v4 =	vor.u32 v31, v4;
	v7 =	vor.u32 v2, v7  }
0x26a: {  	v4 =	vor.u32 v2, v4;
	_ =	sdelay $0x1  }
0x26b: {  	[tilespmem:v5+s25+$0x0] =	vst.idx.msk $0xffff, v3  }
0x26c: {  	[tilespmem:v6+s25+$0x0] =	vst.idx.msk $0xffff, v3  }
0x26d: {  	[tilespmem:v7+s25+$0x0] =	vst.idx.msk $0xffff, v3  }
0x26e: {  	[tilespmem:v4+s25+$0x0] =	vst.idx.msk $0xffff, v3  }
0x26f: {  	v4 =	vld [tilespmem:s11+$0xFFFFFFF0];
	_ =	sdelay $0x4  }
0x270: {  	v5 =	vand.u32 $0x38, v4;
	v38 =	vshll.u32 v4, $0x7  }
0x271: {  	v39 =	vshrl.u32 v4, $0x8;
	v41 =	vshrl.u32 v4, $0x1;
	v42 =	vshrl.u32 v4, $0x10  }
0x272: {  	v44 =	vshrl.u32 v4, $0x18;
	v45 =	vshrl.u32 v4, $0x9;
	v4 =	vshrl.u32 v4, $0x11  }
0x273: {  	v5 =	vadd.s32 s12, v5;
	v6 =	vand.u32 $0x380, v38;
	v40 =	vand.u32 $0x38, v39  }
0x274: {  	v7 =	vand.u32 $0x380, v41;
	v43 =	vand.u32 $0x38, v42;
	v5 =	vshll.u32 v5, $0xA  }
0x275: {  	v9 =	vand.u32 $0x38, v44;
	v5 =	vor.u32 v6, v5;
	v6 =	vadd.s32 s12, v40  }
0x276: {  	v10 =	vand.u32 $0x380, v45;
	v4 =	vand.u32 $0x380, v4;
	v6 =	vshll.u32 v6, $0xA  }
0x277: {  	v9 =	vadd.s32 s12, v9;
	v6 =	vor.u32 v7, v6;
	v7 =	vadd.s32 s12, v43  }
0x278: {  	v9 =	vshll.u32 v9, $0xA;
	v5 =	vor.u32 v31, v5;
	v7 =	vshll.u32 v7, $0xA  }
0x279: {  	v5 =	vor.u32 v2, v5;
	v6 =	vor.u32 v31, v6;
	v7 =	vor.u32 v10, v7  }
0x27a: {  	v4 =	vor.u32 v4, v9;
	v6 =	vor.u32 v2, v6;
	v7 =	vor.u32 v31, v7  }
0x27b: {  	v4 =	vor.u32 v31, v4;
	v7 =	vor.u32 v2, v7  }
0x27c: {  	v4 =	vor.u32 v2, v4;
	_ =	sdelay $0x1  }
0x27d: {  	[tilespmem:v5+s25+$0x0] =	vst.idx.msk $0xffff, v3  }
0x27e: {  	[tilespmem:v6+s25+$0x0] =	vst.idx.msk $0xffff, v3  }
0x27f: {  	[tilespmem:v7+s25+$0x0] =	vst.idx.msk $0xffff, v3  }
0x280: {  	[tilespmem:v4+s25+$0x0] =	vst.idx.msk $0xffff, v3  }
0x281: {  	v4 =	vld [tilespmem:s10+$0x0];
	_ =	sdelay $0x3  }
0x282: {  	s3 =	sand.u32 $0x70, s30  }
0x283: {  	v48 =	vor.u32 s3, v1;
	v5 =	vand.u32 $0x38, v4;
	v46 =	vshll.u32 v4, $0x7  }
0x284: {  	v47 =	vshrl.u32 v4, $0x8;
	v50 =	vshrl.u32 v4, $0x1;
	v51 =	vshrl.u32 v4, $0x10  }
0x285: {  	v53 =	vshrl.u32 v4, $0x18;
	v54 =	vshrl.u32 v4, $0x9;
	v4 =	vshrl.u32 v4, $0x11  }
0x286: {  	v5 =	vadd.s32 s12, v5;
	v6 =	vand.u32 $0x380, v46;
	v49 =	vand.u32 $0x38, v47  }
0x287: {  	v7 =	vand.u32 $0x380, v50;
	v52 =	vand.u32 $0x38, v51;
	v5 =	vshll.u32 v5, $0xA  }
0x288: {  	v9 =	vand.u32 $0x38, v53;
	v5 =	vor.u32 v6, v5;
	v6 =	vadd.s32 s12, v49  }
0x289: {  	v10 =	vand.u32 $0x380, v54;
	v4 =	vand.u32 $0x380, v4;
	v6 =	vshll.u32 v6, $0xA  }
0x28a: {  	v9 =	vadd.s32 s12, v9;
	v6 =	vor.u32 v7, v6;
	v7 =	vadd.s32 s12, v52  }
0x28b: {  	v9 =	vshll.u32 v9, $0xA;
	v5 =	vor.u32 v48, v5;
	v7 =	vshll.u32 v7, $0xA  }
0x28c: {  	v5 =	vor.u32 v2, v5;
	v6 =	vor.u32 v48, v6;
	v7 =	vor.u32 v10, v7  }
0x28d: {  	v4 =	vor.u32 v4, v9;
	v6 =	vor.u32 v2, v6;
	v7 =	vor.u32 v48, v7  }
0x28e: {  	v4 =	vor.u32 v48, v4;
	v7 =	vor.u32 v2, v7  }
0x28f: {  	v4 =	vor.u32 v2, v4;
	_ =	sdelay $0x1  }
0x290: {  	[tilespmem:v5+s25+$0x0] =	vst.idx.msk $0xffff, v3  }
0x291: {  	[tilespmem:v6+s25+$0x0] =	vst.idx.msk $0xffff, v3  }
0x292: {  	[tilespmem:v7+s25+$0x0] =	vst.idx.msk $0xffff, v3  }
0x293: {  	[tilespmem:v4+s25+$0x0] =	vst.idx.msk $0xffff, v3  }
0x294: {  	v4 =	vld [tilespmem:s11+$0x0];
	_ =	sdelay $0x4  }
0x295: {  	v5 =	vand.u32 $0x38, v4;
	v55 =	vshll.u32 v4, $0x7  }
0x296: {  	v56 =	vshrl.u32 v4, $0x8;
	v58 =	vshrl.u32 v4, $0x1;
	v59 =	vshrl.u32 v4, $0x10  }
0x297: {  	v61 =	vshrl.u32 v4, $0x9;
	v62 =	vshrl.u32 v4, $0x18;
	v4 =	vshrl.u32 v4, $0x11  }
0x298: {  	v5 =	vadd.s32 s12, v5;
	v6 =	vand.u32 $0x380, v55;
	v57 =	vand.u32 $0x38, v56  }
0x299: {  	v7 =	vand.u32 $0x380, v58;
	v9 =	vand.u32 $0x38, v59;
	v5 =	vshll.u32 v5, $0xA  }
0x29a: {  	v63 =	vand.u32 $0x38, v62;
	v5 =	vor.u32 v6, v5;
	v6 =	vadd.s32 s12, v57  }
0x29b: {  	v4 =	vand.u32 $0x380, v4;
	v60 =	vadd.s32 s12, v9;
	v6 =	vshll.u32 v6, $0xA  }
0x29c: {  	v9 =	vand.u32 $0x380, v61;
	v6 =	vor.u32 v7, v6;
	v7 =	vshll.u32 v60, $0xA  }
0x29d: {  	v5 =	vor.u32 v48, v5;
	v7 =	vor.u32 v9, v7;
	v9 =	vadd.s32 s12, v63  }
0x29e: {  	v5 =	vor.u32 v2, v5;
	v6 =	vor.u32 v48, v6;
	v9 =	vshll.u32 v9, $0xA  }
0x29f: {  	v6 =	vor.u32 v2, v6;
	v7 =	vor.u32 v48, v7;
	v4 =	vor.u32 v4, v9  }
0x2a0: {  	v7 =	vor.u32 v2, v7;
	v4 =	vor.u32 v48, v4  }
0x2a1: {  	p0 =	slt.u32 s9, $0x3C;
	v4 =	vor.u32 v2, v4  }
.Ltmp2:
0x2a2: {  	_ = 	snop;
	(pc) =	sbr.rel @p0 .LBB2_6-.Ltmp2, $4  }
0x2a3: {  	[tilespmem:v5+s25+$0x0] =	vst.idx.msk $0xffff, v3  }
0x2a4: {  	[tilespmem:v6+s25+$0x0] =	vst.idx.msk $0xffff, v3  }
0x2a5: {  	[tilespmem:v7+s25+$0x0] =	vst.idx.msk $0xffff, v3  }
0x2a6: {  	s30 =	sadd.s32 $0x40, s30;
	s10 =	sadd.s32 $0x40, s10;
	s11 =	sadd.s32 $0x40, s11;
	[tilespmem:v4+s25+$0x0] =	vst.idx.msk $0xffff, v3  }
0x2a7: {  	s3 =	simm.s32 $0x1C00  }
0x2a8: {  	[hbm4b:s14+s2] =	stream.linear.scatter [tilespmem:s3], [sflag:$0x3], $0x1000, $0x38;
	[tilespmem:$0x10C00] =	vst v63  }
0x2a9: {  	s12 =	simm.s32 $0x3C00  }
0x2aa: {  	[hbm4b:s15+s2] =	stream.linear.scatter [tilespmem:s12], [sflag:$0x3], $0x1000, $0x38;
	[tilespmem:$0x10C00] =	vst v63  }
0x2ab: {  	s30 =	simm.s32 $0x5C00  }
0x2ac: {  	[hbm4b:s16+s2] =	stream.linear.scatter [tilespmem:s30], [sflag:$0x3], $0x1000, $0x38;
	[tilespmem:$0x10C00] =	vst v63  }
0x2ad: {  	s9 =	simm.s32 $0x7C00  }
0x2ae: {  	[hbm4b:s17+s2] =	stream.linear.scatter [tilespmem:s9], [sflag:$0x3], $0x1000, $0x38;
	[tilespmem:$0x10C00] =	vst v63  }
0x2af: {  	s10 =	simm.s32 $0x9C00  }
0x2b0: {  	[hbm4b:s18+s2] =	stream.linear.scatter [tilespmem:s10], [sflag:$0x3], $0x1000, $0x38;
	[tilespmem:$0x10C00] =	vst v63  }
0x2b1: {  	s11 =	simm.s32 $0xBC00  }
0x2b2: {  	[hbm4b:s19+s2] =	stream.linear.scatter [tilespmem:s11], [sflag:$0x3], $0x1000, $0x38;
	[tilespmem:$0x10C00] =	vst v63  }
0x2b3: {  	s12 =	simm.s32 $0xDC00  }
0x2b4: {  	[hbm4b:s20+s2] =	stream.linear.scatter [tilespmem:s12], [sflag:$0x3], $0x1000, $0x38;
	[tilespmem:$0x10C00] =	vst v63  }
0x2b5: {  	s30 =	simm.s32 $0xFC00  }
0x2b6: {  	[hbm4b:s21+s2] =	stream.linear.scatter [tilespmem:s30], [sflag:$0x3], $0x1000, $0x38;
	[tilespmem:$0x10C00] =	vst v63  }
0x2b7: {  	_ =	swait.ge [sflag:s7], $0x1000  }
0x2b8: {  	[sflag:s7] =	ssyncset.done $0x0  }
0x2b9: {  	[sflag:s7] =	ssyncadd.s32 $0xFFFFF000  }
0x2ba: {  	_ =	swait.ge [sflag:s7], $0x1000  }
0x2bb: {  	[sflag:s7] =	ssyncset.done $0x0  }
0x2bc: {  	[sflag:s7] =	ssyncadd.s32 $0xFFFFF000  }
0x2bd: {  	_ =	swait.ge [sflag:s7], $0x1000  }
0x2be: {  	[sflag:s7] =	ssyncset.done $0x0  }
0x2bf: {  	[sflag:s7] =	ssyncadd.s32 $0xFFFFF000  }
0x2c0: {  	_ =	swait.ge [sflag:s7], $0x1000  }
0x2c1: {  	[sflag:s7] =	ssyncset.done $0x0  }
0x2c2: {  	[sflag:s7] =	ssyncadd.s32 $0xFFFFF000  }
0x2c3: {  	_ =	swait.ge [sflag:s7], $0x1000  }
0x2c4: {  	[sflag:s7] =	ssyncset.done $0x0  }
0x2c5: {  	[sflag:s7] =	ssyncadd.s32 $0xFFFFF000  }
0x2c6: {  	_ =	swait.ge [sflag:s7], $0x1000  }
0x2c7: {  	[sflag:s7] =	ssyncset.done $0x0  }
0x2c8: {  	[sflag:s7] =	ssyncadd.s32 $0xFFFFF000  }
0x2c9: {  	_ =	swait.ge [sflag:s7], $0x1000  }
0x2ca: {  	[sflag:s7] =	ssyncset.done $0x0  }
0x2cb: {  	[sflag:s7] =	ssyncadd.s32 $0xFFFFF000  }
0x2cc: {  	_ =	swait.ge [sflag:s7], $0x1000  }
0x2cd: {  	[sflag:s7] =	ssyncset.done $0x0  }
0x2ce: {  	[sflag:s7] =	ssyncadd.s32 $0xFFFFF000  }
0x2cf: {  	_ =	swait.ge [sflag:s7], $0x1000  }
0x2d0: {  	[sflag:s7] =	ssyncset.done $0x0  }
0x2d1: {  	[sflag:s7] =	ssyncadd.s32 $0xFFFFF000  }
0x2d2: {  	_ =	swait.ge [sflag:s7], $0x1000  }
0x2d3: {  	[sflag:s7] =	ssyncset.done $0x0  }
0x2d4: {  	[sflag:s7] =	ssyncadd.s32 $0xFFFFF000  }
0x2d5: {  	_ =	swait.ge [sflag:s7], $0x1000  }
0x2d6: {  	[sflag:s7] =	ssyncset.done $0x0  }
0x2d7: {  	[sflag:s7] =	ssyncadd.s32 $0xFFFFF000  }
0x2d8: {  	_ =	swait.ge [sflag:s7], $0x1000  }
0x2d9: {  	[sflag:s7] =	ssyncset.done $0x0  }
0x2da: {  	[sflag:s7] =	ssyncadd.s32 $0xFFFFF000  }
0x2db: {  	_ =	swait.ge [sflag:s7], $0x1000  }
0x2dc: {  	[sflag:s7] =	ssyncset.done $0x0  }
0x2dd: {  	[sflag:s7] =	ssyncadd.s32 $0xFFFFF000  }
0x2de: {  	_ =	swait.ge [sflag:s7], $0x1000  }
0x2df: {  	[sflag:s7] =	ssyncset.done $0x0  }
0x2e0: {  	s8 =	sadd.s32 $0x1, s8;
	[sflag:s7] =	ssyncadd.s32 $0xFFFFF000  }
0x2e1: {  	p0 =	sne.s32 s8, s22;
	_ =	swait.ge [sflag:s7], $0x1000  }
.Ltmp3:
0x2e2: {  	[sflag:s7] =	ssyncset.done $0x0;
	(pc) =	sbr.rel @p0 .LBB2_1-.Ltmp3, $4  }
0x2e3: {  	[sflag:s7] =	ssyncadd.s32 $0xFFFFF000  }
0x2e4: {  	_ =	swait.ge [sflag:s7], $0x1000  }
0x2e5: {  	[sflag:s7] =	ssyncset.done $0x0  }
0x2e6: {  	[sflag:s7] =	ssyncadd.s32 $0xFFFFF000  }
0x2e7: {  	_ =	sfence.sel $0x180000  }
0x2e8: {  	[bflag:$0x0] =	sbarrier.arrive $0xFFFF  }
0x2e9: {  	_ =	strace $0x90000047  }
0x2ea: {  	s0 =	stileid.u32;
	[bflag:$0x2] =	sbarrier.arrive $0xFFFF  }
0x2eb: {  	p0 =	sne.s32 s0, $0x0;
	s0 =	rddreg [dreg:$0x3]  }
0x2ec: {  	s0 =	sadd.s32 @!p0 $0x100000, s0  }
0x2ed: {  	[sflag:s0] =	ssyncadd.tile.s32 @!p0 $0x1;
	_ =	shalt  }
.Lfunc_end2:
_tile_overlayer_lowered:
.L_overlay_start_2:
0x2ee: {  	(tag) =	ssettag $0x2  }
0x2ef: {  	s0 =	rddreg [dreg:$0x0];
	s2 =	stileid.u32  }
0x2f0: {  	s1 =	rddreg [dreg:$0x1];
	p0 =	sne.s32 s2, $0x0  }
0x2f1: {  	s3 =	rddreg [dreg:$0x2];
	[bflag:$0x3] =	sbarrier.arrive $0xFFFF;
	s2 =	simm.s32 @!p0 $0x1C04  }
0x2f2: {  	[timem:s3], [sflag:s2] =	dma.local @!p0 [hbm:s0], s1  }
0x2f3: {  	s0 =	simm.s32 @!p0 $0x4  }
0x2f4: {  	_ =	swait.ge @!p0 [sflag:s0], s1  }
0x2f5: {  	s1 =	ssub.s32 @!p0 $0x0, s1;
	[sflag:s0] =	ssyncset.done @!p0 $0x0  }
0x2f6: {  	[sflag:s0] =	ssyncadd.s32 @!p0 s1  }
0x2f7: {  	[bflag:$0x3] =	sbarrier.arrive $0xFFFF  }
0x2f8: {  	_ =	shalt  }

</sc_bundles>
